<compile_context>
chip_gen: v7x
topology: tpu7x:2x2x1
jax: 0.10.2.dev20260603
libtpu: 0.0.44.dev20260713+nightly
codegen_flags: <defaults>
</compile_context>

<pallas_src>
import functools

import jax
import jax.numpy as jnp
from jax import lax
from jax.experimental import pallas as pl
from jax.experimental.pallas import tpu as pltpu
from jax.experimental.pallas import tpu_sc as plsc

N_PAPER = 50000
N_AUTHOR = 50000
E = 300000
D = 128

NP_PAD = 50176
NR = 8
RANGE = NP_PAD // NR
TRASH = RANGE
EP_PAD = 311296
EDGE_ROWS = EP_PAD // 128
ROWS_PER_TILE = EDGE_ROWS // 16
SCAN_ITERS = ROWS_PER_TILE * 8
SP_ROWS = 6400
DEG_BINS = 7168


def _sc_body(src_hbm, dst_hbm, x_hbm, agg_hbm, deg_hbm,
             src_v, dst_v, rows_v, zbuf, zero1, ones_v, cnt_v,
             sp_agg, sp_deg, sem):
    cid = lax.axis_index("c")
    sid = lax.axis_index("s")
    t0 = sid * ROWS_PER_TILE
    iota = lax.iota(jnp.int32, 16)
    zero16i = jnp.zeros((16,), jnp.int32)
    one16i = jnp.full((16,), 1, jnp.int32)

    for k in range(8):
        ones_v[pl.ds(16 * k, 16)] = jnp.ones((16,), jnp.float32)

    def _z2(i, _):
        r = i // 8
        c = (i % 8) * 16
        zbuf[r, pl.ds(c, 16)] = jnp.zeros((16,), jnp.float32)
        return 0
    lax.fori_loop(0, 1024, _z2, 0)

    def _z1(i, _):
        zero1[pl.ds(i * 16, 16)] = jnp.zeros((16,), jnp.float32)
        return 0
    lax.fori_loop(0, (DEG_BINS // 16) // 16, _z1, 0)

    for p in range(4):
        base = (4 * cid + p) * RANGE

        z0 = sid * (SP_ROWS // 16)
        for k in range(3):
            pltpu.sync_copy(zbuf, sp_agg.at[pl.ds(z0 + 128 * k, 128)])
        pltpu.sync_copy(zbuf.at[pl.ds(0, 16)], sp_agg.at[pl.ds(z0 + 384, 16)])
        pltpu.sync_copy(zero1, sp_deg.at[pl.ds(sid * (DEG_BINS // 16),
                                               DEG_BINS // 16)])
        plsc.subcore_barrier()

        pltpu.sync_copy(src_hbm.at[pl.ds(t0, ROWS_PER_TILE)], src_v)
        pltpu.sync_copy(dst_hbm.at[pl.ds(t0, ROWS_PER_TILE)], dst_v)

        basev = jnp.full((16,), base, jnp.int32)
        topv = jnp.full((16,), base + RANGE, jnp.int32)
        cnt_v[pl.ds(0, 16)] = zero16i

        def _scan(i, _):
            r = i // 8
            c = (i % 8) * 16
            s16 = src_v[r, pl.ds(c, 16)]
            d16 = dst_v[r, pl.ds(c, 16)]
            loc = d16 - basev
            mask = (d16 >= basev) & (d16 < topv)
            mi = jnp.where(mask, one16i, zero16i)
            nv = cnt_v[pl.ds(0, 16)]
            pos = nv + plsc.cumsum(mi) - 1
            plsc.store_scatter(src_v, [pos >> 7, pos & 127], s16, mask=mask)
            plsc.store_scatter(dst_v, [pos >> 7, pos & 127], loc, mask=mask)
            cnt_v[pl.ds(0, 16)] = nv + plsc.all_reduce_population_count(mask)
            return 0

        lax.fori_loop(0, SCAN_ITERS, _scan, 0)

        nv = cnt_v[pl.ds(0, 16)]
        nbv = (nv + 127) >> 7
        endv = nbv * 128
        for k in range(8):
            pos = nv + 16 * k + iota
            m = pos < endv
            plsc.store_scatter(src_v, [pos >> 7, pos & 127], zero16i, mask=m)
            plsc.store_scatter(dst_v, [pos >> 7, pos & 127],
                               jnp.full((16,), TRASH, jnp.int32), mask=m)

        def _cond(j):
            nb2 = (cnt_v[pl.ds(0, 16)] + 127) >> 7
            return jnp.any(jnp.full((16,), j, jnp.int32) < nb2)

        def _blk(j):
            pltpu.async_copy(x_hbm.at[src_v.at[j]], rows_v, sem).wait()
            pltpu.sync_copy(rows_v, sp_agg.at[dst_v.at[j]], add=True)
            pltpu.sync_copy(ones_v, sp_deg.at[dst_v.at[j]], add=True)
            return j + 1

        lax.while_loop(_cond, _blk, jnp.int32(0))
        plsc.subcore_barrier()

        o0 = sid * (RANGE // 16)
        pltpu.sync_copy(sp_agg.at[pl.ds(o0, RANGE // 16)],
                        agg_hbm.at[pl.ds(base + o0, RANGE // 16)])

        @pl.when(sid == 0)
        def _():
            pltpu.sync_copy(sp_deg.at[pl.ds(0, RANGE)],
                            deg_hbm.at[pl.ds(base, RANGE)])
        plsc.subcore_barrier()


_sc_segsum = functools.partial(
    pl.kernel,
    out_type=[
        jax.ShapeDtypeStruct((NP_PAD, D), jnp.float32),
        jax.ShapeDtypeStruct((NP_PAD,), jnp.float32),
    ],
    mesh=plsc.VectorSubcoreMesh(core_axis_name="c", subcore_axis_name="s"),
    compiler_params=pltpu.CompilerParams(needs_layout_passes=False),
    scratch_types=[
        pltpu.VMEM((ROWS_PER_TILE, 128), jnp.int32),
        pltpu.VMEM((ROWS_PER_TILE, 128), jnp.int32),
        pltpu.VMEM((128, D), jnp.float32),
        pltpu.VMEM((128, D), jnp.float32),
        pltpu.VMEM((DEG_BINS // 16,), jnp.float32),
        pltpu.VMEM((128,), jnp.float32),
        pltpu.VMEM((16,), jnp.int32),
        pltpu.VMEM_SHARED((SP_ROWS, D), jnp.float32),
        pltpu.VMEM_SHARED((DEG_BINS,), jnp.float32),
        pltpu.SemaphoreType.DMA,
    ],
)(_sc_body)


def _elu(x):
    return jnp.where(x > 0, x, jnp.exp(x) - 1.0)


def _tc_body(x_ref, agg_ref, deg_ref, wself_ref, bself_ref, wconv_ref,
             bconv_ref, wk_ref, bk_ref, wq_ref, bq_ref, walT_ref, bal_ref,
             warT_ref, bar_ref, wcls_ref, bcls_ref, out_ref):
    f32 = jnp.float32

    def dot(a, b):
        return jnp.dot(a, b, preferred_element_type=f32)

    def dotT(a, b):
        return lax.dot_general(a, b, (((1,), (1,)), ((), ())),
                               preferred_element_type=f32)

    x = x_ref[...]
    ag = agg_ref[...]
    degrow = deg_ref[0]
    z = dot(x, wself_ref[...]) + bself_ref[...]
    conv = dot(ag, wconv_ref[...])
    rdeg = 1.0 / jnp.maximum(degrow, 1.0)
    ri = lax.broadcasted_iota(jnp.int32, (128, 128), 0)
    ci = lax.broadcasted_iota(jnp.int32, (128, 128), 1)
    eye = (ri == ci).astype(f32)
    rdeg_col = dotT(eye, rdeg)
    d = conv * rdeg_col + bconv_ref[...]
    u1 = dotT(wk_ref[...], walT_ref[...])
    c1 = jnp.sum(bk_ref[...] * walT_ref[...]) + bal_ref[0, 0]
    u2 = dotT(wq_ref[...], warT_ref[...])
    c2 = jnp.sum(bq_ref[...] * warT_ref[...]) + bar_ref[0, 0]
    hr = dot(z, u2) + c2
    a0 = _elu(dot(z, u1) + c1 + hr)
    a1 = _elu(dot(d, u1) + c1 + hr)
    mx = jnp.maximum(a0, a1)
    e0 = jnp.exp(a0 - mx)
    e1 = jnp.exp(a1 - mx)
    inv = 1.0 / (e0 + e1)
    rst = z * (e0 * inv) + d * (e1 * inv)
    out_ref[...] = dot(rst, wcls_ref[...]) + bcls_ref[...]


def _tc_fused(xp, agg, deg3d, wself, bself, wconv, bconv, wk, bk, wq, bq,
              walT, bal, warT, bar, wcls, bcls):
    nblk = NP_PAD // 128
    full = lambda shape: pl.BlockSpec(shape, lambda i: (0, 0))
    return pl.pallas_call(
        _tc_body,
        grid=(nblk,),
        in_specs=[
            pl.BlockSpec((128, D), lambda i: (i, 0)),
            pl.BlockSpec((128, D), lambda i: (i, 0)),
            pl.BlockSpec((1, 1, 128), lambda i: (i, 0, 0)),
            full((D, D)), full((1, D)), full((D, D)), full((1, D)),
            full((D, D)), full((1, D)), full((D, D)), full((1, D)),
            full((1, D)),
            pl.BlockSpec(memory_space=pltpu.SMEM),
            full((1, D)),
            pl.BlockSpec(memory_space=pltpu.SMEM),
            full((D, 16)), full((1, 16)),
        ],
        out_specs=pl.BlockSpec((128, 16), lambda i: (i, 0)),
        out_shape=jax.ShapeDtypeStruct((NP_PAD, 16), jnp.float32),
    )(xp, agg, deg3d, wself, bself, wconv, bconv, wk, bk, wq, bq,
      walT, bal, warT, bar, wcls, bcls)


def kernel(x_paper, x_author, edge_index_writes, edge_index_written_by,
           Wself_paper, bself_paper, Wself_author, bself_author,
           Wq_paper, bq_paper, Wk_paper, bk_paper,
           Wq_author, bq_author, Wk_author, bk_author,
           Wal_paper, bal_paper, Wal_author, bal_author,
           War_paper, bar_paper, War_author, bar_author,
           Wconv_writes, bconv_writes, Wconv_written_by, bconv_written_by,
           Wcls, bcls):
    xp = jnp.pad(x_paper, ((0, NP_PAD - N_PAPER), (0, 0)))
    src = jnp.pad(edge_index_writes[0], (0, EP_PAD - E)).reshape(EDGE_ROWS, 128)
    dst = jnp.pad(edge_index_writes[1], (0, EP_PAD - E),
                  constant_values=jnp.int32(1 << 30)).reshape(EDGE_ROWS, 128)
    agg, deg = _sc_segsum(src, dst, x_author)
    logits = _tc_fused(
        xp, agg, deg.reshape(NP_PAD // 128, 1, 128),
        Wself_paper, bself_paper.reshape(1, D),
        Wconv_writes, bconv_writes.reshape(1, D),
        Wk_paper, bk_paper.reshape(1, D),
        Wq_paper, bq_paper.reshape(1, D),
        Wal_paper.reshape(1, D), bal_paper.reshape(1, 1),
        War_paper.reshape(1, D), bar_paper.reshape(1, 1),
        Wcls, bcls.reshape(1, 16))
    return logits[:N_PAPER]

# --- scband reference (transcript-rebuilt; emitter-appended) ---
"""Pipeline reference for scband-ie-hgcn-5583457485247 (READ-ONLY COPY).

The authoritative reference and input builder live on the scoring server;
editing this copy changes nothing except your own understanding.
"""

import jax, jax.numpy as jnp
import numpy as np

N_PAPER = 50000
N_AUTHOR = 50000
E = 300000
D_IN = 128
D_OUT = 128
D_ATTN = 128
N_CLASSES = 16


def _graph_conv(x_src, edge_index, W, b, num_dst):
    # DGL GraphConv(norm='right', weight=True, bias=True, allow_zero_in_degree=True)
    m = x_src @ W
    src = edge_index[0]
    dst = edge_index[1]
    agg = jax.ops.segment_sum(m[src], dst, num_segments=num_dst)
    ones = jnp.ones((edge_index.shape[1],), dtype=m.dtype)
    deg = jax.ops.segment_sum(ones, dst, num_segments=num_dst)
    deg = jnp.maximum(deg, 1.0)
    return agg / deg[:, None] + b


def setup_inputs(seed: int = 0):
    key = jax.random.key(seed)
    ks = jax.random.split(key, 40)
    s = 0.02
    inp = {}
    inp['x_paper'] = jax.random.normal(ks[0], (N_PAPER, D_IN), dtype=jnp.float32)
    inp['x_author'] = jax.random.normal(ks[1], (N_AUTHOR, D_IN), dtype=jnp.float32)
    # canonical etypes: (author, writes, paper), (paper, written_by, author)
    inp['edge_index_writes'] = jnp.stack([
        jax.random.randint(ks[2], (E,), 0, N_AUTHOR, dtype=jnp.int32),
        jax.random.randint(ks[3], (E,), 0, N_PAPER, dtype=jnp.int32)])
    inp['edge_index_written_by'] = jnp.stack([
        jax.random.randint(ks[4], (E,), 0, N_PAPER, dtype=jnp.int32),
        jax.random.randint(ks[5], (E,), 0, N_AUTHOR, dtype=jnp.int32)])
    # W_self (HeteroLinear per ntype)
    inp['Wself_paper'] = s * jax.random.normal(ks[6], (D_IN, D_OUT), dtype=jnp.float32)
    inp['bself_paper'] = jnp.zeros((D_OUT,), dtype=jnp.float32)
    inp['Wself_author'] = s * jax.random.normal(ks[7], (D_IN, D_OUT), dtype=jnp.float32)
    inp['bself_author'] = jnp.zeros((D_OUT,), dtype=jnp.float32)
    # linear_q / linear_k per ntype
    inp['Wq_paper'] = s * jax.random.normal(ks[8], (D_OUT, D_ATTN), dtype=jnp.float32)
    inp['bq_paper'] = jnp.zeros((D_ATTN,), dtype=jnp.float32)
    inp['Wk_paper'] = s * jax.random.normal(ks[9], (D_OUT, D_ATTN), dtype=jnp.float32)
    inp['bk_paper'] = jnp.zeros((D_ATTN,), dtype=jnp.float32)
    inp['Wq_author'] = s * jax.random.normal(ks[10], (D_OUT, D_ATTN), dtype=jnp.float32)
    inp['bq_author'] = jnp.zeros((D_ATTN,), dtype=jnp.float32)
    inp['Wk_author'] = s * jax.random.normal(ks[11], (D_OUT, D_ATTN), dtype=jnp.float32)
    inp['bk_author'] = jnp.zeros((D_ATTN,), dtype=jnp.float32)
    # W_al / W_ar (HeteroLinear attn_size -> 1 per ntype)
    inp['Wal_paper'] = s * jax.random.normal(ks[12], (D_ATTN, 1), dtype=jnp.float32)
    inp['bal_paper'] = jnp.zeros((1,), dtype=jnp.float32)
    inp['Wal_author'] = s * jax.random.normal(ks[13], (D_ATTN, 1), dtype=jnp.float32)
    inp['bal_author'] = jnp.zeros((1,), dtype=jnp.float32)
    inp['War_paper'] = s * jax.random.normal(ks[14], (D_ATTN, 1), dtype=jnp.float32)
    inp['bar_paper'] = jnp.zeros((1,), dtype=jnp.float32)
    inp['War_author'] = s * jax.random.normal(ks[15], (D_ATTN, 1), dtype=jnp.float32)
    inp['bar_author'] = jnp.zeros((1,), dtype=jnp.float32)
    # GraphConv weights per etype
    inp['Wconv_writes'] = s * jax.random.normal(ks[16], (D_IN, D_OUT), dtype=jnp.float32)
    inp['bconv_writes'] = jnp.zeros((D_OUT,), dtype=jnp.float32)
    inp['Wconv_written_by'] = s * jax.random.normal(ks[17], (D_IN, D_OUT), dtype=jnp.float32)
    inp['bconv_written_by'] = jnp.zeros((D_OUT,), dtype=jnp.float32)
    # classifier
    inp['Wcls'] = s * jax.random.normal(ks[18], (D_OUT, N_CLASSES), dtype=jnp.float32)
    inp['bcls'] = jnp.zeros((N_CLASSES,), dtype=jnp.float32)
    return inp


def reference(x_paper, x_author, edge_index_writes, edge_index_written_by,
              Wself_paper, bself_paper, Wself_author, bself_author,
              Wq_paper, bq_paper, Wk_paper, bk_paper,
              Wq_author, bq_author, Wk_author, bk_author,
              Wal_paper, bal_paper, Wal_author, bal_author,
              War_paper, bar_paper, War_author, bar_author,
              Wconv_writes, bconv_writes, Wconv_written_by, bconv_written_by,
              Wcls, bcls):
    elu = jax.nn.elu
    # W_self
    z_p = x_paper @ Wself_paper + bself_paper
    z_a = x_author @ Wself_author + bself_author
    # query/key per ntype
    q_p = z_p @ Wq_paper + bq_paper
    k_p = z_p @ Wk_paper + bk_paper
    q_a = z_a @ Wq_author + bq_author
    k_a = z_a @ Wk_author + bk_author
    hl_p = k_p @ Wal_paper + bal_paper
    hr_p = q_p @ War_paper + bar_paper
    hl_a = k_a @ Wal_author + bal_author
    hr_a = q_a @ War_author + bar_author
    att_p0 = elu(hl_p + hr_p)
    att_a0 = elu(hl_a + hr_a)
    # relation (author, writes, paper)
    d_wp = _graph_conv(x_author, edge_index_writes, Wconv_writes, bconv_writes, x_paper.shape[0])
    attn_kp = d_wp @ Wk_paper + bk_paper
    h_attn_p = attn_kp @ Wal_paper + bal_paper
    att_p1 = elu(h_attn_p + hr_p)
    # relation (paper, written_by, author)
    d_wa = _graph_conv(x_paper, edge_index_written_by, Wconv_written_by, bconv_written_by, x_author.shape[0])
    attn_ka = d_wa @ Wk_author + bk_author
    h_attn_a = attn_ka @ Wal_author + bal_author
    att_a1 = elu(h_attn_a + hr_a)
    # softmax over relation axis (incl. self)
    att_p = jax.nn.softmax(jnp.stack([att_p0, att_p1], axis=0), axis=0)
    att_a = jax.nn.softmax(jnp.stack([att_a0, att_a1], axis=0), axis=0)
    rst_p = z_p * att_p[0] + d_wp * att_p[1]
    rst_a = z_a * att_a[0] + d_wa * att_a[1]
    # single layer -> classifier on target ntype 'paper'
    logits = rst_p @ Wcls + bcls
    return logits

if __name__ == "__main__":
    import jax
    _d = setup_inputs()
    print(jax.jit(kernel)(*tuple(_d.values())))

</pallas_src>

<mosaic_0001>
#map = affine_map<(d0, d1) -> (0, 0)>
#map1 = affine_map<(d0, d1) -> (0)>
module attributes {stable_mosaic.version = 14 : i64} {
  func.func @_sc_body(%arg0: i32, %arg1: i32, %arg2: memref<2432x128xi32, #tpu.memory_space<hbm>>, %arg3: memref<2432x128xi32, #tpu.memory_space<hbm>>, %arg4: memref<50000x128xf32, #tpu.memory_space<hbm>>, %arg5: memref<50176x128xf32, #tpu.memory_space<hbm>>, %arg6: memref<50176xf32, #tpu.memory_space<hbm>>, %arg7: memref<152x128xi32, #tpu.memory_space<vmem>>, %arg8: memref<152x128xi32, #tpu.memory_space<vmem>>, %arg9: memref<128x128xf32, #tpu.memory_space<vmem>>, %arg10: memref<128x128xf32, #tpu.memory_space<vmem>>, %arg11: memref<448xf32, #tpu.memory_space<vmem>>, %arg12: memref<128xf32, #tpu.memory_space<vmem>>, %arg13: memref<16xi32, #tpu.memory_space<vmem>>, %arg14: memref<6400x128xf32, #tpu.memory_space<vmem_shared>>, %arg15: memref<7168xf32, #tpu.memory_space<vmem_shared>>, %arg16: memref<!tpu.dma_semaphore, #tpu.memory_space<semaphore_mem>>) attributes {dimension_semantics = [#tpu.dimension_semantics<core_parallel>, #tpu.dimension_semantics<subcore_parallel>], iteration_bounds = array<i64: 2, 16>, scalar_prefetch = 0 : i64, scratch_operands = 10 : i64, tpu.core_type = #tpu.core_type<sc_vector_subcore>, window_params = [{transform_indices = #map}, {transform_indices = #map}, {transform_indices = #map}, {transform_indices = #map}, {transform_indices = #map1}]} {
    %mul3A = arith.constant 152 : i32
    %mul3A_0 = arith.muli %arg1, %mul3A : i32
    %iota3A = tpu.iota {dimensions = array<i32: 0>} : vector<16xi32>
    %broadcast_in_dim3A = arith.constant 0 : i32
    %broadcast_in_dim3A_1 = vector.broadcast %broadcast_in_dim3A : i32 to vector<16xi32>
    %broadcast_in_dim3A_2 = arith.constant 1 : i32
    %broadcast_in_dim3A_3 = vector.broadcast %broadcast_in_dim3A_2 : i32 to vector<16xi32>
    %broadcast_in_dim3A_4 = arith.constant 1.000000e+00 : f32
    %broadcast_in_dim3A_5 = vector.broadcast %broadcast_in_dim3A_4 : f32 to vector<16xf32>
    %swap3A = arith.constant 0 : index
    %swap3A_6 = tpu.vector_load %arg12[%swap3A] {strides = array<i32>} : memref<128xf32, #tpu.memory_space<vmem>>, vector<16xf32>,
    tpu.vector_store %arg12[%swap3A], %broadcast_in_dim3A_5 {strides = array<i32>} : memref<128xf32, #tpu.memory_space<vmem>>, vector<16xf32>,
    %broadcast_in_dim3A_7 = arith.constant 1.000000e+00 : f32
    %broadcast_in_dim3A_8 = vector.broadcast %broadcast_in_dim3A_7 : f32 to vector<16xf32>
    %swap3A_9 = arith.constant 16 : index
    %swap3A_10 = tpu.vector_load %arg12[%swap3A_9] {strides = array<i32>} : memref<128xf32, #tpu.memory_space<vmem>>, vector<16xf32>,
    tpu.vector_store %arg12[%swap3A_9], %broadcast_in_dim3A_8 {strides = array<i32>} : memref<128xf32, #tpu.memory_space<vmem>>, vector<16xf32>,
    %broadcast_in_dim3A_11 = arith.constant 1.000000e+00 : f32
    %broadcast_in_dim3A_12 = vector.broadcast %broadcast_in_dim3A_11 : f32 to vector<16xf32>
    %swap3A_13 = arith.constant 32 : index
    %swap3A_14 = tpu.vector_load %arg12[%swap3A_13] {strides = array<i32>} : memref<128xf32, #tpu.memory_space<vmem>>, vector<16xf32>,
    tpu.vector_store %arg12[%swap3A_13], %broadcast_in_dim3A_12 {strides = array<i32>} : memref<128xf32, #tpu.memory_space<vmem>>, vector<16xf32>,
    %broadcast_in_dim3A_15 = arith.constant 1.000000e+00 : f32
    %broadcast_in_dim3A_16 = vector.broadcast %broadcast_in_dim3A_15 : f32 to vector<16xf32>
    %swap3A_17 = arith.constant 48 : index
    %swap3A_18 = tpu.vector_load %arg12[%swap3A_17] {strides = array<i32>} : memref<128xf32, #tpu.memory_space<vmem>>, vector<16xf32>,
    tpu.vector_store %arg12[%swap3A_17], %broadcast_in_dim3A_16 {strides = array<i32>} : memref<128xf32, #tpu.memory_space<vmem>>, vector<16xf32>,
    %broadcast_in_dim3A_19 = arith.constant 1.000000e+00 : f32
    %broadcast_in_dim3A_20 = vector.broadcast %broadcast_in_dim3A_19 : f32 to vector<16xf32>
    %swap3A_21 = arith.constant 64 : index
    %swap3A_22 = tpu.vector_load %arg12[%swap3A_21] {strides = array<i32>} : memref<128xf32, #tpu.memory_space<vmem>>, vector<16xf32>,
    tpu.vector_store %arg12[%swap3A_21], %broadcast_in_dim3A_20 {strides = array<i32>} : memref<128xf32, #tpu.memory_space<vmem>>, vector<16xf32>,
    %broadcast_in_dim3A_23 = arith.constant 1.000000e+00 : f32
    %broadcast_in_dim3A_24 = vector.broadcast %broadcast_in_dim3A_23 : f32 to vector<16xf32>
    %swap3A_25 = arith.constant 80 : index
    %swap3A_26 = tpu.vector_load %arg12[%swap3A_25] {strides = array<i32>} : memref<128xf32, #tpu.memory_space<vmem>>, vector<16xf32>,
    tpu.vector_store %arg12[%swap3A_25], %broadcast_in_dim3A_24 {strides = array<i32>} : memref<128xf32, #tpu.memory_space<vmem>>, vector<16xf32>,
    %broadcast_in_dim3A_27 = arith.constant 1.000000e+00 : f32
    %broadcast_in_dim3A_28 = vector.broadcast %broadcast_in_dim3A_27 : f32 to vector<16xf32>
    %swap3A_29 = arith.constant 96 : index
    %swap3A_30 = tpu.vector_load %arg12[%swap3A_29] {strides = array<i32>} : memref<128xf32, #tpu.memory_space<vmem>>, vector<16xf32>,
    tpu.vector_store %arg12[%swap3A_29], %broadcast_in_dim3A_28 {strides = array<i32>} : memref<128xf32, #tpu.memory_space<vmem>>, vector<16xf32>,
    %broadcast_in_dim3A_31 = arith.constant 1.000000e+00 : f32
    %broadcast_in_dim3A_32 = vector.broadcast %broadcast_in_dim3A_31 : f32 to vector<16xf32>
    %swap3A_33 = arith.constant 112 : index
    %swap3A_34 = tpu.vector_load %arg12[%swap3A_33] {strides = array<i32>} : memref<128xf32, #tpu.memory_space<vmem>>, vector<16xf32>,
    tpu.vector_store %arg12[%swap3A_33], %broadcast_in_dim3A_32 {strides = array<i32>} : memref<128xf32, #tpu.memory_space<vmem>>, vector<16xf32>,
    %scan3A = arith.constant 0 : i32
    %scan3A_35 = arith.constant 0 : i32
    %scan3A_36 = arith.constant 1024 : i32
    %scan3A_37 = arith.addi %scan3A_35, %scan3A_36 : i32
    %scan3A_38 = arith.constant 1 : i32
    %scan3A_39 = scf.for %scan3A_866 = %scan3A_35 to %scan3A_37 step %scan3A_38 iter_args(%scan3A_867 = %scan3A) -> (i32)  : i32 {
      %jit3A = arith.constant 8 : i32
      %div3A = arith.divsi %scan3A_866, %jit3A : i32
      %sign3A = arith.constant 0 : i32
      %sign3A_868 = arith.cmpi sgt, %scan3A_866, %sign3A : i32
      %sign3A_869 = arith.extui %sign3A_868 : i1 to i32
      %sign3A_870 = arith.constant 0 : i32
      %sign3A_871 = arith.cmpi slt, %scan3A_866, %sign3A_870 : i32
      %sign3A_872 = arith.extui %sign3A_871 : i1 to i32
      %sign3A_873 = arith.subi %sign3A_869, %sign3A_872 : i32
      %sign3A_874 = arith.constant 0 : i32
      %sign3A_875 = arith.cmpi sgt, %jit3A, %sign3A_874 : i32
      %sign3A_876 = arith.extui %sign3A_875 : i1 to i32
      %sign3A_877 = arith.constant 0 : i32
      %sign3A_878 = arith.cmpi slt, %jit3A, %sign3A_877 : i32
      %sign3A_879 = arith.extui %sign3A_878 : i1 to i32
      %sign3A_880 = arith.subi %sign3A_876, %sign3A_879 : i32
      %ne3A = arith.cmpi ne, %sign3A_873, %sign3A_880 : i32
      %rem3A = arith.remsi %scan3A_866, %jit3A : i32
      %ne3A_881 = arith.constant 0 : i32
      %ne3A_882 = arith.cmpi ne, %rem3A, %ne3A_881 : i32
      %and3A_883 = arith.andi %ne3A, %ne3A_882 : i1
      %sub3A = arith.constant 1 : i32
      %sub3A_884 = arith.subi %div3A, %sub3A : i32
      %select_n3A = arith.select %and3A_883, %sub3A_884, %div3A : i32
      %jit3A_885 = arith.constant 8 : i32
      %eq3A_886 = arith.constant 0 : i32
      %eq3A_887 = arith.cmpi eq, %jit3A_885, %eq3A_886 : i32
      %jit3A_888 = arith.constant 1 : i32
      %select_n3A_889 = arith.select %eq3A_887, %jit3A_888, %jit3A_885 : i32
      %rem3A_890 = arith.remsi %scan3A_866, %select_n3A_889 : i32
      %ne3A_891 = arith.constant 0 : i32
      %ne3A_892 = arith.cmpi ne, %rem3A_890, %ne3A_891 : i32
      %lt3A_893 = arith.constant 0 : i32
      %lt3A_894 = arith.cmpi slt, %rem3A_890, %lt3A_893 : i32
      %lt3A_895 = arith.constant 0 : i32
      %lt3A_896 = arith.cmpi slt, %select_n3A_889, %lt3A_895 : i32
      %ne3A_897 = arith.xori %lt3A_894, %lt3A_896 : i1
      %and3A_898 = arith.andi %ne3A_897, %ne3A_892 : i1
      %add3A_899 = arith.addi %rem3A_890, %select_n3A_889 : i32
      %select_n3A_900 = arith.select %and3A_898, %add3A_899, %rem3A_890 : i32
      %mul3A_901 = arith.constant 16 : i32
      %mul3A_902 = arith.muli %select_n3A_900, %mul3A_901 : i32
      %broadcast_in_dim3A_903 = arith.constant 0.000000e+00 : f32
      %broadcast_in_dim3A_904 = vector.broadcast %broadcast_in_dim3A_903 : f32 to vector<16xf32>
      %swap3A_905 = arith.index_cast %select_n3A : i32 to index
      %swap3A_906 = arith.index_cast %mul3A_902 : i32 to index
      %swap3A_907 = tpu.vector_load %arg10[%swap3A_905, %swap3A_906] {strides = array<i32>} : memref<128x128xf32, #tpu.memory_space<vmem>>, vector<16xf32>,
      tpu.vector_store %arg10[%swap3A_905, %swap3A_906], %broadcast_in_dim3A_904 {strides = array<i32>} : memref<128x128xf32, #tpu.memory_space<vmem>>, vector<16xf32>,
      %scan3A_908 = arith.constant 0 : i32
      scf.yield %scan3A_908 : i32
    }
    %scan3A_40 = arith.constant 1024 : i32
    %scan3A_41 = arith.constant 0 : i32
    %scan3A_42 = arith.constant 0 : i32
    %scan3A_43 = arith.constant 28 : i32
    %scan3A_44 = arith.addi %scan3A_42, %scan3A_43 : i32
    %scan3A_45 = arith.constant 1 : i32
    %scan3A_46 = scf.for %scan3A_866 = %scan3A_42 to %scan3A_44 step %scan3A_45 iter_args(%scan3A_867 = %scan3A_41) -> (i32)  : i32 {
      %broadcast_in_dim3A_868 = arith.constant 0.000000e+00 : f32
      %broadcast_in_dim3A_869 = vector.broadcast %broadcast_in_dim3A_868 : f32 to vector<16xf32>
      %mul3A_870 = arith.constant 16 : i32
      %mul3A_871 = arith.muli %scan3A_866, %mul3A_870 : i32
      %swap3A_872 = arith.index_cast %mul3A_871 : i32 to index
      %swap3A_873 = tpu.vector_load %arg11[%swap3A_872] {strides = array<i32>} : memref<448xf32, #tpu.memory_space<vmem>>, vector<16xf32>,
      tpu.vector_store %arg11[%swap3A_872], %broadcast_in_dim3A_869 {strides = array<i32>} : memref<448xf32, #tpu.memory_space<vmem>>, vector<16xf32>,
      %scan3A_874 = arith.constant 0 : i32
      scf.yield %scan3A_874 : i32
    }
    %scan3A_47 = arith.constant 28 : i32
    %mul3A_48 = arith.constant 4 : i32
    %mul3A_49 = arith.muli %mul3A_48, %arg0 : i32
    %add3A = arith.constant 0 : i32
    %add3A_50 = arith.addi %mul3A_49, %add3A : i32
    %mul3A_51 = arith.constant 6272 : i32
    %mul3A_52 = arith.muli %add3A_50, %mul3A_51 : i32
    %mul3A_53 = arith.constant 400 : i32
    %mul3A_54 = arith.muli %arg1, %mul3A_53 : i32
    %add3A_55 = arith.constant 0 : i32
    %add3A_56 = arith.addi %mul3A_54, %add3A_55 : i32
    "tpu.region"() ({
      %run_scoped3A = tpu.sem_alloc : memref<!tpu.dma_semaphore, #tpu.memory_space<semaphore_mem>>
      %dma_start3A = arith.constant 0 : i32
      %dma_start3A_866 = tpu.memref_slice %arg14[%add3A_56, %dma_start3A] : memref<6400x128xf32, #tpu.memory_space<vmem_shared>> -> memref<128x128xf32, #tpu.memory_space<vmem_shared>>
      %dma_start3A_867 = arith.constant 0 : i32
      %dma_start3A_868 = tpu.memref_slice %arg14[%add3A_56, %dma_start3A_867] : memref<6400x128xf32, #tpu.memory_space<vmem_shared>> -> memref<128x128xf32, #tpu.memory_space<vmem_shared>>
      tpu.enqueue_dma source(%arg10 : memref<128x128xf32, #tpu.memory_space<vmem>>) target(%dma_start3A_868 : memref<128x128xf32, #tpu.memory_space<vmem_shared>>) target_semaphore(%run_scoped3A : memref<!tpu.dma_semaphore, #tpu.memory_space<semaphore_mem>>)
      %dma_wait3A = arith.constant 0 : i32
      %dma_wait3A_869 = tpu.memref_slice %arg14[%add3A_56, %dma_wait3A] : memref<6400x128xf32, #tpu.memory_space<vmem_shared>> -> memref<128x128xf32, #tpu.memory_space<vmem_shared>>
      %dma_wait3A_870 = arith.constant 0 : i32
      %dma_wait3A_871 = tpu.memref_slice %arg14[%add3A_56, %dma_wait3A_870] : memref<6400x128xf32, #tpu.memory_space<vmem_shared>> -> memref<128x128xf32, #tpu.memory_space<vmem_shared>>
      tpu.wait_dma2 semaphore(%run_scoped3A : memref<!tpu.dma_semaphore, #tpu.memory_space<semaphore_mem>>) src(%arg10 : memref<128x128xf32, #tpu.memory_space<vmem>>) dst(%dma_wait3A_871 : memref<128x128xf32, #tpu.memory_space<vmem_shared>>)
      tpu.yield
    }) : () -> ()
    %add3A_57 = arith.constant 128 : i32
    %add3A_58 = arith.addi %mul3A_54, %add3A_57 : i32
    "tpu.region"() ({
      %run_scoped3A = tpu.sem_alloc : memref<!tpu.dma_semaphore, #tpu.memory_space<semaphore_mem>>
      %dma_start3A = arith.constant 0 : i32
      %dma_start3A_866 = tpu.memref_slice %arg14[%add3A_58, %dma_start3A] : memref<6400x128xf32, #tpu.memory_space<vmem_shared>> -> memref<128x128xf32, #tpu.memory_space<vmem_shared>>
      %dma_start3A_867 = arith.constant 0 : i32
      %dma_start3A_868 = tpu.memref_slice %arg14[%add3A_58, %dma_start3A_867] : memref<6400x128xf32, #tpu.memory_space<vmem_shared>> -> memref<128x128xf32, #tpu.memory_space<vmem_shared>>
      tpu.enqueue_dma source(%arg10 : memref<128x128xf32, #tpu.memory_space<vmem>>) target(%dma_start3A_868 : memref<128x128xf32, #tpu.memory_space<vmem_shared>>) target_semaphore(%run_scoped3A : memref<!tpu.dma_semaphore, #tpu.memory_space<semaphore_mem>>)
      %dma_wait3A = arith.constant 0 : i32
      %dma_wait3A_869 = tpu.memref_slice %arg14[%add3A_58, %dma_wait3A] : memref<6400x128xf32, #tpu.memory_space<vmem_shared>> -> memref<128x128xf32, #tpu.memory_space<vmem_shared>>
      %dma_wait3A_870 = arith.constant 0 : i32
      %dma_wait3A_871 = tpu.memref_slice %arg14[%add3A_58, %dma_wait3A_870] : memref<6400x128xf32, #tpu.memory_space<vmem_shared>> -> memref<128x128xf32, #tpu.memory_space<vmem_shared>>
      tpu.wait_dma2 semaphore(%run_scoped3A : memref<!tpu.dma_semaphore, #tpu.memory_space<semaphore_mem>>) src(%arg10 : memref<128x128xf32, #tpu.memory_space<vmem>>) dst(%dma_wait3A_871 : memref<128x128xf32, #tpu.memory_space<vmem_shared>>)
      tpu.yield
    }) : () -> ()
    %add3A_59 = arith.constant 256 : i32
    %add3A_60 = arith.addi %mul3A_54, %add3A_59 : i32
    "tpu.region"() ({
      %run_scoped3A = tpu.sem_alloc : memref<!tpu.dma_semaphore, #tpu.memory_space<semaphore_mem>>
      %dma_start3A = arith.constant 0 : i32
      %dma_start3A_866 = tpu.memref_slice %arg14[%add3A_60, %dma_start3A] : memref<6400x128xf32, #tpu.memory_space<vmem_shared>> -> memref<128x128xf32, #tpu.memory_space<vmem_shared>>
      %dma_start3A_867 = arith.constant 0 : i32
      %dma_start3A_868 = tpu.memref_slice %arg14[%add3A_60, %dma_start3A_867] : memref<6400x128xf32, #tpu.memory_space<vmem_shared>> -> memref<128x128xf32, #tpu.memory_space<vmem_shared>>
      tpu.enqueue_dma source(%arg10 : memref<128x128xf32, #tpu.memory_space<vmem>>) target(%dma_start3A_868 : memref<128x128xf32, #tpu.memory_space<vmem_shared>>) target_semaphore(%run_scoped3A : memref<!tpu.dma_semaphore, #tpu.memory_space<semaphore_mem>>)
      %dma_wait3A = arith.constant 0 : i32
      %dma_wait3A_869 = tpu.memref_slice %arg14[%add3A_60, %dma_wait3A] : memref<6400x128xf32, #tpu.memory_space<vmem_shared>> -> memref<128x128xf32, #tpu.memory_space<vmem_shared>>
      %dma_wait3A_870 = arith.constant 0 : i32
      %dma_wait3A_871 = tpu.memref_slice %arg14[%add3A_60, %dma_wait3A_870] : memref<6400x128xf32, #tpu.memory_space<vmem_shared>> -> memref<128x128xf32, #tpu.memory_space<vmem_shared>>
      tpu.wait_dma2 semaphore(%run_scoped3A : memref<!tpu.dma_semaphore, #tpu.memory_space<semaphore_mem>>) src(%arg10 : memref<128x128xf32, #tpu.memory_space<vmem>>) dst(%dma_wait3A_871 : memref<128x128xf32, #tpu.memory_space<vmem_shared>>)
      tpu.yield
    }) : () -> ()
    %add3A_61 = arith.constant 384 : i32
    %add3A_62 = arith.addi %mul3A_54, %add3A_61 : i32
    "tpu.region"() ({
      %run_scoped3A = tpu.sem_alloc : memref<!tpu.dma_semaphore, #tpu.memory_space<semaphore_mem>>
      %dma_start3A = arith.constant 0 : i32
      %dma_start3A_866 = arith.constant 0 : i32
      %dma_start3A_867 = tpu.memref_slice %arg10[%dma_start3A, %dma_start3A_866] : memref<128x128xf32, #tpu.memory_space<vmem>> -> memref<16x128xf32, #tpu.memory_space<vmem>>
      %dma_start3A_868 = arith.constant 0 : i32
      %dma_start3A_869 = tpu.memref_slice %arg14[%add3A_62, %dma_start3A_868] : memref<6400x128xf32, #tpu.memory_space<vmem_shared>> -> memref<16x128xf32, #tpu.memory_space<vmem_shared>>
      %dma_start3A_870 = arith.constant 0 : i32
      %dma_start3A_871 = tpu.memref_slice %arg14[%add3A_62, %dma_start3A_870] : memref<6400x128xf32, #tpu.memory_space<vmem_shared>> -> memref<16x128xf32, #tpu.memory_space<vmem_shared>>
      %dma_start3A_872 = arith.constant 0 : i32
      %dma_start3A_873 = arith.constant 0 : i32
      %dma_start3A_874 = tpu.memref_slice %arg10[%dma_start3A_872, %dma_start3A_873] : memref<128x128xf32, #tpu.memory_space<vmem>> -> memref<16x128xf32, #tpu.memory_space<vmem>>
      tpu.enqueue_dma source(%dma_start3A_874 : memref<16x128xf32, #tpu.memory_space<vmem>>) target(%dma_start3A_871 : memref<16x128xf32, #tpu.memory_space<vmem_shared>>) target_semaphore(%run_scoped3A : memref<!tpu.dma_semaphore, #tpu.memory_space<semaphore_mem>>)
      %dma_wait3A = arith.constant 0 : i32
      %dma_wait3A_875 = arith.constant 0 : i32
      %dma_wait3A_876 = tpu.memref_slice %arg10[%dma_wait3A, %dma_wait3A_875] : memref<128x128xf32, #tpu.memory_space<vmem>> -> memref<16x128xf32, #tpu.memory_space<vmem>>
      %dma_wait3A_877 = arith.constant 0 : i32
      %dma_wait3A_878 = tpu.memref_slice %arg14[%add3A_62, %dma_wait3A_877] : memref<6400x128xf32, #tpu.memory_space<vmem_shared>> -> memref<16x128xf32, #tpu.memory_space<vmem_shared>>
      %dma_wait3A_879 = arith.constant 0 : i32
      %dma_wait3A_880 = tpu.memref_slice %arg14[%add3A_62, %dma_wait3A_879] : memref<6400x128xf32, #tpu.memory_space<vmem_shared>> -> memref<16x128xf32, #tpu.memory_space<vmem_shared>>
      %dma_wait3A_881 = arith.constant 0 : i32
      %dma_wait3A_882 = arith.constant 0 : i32
      %dma_wait3A_883 = tpu.memref_slice %arg10[%dma_wait3A_881, %dma_wait3A_882] : memref<128x128xf32, #tpu.memory_space<vmem>> -> memref<16x128xf32, #tpu.memory_space<vmem>>
      tpu.wait_dma2 semaphore(%run_scoped3A : memref<!tpu.dma_semaphore, #tpu.memory_space<semaphore_mem>>) src(%dma_wait3A_883 : memref<16x128xf32, #tpu.memory_space<vmem>>) dst(%dma_wait3A_880 : memref<16x128xf32, #tpu.memory_space<vmem_shared>>)
      tpu.yield
    }) : () -> ()
    %mul3A_63 = arith.constant 448 : i32
    %mul3A_64 = arith.muli %arg1, %mul3A_63 : i32
    "tpu.region"() ({
      %run_scoped3A = tpu.sem_alloc : memref<!tpu.dma_semaphore, #tpu.memory_space<semaphore_mem>>
      %dma_start3A = tpu.memref_slice %arg15[%mul3A_64] : memref<7168xf32, #tpu.memory_space<vmem_shared>> -> memref<448xf32, #tpu.memory_space<vmem_shared>>
      %dma_start3A_866 = tpu.memref_slice %arg15[%mul3A_64] : memref<7168xf32, #tpu.memory_space<vmem_shared>> -> memref<448xf32, #tpu.memory_space<vmem_shared>>
      tpu.enqueue_dma source(%arg11 : memref<448xf32, #tpu.memory_space<vmem>>) target(%dma_start3A_866 : memref<448xf32, #tpu.memory_space<vmem_shared>>) target_semaphore(%run_scoped3A : memref<!tpu.dma_semaphore, #tpu.memory_space<semaphore_mem>>)
      %dma_wait3A = tpu.memref_slice %arg15[%mul3A_64] : memref<7168xf32, #tpu.memory_space<vmem_shared>> -> memref<448xf32, #tpu.memory_space<vmem_shared>>
      %dma_wait3A_867 = tpu.memref_slice %arg15[%mul3A_64] : memref<7168xf32, #tpu.memory_space<vmem_shared>> -> memref<448xf32, #tpu.memory_space<vmem_shared>>
      tpu.wait_dma2 semaphore(%run_scoped3A : memref<!tpu.dma_semaphore, #tpu.memory_space<semaphore_mem>>) src(%arg11 : memref<448xf32, #tpu.memory_space<vmem>>) dst(%dma_wait3A_867 : memref<448xf32, #tpu.memory_space<vmem_shared>>)
      tpu.yield
    }) : () -> ()
    %barrier3A = arith.constant 0 : index
    tpu.barrier barrier_id(%barrier3A)
    "tpu.region"() ({
      %run_scoped3A = tpu.sem_alloc : memref<!tpu.dma_semaphore, #tpu.memory_space<semaphore_mem>>
      %dma_start3A = arith.constant 0 : i32
      %dma_start3A_866 = tpu.memref_slice %arg2[%mul3A_0, %dma_start3A] : memref<2432x128xi32, #tpu.memory_space<hbm>> -> memref<152x128xi32, #tpu.memory_space<hbm>>
      %dma_start3A_867 = arith.constant 0 : i32
      %dma_start3A_868 = tpu.memref_slice %arg2[%mul3A_0, %dma_start3A_867] : memref<2432x128xi32, #tpu.memory_space<hbm>> -> memref<152x128xi32, #tpu.memory_space<hbm>>
      tpu.enqueue_dma source(%dma_start3A_868 : memref<152x128xi32, #tpu.memory_space<hbm>>) target(%arg7 : memref<152x128xi32, #tpu.memory_space<vmem>>) target_semaphore(%run_scoped3A : memref<!tpu.dma_semaphore, #tpu.memory_space<semaphore_mem>>)
      %dma_wait3A = arith.constant 0 : i32
      %dma_wait3A_869 = tpu.memref_slice %arg2[%mul3A_0, %dma_wait3A] : memref<2432x128xi32, #tpu.memory_space<hbm>> -> memref<152x128xi32, #tpu.memory_space<hbm>>
      %dma_wait3A_870 = arith.constant 0 : i32
      %dma_wait3A_871 = tpu.memref_slice %arg2[%mul3A_0, %dma_wait3A_870] : memref<2432x128xi32, #tpu.memory_space<hbm>> -> memref<152x128xi32, #tpu.memory_space<hbm>>
      tpu.wait_dma2 semaphore(%run_scoped3A : memref<!tpu.dma_semaphore, #tpu.memory_space<semaphore_mem>>) src(%dma_wait3A_871 : memref<152x128xi32, #tpu.memory_space<hbm>>) dst(%arg7 : memref<152x128xi32, #tpu.memory_space<vmem>>)
      tpu.yield
    }) : () -> ()
    "tpu.region"() ({
      %run_scoped3A = tpu.sem_alloc : memref<!tpu.dma_semaphore, #tpu.memory_space<semaphore_mem>>
      %dma_start3A = arith.constant 0 : i32
      %dma_start3A_866 = tpu.memref_slice %arg3[%mul3A_0, %dma_start3A] : memref<2432x128xi32, #tpu.memory_space<hbm>> -> memref<152x128xi32, #tpu.memory_space<hbm>>
      %dma_start3A_867 = arith.constant 0 : i32
      %dma_start3A_868 = tpu.memref_slice %arg3[%mul3A_0, %dma_start3A_867] : memref<2432x128xi32, #tpu.memory_space<hbm>> -> memref<152x128xi32, #tpu.memory_space<hbm>>
      tpu.enqueue_dma source(%dma_start3A_868 : memref<152x128xi32, #tpu.memory_space<hbm>>) target(%arg8 : memref<152x128xi32, #tpu.memory_space<vmem>>) target_semaphore(%run_scoped3A : memref<!tpu.dma_semaphore, #tpu.memory_space<semaphore_mem>>)
      %dma_wait3A = arith.constant 0 : i32
      %dma_wait3A_869 = tpu.memref_slice %arg3[%mul3A_0, %dma_wait3A] : memref<2432x128xi32, #tpu.memory_space<hbm>> -> memref<152x128xi32, #tpu.memory_space<hbm>>
      %dma_wait3A_870 = arith.constant 0 : i32
      %dma_wait3A_871 = tpu.memref_slice %arg3[%mul3A_0, %dma_wait3A_870] : memref<2432x128xi32, #tpu.memory_space<hbm>> -> memref<152x128xi32, #tpu.memory_space<hbm>>
      tpu.wait_dma2 semaphore(%run_scoped3A : memref<!tpu.dma_semaphore, #tpu.memory_space<semaphore_mem>>) src(%dma_wait3A_871 : memref<152x128xi32, #tpu.memory_space<hbm>>) dst(%arg8 : memref<152x128xi32, #tpu.memory_space<vmem>>)
      tpu.yield
    }) : () -> ()
    %broadcast_in_dim3A_65 = vector.broadcast %mul3A_52 : i32 to vector<16xi32>
    %add3A_66 = arith.constant 6272 : i32
    %add3A_67 = arith.addi %mul3A_52, %add3A_66 : i32
    %broadcast_in_dim3A_68 = vector.broadcast %add3A_67 : i32 to vector<16xi32>
    %swap3A_69 = arith.constant 0 : index
    %swap3A_70 = tpu.vector_load %arg13[%swap3A_69] {strides = array<i32>} : memref<16xi32, #tpu.memory_space<vmem>>, vector<16xi32>,
    tpu.vector_store %arg13[%swap3A_69], %broadcast_in_dim3A_1 {strides = array<i32>} : memref<16xi32, #tpu.memory_space<vmem>>, vector<16xi32>,
    %scan3A_71 = arith.constant 0 : i32
    %scan3A_72 = arith.constant 0 : i32
    %scan3A_73 = arith.constant 1216 : i32
    %scan3A_74 = arith.addi %scan3A_72, %scan3A_73 : i32
    %scan3A_75 = arith.constant 1 : i32
    %scan3A_76 = scf.for %scan3A_866 = %scan3A_72 to %scan3A_74 step %scan3A_75 iter_args(%scan3A_867 = %scan3A_71) -> (i32)  : i32 {
      %jit3A = arith.constant 8 : i32
      %div3A = arith.divsi %scan3A_866, %jit3A : i32
      %sign3A = arith.constant 0 : i32
      %sign3A_868 = arith.cmpi sgt, %scan3A_866, %sign3A : i32
      %sign3A_869 = arith.extui %sign3A_868 : i1 to i32
      %sign3A_870 = arith.constant 0 : i32
      %sign3A_871 = arith.cmpi slt, %scan3A_866, %sign3A_870 : i32
      %sign3A_872 = arith.extui %sign3A_871 : i1 to i32
      %sign3A_873 = arith.subi %sign3A_869, %sign3A_872 : i32
      %sign3A_874 = arith.constant 0 : i32
      %sign3A_875 = arith.cmpi sgt, %jit3A, %sign3A_874 : i32
      %sign3A_876 = arith.extui %sign3A_875 : i1 to i32
      %sign3A_877 = arith.constant 0 : i32
      %sign3A_878 = arith.cmpi slt, %jit3A, %sign3A_877 : i32
      %sign3A_879 = arith.extui %sign3A_878 : i1 to i32
      %sign3A_880 = arith.subi %sign3A_876, %sign3A_879 : i32
      %ne3A = arith.cmpi ne, %sign3A_873, %sign3A_880 : i32
      %rem3A = arith.remsi %scan3A_866, %jit3A : i32
      %ne3A_881 = arith.constant 0 : i32
      %ne3A_882 = arith.cmpi ne, %rem3A, %ne3A_881 : i32
      %and3A_883 = arith.andi %ne3A, %ne3A_882 : i1
      %sub3A = arith.constant 1 : i32
      %sub3A_884 = arith.subi %div3A, %sub3A : i32
      %select_n3A = arith.select %and3A_883, %sub3A_884, %div3A : i32
      %jit3A_885 = arith.constant 8 : i32
      %eq3A_886 = arith.constant 0 : i32
      %eq3A_887 = arith.cmpi eq, %jit3A_885, %eq3A_886 : i32
      %jit3A_888 = arith.constant 1 : i32
      %select_n3A_889 = arith.select %eq3A_887, %jit3A_888, %jit3A_885 : i32
      %rem3A_890 = arith.remsi %scan3A_866, %select_n3A_889 : i32
      %ne3A_891 = arith.constant 0 : i32
      %ne3A_892 = arith.cmpi ne, %rem3A_890, %ne3A_891 : i32
      %lt3A_893 = arith.constant 0 : i32
      %lt3A_894 = arith.cmpi slt, %rem3A_890, %lt3A_893 : i32
      %lt3A_895 = arith.constant 0 : i32
      %lt3A_896 = arith.cmpi slt, %select_n3A_889, %lt3A_895 : i32
      %ne3A_897 = arith.xori %lt3A_894, %lt3A_896 : i1
      %and3A_898 = arith.andi %ne3A_897, %ne3A_892 : i1
      %add3A_899 = arith.addi %rem3A_890, %select_n3A_889 : i32
      %select_n3A_900 = arith.select %and3A_898, %add3A_899, %rem3A_890 : i32
      %mul3A_901 = arith.constant 16 : i32
      %mul3A_902 = arith.muli %select_n3A_900, %mul3A_901 : i32
      %get3A_903 = arith.index_cast %select_n3A : i32 to index
      %get3A_904 = arith.index_cast %mul3A_902 : i32 to index
      %get3A_905 = tpu.vector_load %arg7[%get3A_903, %get3A_904] {strides = array<i32>} : memref<152x128xi32, #tpu.memory_space<vmem>>, vector<16xi32>,
      %get3A_906 = arith.index_cast %select_n3A : i32 to index
      %get3A_907 = arith.index_cast %mul3A_902 : i32 to index
      %get3A_908 = tpu.vector_load %arg8[%get3A_906, %get3A_907] {strides = array<i32>} : memref<152x128xi32, #tpu.memory_space<vmem>>, vector<16xi32>,
      %sub3A_909 = arith.subi %get3A_908, %broadcast_in_dim3A_65 : vector<16xi32>
      %ge3A = arith.cmpi sge, %get3A_908, %broadcast_in_dim3A_65 : vector<16xi32>
      %lt3A_910 = arith.cmpi slt, %get3A_908, %broadcast_in_dim3A_68 : vector<16xi32>
      %and3A_911 = arith.andi %ge3A, %lt3A_910 : vector<16xi1>
      %select_n3A_912 = arith.select %and3A_911, %broadcast_in_dim3A_3, %broadcast_in_dim3A_1 : vector<16xi1>, vector<16xi32>
      %get3A_913 = arith.constant 0 : index
      %get3A_914 = tpu.vector_load %arg13[%get3A_913] {strides = array<i32>} : memref<16xi32, #tpu.memory_space<vmem>>, vector<16xi32>,
      %broadcast_in_dim3A_915 = arith.constant true
      %broadcast_in_dim3A_916 = vector.broadcast %broadcast_in_dim3A_915 : i1 to vector<16xi1>
      %masked_cumsum3A = tpu.scan <sum>, %select_n3A_912 masked %broadcast_in_dim3A_916 : vector<16xi32>, vector<16xi1> -> vector<16xi32>
      %add3A_917 = arith.addi %get3A_914, %masked_cumsum3A : vector<16xi32>
      %sub3A_918 = arith.constant 1 : i32
      %sub3A_919 = vector.broadcast %sub3A_918 : i32 to vector<16xi32>
      %sub3A_920 = arith.subi %add3A_917, %sub3A_919 : vector<16xi32>
      %shift_right_arithmetic3A_921 = arith.constant 7 : i32
      %shift_right_arithmetic3A_922 = vector.broadcast %shift_right_arithmetic3A_921 : i32 to vector<16xi32>
      %shift_right_arithmetic3A_923 = arith.shrsi %sub3A_920, %shift_right_arithmetic3A_922 : vector<16xi32>
      %and3A_924 = arith.constant 127 : i32
      %and3A_925 = vector.broadcast %and3A_924 : i32 to vector<16xi32>
      %and3A_926 = arith.andi %sub3A_920, %and3A_925 : vector<16xi32>
      tpu.vector_store_idx %arg7[%shift_right_arithmetic3A_923, %and3A_926], %get3A_905 masked %and3A_911 : memref<152x128xi32, #tpu.memory_space<vmem>>[vector<16xi32>, vector<16xi32>], vector<16xi32>, vector<16xi1>
      %shift_right_arithmetic3A_927 = arith.constant 7 : i32
      %shift_right_arithmetic3A_928 = vector.broadcast %shift_right_arithmetic3A_927 : i32 to vector<16xi32>
      %shift_right_arithmetic3A_929 = arith.shrsi %sub3A_920, %shift_right_arithmetic3A_928 : vector<16xi32>
      %and3A_930 = arith.constant 127 : i32
      %and3A_931 = vector.broadcast %and3A_930 : i32 to vector<16xi32>
      %and3A_932 = arith.andi %sub3A_920, %and3A_931 : vector<16xi32>
      tpu.vector_store_idx %arg8[%shift_right_arithmetic3A_929, %and3A_932], %sub3A_909 masked %and3A_911 : memref<152x128xi32, #tpu.memory_space<vmem>>[vector<16xi32>, vector<16xi32>], vector<16xi32>, vector<16xi1>
      %all_reduce_population_count3A = tpu.all_reduce %and3A_911 {dim = 0 : i64, kind = #tpu.reduction_kind<sum>} : vector<16xi1> -> vector<16xi32>
      %add3A_933 = arith.addi %get3A_914, %all_reduce_population_count3A : vector<16xi32>
      %swap3A_934 = arith.constant 0 : index
      %swap3A_935 = tpu.vector_load %arg13[%swap3A_934] {strides = array<i32>} : memref<16xi32, #tpu.memory_space<vmem>>, vector<16xi32>,
      tpu.vector_store %arg13[%swap3A_934], %add3A_933 {strides = array<i32>} : memref<16xi32, #tpu.memory_space<vmem>>, vector<16xi32>,
      %scan3A_936 = arith.constant 0 : i32
      scf.yield %scan3A_936 : i32
    }
    %scan3A_77 = arith.constant 1216 : i32
    %get3A = arith.constant 0 : index
    %get3A_78 = tpu.vector_load %arg13[%get3A] {strides = array<i32>} : memref<16xi32, #tpu.memory_space<vmem>>, vector<16xi32>,
    %add3A_79 = arith.constant 127 : i32
    %add3A_80 = vector.broadcast %add3A_79 : i32 to vector<16xi32>
    %add3A_81 = arith.addi %get3A_78, %add3A_80 : vector<16xi32>
    %shift_right_arithmetic3A = arith.constant 7 : i32
    %shift_right_arithmetic3A_82 = vector.broadcast %shift_right_arithmetic3A : i32 to vector<16xi32>
    %shift_right_arithmetic3A_83 = arith.shrsi %add3A_81, %shift_right_arithmetic3A_82 : vector<16xi32>
    %mul3A_84 = arith.constant 128 : i32
    %mul3A_85 = vector.broadcast %mul3A_84 : i32 to vector<16xi32>
    %mul3A_86 = arith.muli %shift_right_arithmetic3A_83, %mul3A_85 : vector<16xi32>
    %add3A_87 = arith.constant 0 : i32
    %add3A_88 = vector.broadcast %add3A_87 : i32 to vector<16xi32>
    %add3A_89 = arith.addi %get3A_78, %add3A_88 : vector<16xi32>
    %add3A_90 = arith.addi %add3A_89, %iota3A : vector<16xi32>
    %lt3A = arith.cmpi slt, %add3A_90, %mul3A_86 : vector<16xi32>
    %shift_right_arithmetic3A_91 = arith.constant 7 : i32
    %shift_right_arithmetic3A_92 = vector.broadcast %shift_right_arithmetic3A_91 : i32 to vector<16xi32>
    %shift_right_arithmetic3A_93 = arith.shrsi %add3A_90, %shift_right_arithmetic3A_92 : vector<16xi32>
    %and3A = arith.constant 127 : i32
    %and3A_94 = vector.broadcast %and3A : i32 to vector<16xi32>
    %and3A_95 = arith.andi %add3A_90, %and3A_94 : vector<16xi32>
    tpu.vector_store_idx %arg7[%shift_right_arithmetic3A_93, %and3A_95], %broadcast_in_dim3A_1 masked %lt3A : memref<152x128xi32, #tpu.memory_space<vmem>>[vector<16xi32>, vector<16xi32>], vector<16xi32>, vector<16xi1>
    %shift_right_arithmetic3A_96 = arith.constant 7 : i32
    %shift_right_arithmetic3A_97 = vector.broadcast %shift_right_arithmetic3A_96 : i32 to vector<16xi32>
    %shift_right_arithmetic3A_98 = arith.shrsi %add3A_90, %shift_right_arithmetic3A_97 : vector<16xi32>
    %and3A_99 = arith.constant 127 : i32
    %and3A_100 = vector.broadcast %and3A_99 : i32 to vector<16xi32>
    %and3A_101 = arith.andi %add3A_90, %and3A_100 : vector<16xi32>
    %broadcast_in_dim3A_102 = arith.constant 6272 : i32
    %broadcast_in_dim3A_103 = vector.broadcast %broadcast_in_dim3A_102 : i32 to vector<16xi32>
    tpu.vector_store_idx %arg8[%shift_right_arithmetic3A_98, %and3A_101], %broadcast_in_dim3A_103 masked %lt3A : memref<152x128xi32, #tpu.memory_space<vmem>>[vector<16xi32>, vector<16xi32>], vector<16xi32>, vector<16xi1>
    %add3A_104 = arith.constant 16 : i32
    %add3A_105 = vector.broadcast %add3A_104 : i32 to vector<16xi32>
    %add3A_106 = arith.addi %get3A_78, %add3A_105 : vector<16xi32>
    %add3A_107 = arith.addi %add3A_106, %iota3A : vector<16xi32>
    %lt3A_108 = arith.cmpi slt, %add3A_107, %mul3A_86 : vector<16xi32>
    %shift_right_arithmetic3A_109 = arith.constant 7 : i32
    %shift_right_arithmetic3A_110 = vector.broadcast %shift_right_arithmetic3A_109 : i32 to vector<16xi32>
    %shift_right_arithmetic3A_111 = arith.shrsi %add3A_107, %shift_right_arithmetic3A_110 : vector<16xi32>
    %and3A_112 = arith.constant 127 : i32
    %and3A_113 = vector.broadcast %and3A_112 : i32 to vector<16xi32>
    %and3A_114 = arith.andi %add3A_107, %and3A_113 : vector<16xi32>
    tpu.vector_store_idx %arg7[%shift_right_arithmetic3A_111, %and3A_114], %broadcast_in_dim3A_1 masked %lt3A_108 : memref<152x128xi32, #tpu.memory_space<vmem>>[vector<16xi32>, vector<16xi32>], vector<16xi32>, vector<16xi1>
    %shift_right_arithmetic3A_115 = arith.constant 7 : i32
    %shift_right_arithmetic3A_116 = vector.broadcast %shift_right_arithmetic3A_115 : i32 to vector<16xi32>
    %shift_right_arithmetic3A_117 = arith.shrsi %add3A_107, %shift_right_arithmetic3A_116 : vector<16xi32>
    %and3A_118 = arith.constant 127 : i32
    %and3A_119 = vector.broadcast %and3A_118 : i32 to vector<16xi32>
    %and3A_120 = arith.andi %add3A_107, %and3A_119 : vector<16xi32>
    %broadcast_in_dim3A_121 = arith.constant 6272 : i32
    %broadcast_in_dim3A_122 = vector.broadcast %broadcast_in_dim3A_121 : i32 to vector<16xi32>
    tpu.vector_store_idx %arg8[%shift_right_arithmetic3A_117, %and3A_120], %broadcast_in_dim3A_122 masked %lt3A_108 : memref<152x128xi32, #tpu.memory_space<vmem>>[vector<16xi32>, vector<16xi32>], vector<16xi32>, vector<16xi1>
    %add3A_123 = arith.constant 32 : i32
    %add3A_124 = vector.broadcast %add3A_123 : i32 to vector<16xi32>
    %add3A_125 = arith.addi %get3A_78, %add3A_124 : vector<16xi32>
    %add3A_126 = arith.addi %add3A_125, %iota3A : vector<16xi32>
    %lt3A_127 = arith.cmpi slt, %add3A_126, %mul3A_86 : vector<16xi32>
    %shift_right_arithmetic3A_128 = arith.constant 7 : i32
    %shift_right_arithmetic3A_129 = vector.broadcast %shift_right_arithmetic3A_128 : i32 to vector<16xi32>
    %shift_right_arithmetic3A_130 = arith.shrsi %add3A_126, %shift_right_arithmetic3A_129 : vector<16xi32>
    %and3A_131 = arith.constant 127 : i32
    %and3A_132 = vector.broadcast %and3A_131 : i32 to vector<16xi32>
    %and3A_133 = arith.andi %add3A_126, %and3A_132 : vector<16xi32>
    tpu.vector_store_idx %arg7[%shift_right_arithmetic3A_130, %and3A_133], %broadcast_in_dim3A_1 masked %lt3A_127 : memref<152x128xi32, #tpu.memory_space<vmem>>[vector<16xi32>, vector<16xi32>], vector<16xi32>, vector<16xi1>
    %shift_right_arithmetic3A_134 = arith.constant 7 : i32
    %shift_right_arithmetic3A_135 = vector.broadcast %shift_right_arithmetic3A_134 : i32 to vector<16xi32>
    %shift_right_arithmetic3A_136 = arith.shrsi %add3A_126, %shift_right_arithmetic3A_135 : vector<16xi32>
    %and3A_137 = arith.constant 127 : i32
    %and3A_138 = vector.broadcast %and3A_137 : i32 to vector<16xi32>
    %and3A_139 = arith.andi %add3A_126, %and3A_138 : vector<16xi32>
    %broadcast_in_dim3A_140 = arith.constant 6272 : i32
    %broadcast_in_dim3A_141 = vector.broadcast %broadcast_in_dim3A_140 : i32 to vector<16xi32>
    tpu.vector_store_idx %arg8[%shift_right_arithmetic3A_136, %and3A_139], %broadcast_in_dim3A_141 masked %lt3A_127 : memref<152x128xi32, #tpu.memory_space<vmem>>[vector<16xi32>, vector<16xi32>], vector<16xi32>, vector<16xi1>
    %add3A_142 = arith.constant 48 : i32
    %add3A_143 = vector.broadcast %add3A_142 : i32 to vector<16xi32>
    %add3A_144 = arith.addi %get3A_78, %add3A_143 : vector<16xi32>
    %add3A_145 = arith.addi %add3A_144, %iota3A : vector<16xi32>
    %lt3A_146 = arith.cmpi slt, %add3A_145, %mul3A_86 : vector<16xi32>
    %shift_right_arithmetic3A_147 = arith.constant 7 : i32
    %shift_right_arithmetic3A_148 = vector.broadcast %shift_right_arithmetic3A_147 : i32 to vector<16xi32>
    %shift_right_arithmetic3A_149 = arith.shrsi %add3A_145, %shift_right_arithmetic3A_148 : vector<16xi32>
    %and3A_150 = arith.constant 127 : i32
    %and3A_151 = vector.broadcast %and3A_150 : i32 to vector<16xi32>
    %and3A_152 = arith.andi %add3A_145, %and3A_151 : vector<16xi32>
    tpu.vector_store_idx %arg7[%shift_right_arithmetic3A_149, %and3A_152], %broadcast_in_dim3A_1 masked %lt3A_146 : memref<152x128xi32, #tpu.memory_space<vmem>>[vector<16xi32>, vector<16xi32>], vector<16xi32>, vector<16xi1>
    %shift_right_arithmetic3A_153 = arith.constant 7 : i32
    %shift_right_arithmetic3A_154 = vector.broadcast %shift_right_arithmetic3A_153 : i32 to vector<16xi32>
    %shift_right_arithmetic3A_155 = arith.shrsi %add3A_145, %shift_right_arithmetic3A_154 : vector<16xi32>
    %and3A_156 = arith.constant 127 : i32
    %and3A_157 = vector.broadcast %and3A_156 : i32 to vector<16xi32>
    %and3A_158 = arith.andi %add3A_145, %and3A_157 : vector<16xi32>
    %broadcast_in_dim3A_159 = arith.constant 6272 : i32
    %broadcast_in_dim3A_160 = vector.broadcast %broadcast_in_dim3A_159 : i32 to vector<16xi32>
    tpu.vector_store_idx %arg8[%shift_right_arithmetic3A_155, %and3A_158], %broadcast_in_dim3A_160 masked %lt3A_146 : memref<152x128xi32, #tpu.memory_space<vmem>>[vector<16xi32>, vector<16xi32>], vector<16xi32>, vector<16xi1>
    %add3A_161 = arith.constant 64 : i32
    %add3A_162 = vector.broadcast %add3A_161 : i32 to vector<16xi32>
    %add3A_163 = arith.addi %get3A_78, %add3A_162 : vector<16xi32>
    %add3A_164 = arith.addi %add3A_163, %iota3A : vector<16xi32>
    %lt3A_165 = arith.cmpi slt, %add3A_164, %mul3A_86 : vector<16xi32>
    %shift_right_arithmetic3A_166 = arith.constant 7 : i32
    %shift_right_arithmetic3A_167 = vector.broadcast %shift_right_arithmetic3A_166 : i32 to vector<16xi32>
    %shift_right_arithmetic3A_168 = arith.shrsi %add3A_164, %shift_right_arithmetic3A_167 : vector<16xi32>
    %and3A_169 = arith.constant 127 : i32
    %and3A_170 = vector.broadcast %and3A_169 : i32 to vector<16xi32>
    %and3A_171 = arith.andi %add3A_164, %and3A_170 : vector<16xi32>
    tpu.vector_store_idx %arg7[%shift_right_arithmetic3A_168, %and3A_171], %broadcast_in_dim3A_1 masked %lt3A_165 : memref<152x128xi32, #tpu.memory_space<vmem>>[vector<16xi32>, vector<16xi32>], vector<16xi32>, vector<16xi1>
    %shift_right_arithmetic3A_172 = arith.constant 7 : i32
    %shift_right_arithmetic3A_173 = vector.broadcast %shift_right_arithmetic3A_172 : i32 to vector<16xi32>
    %shift_right_arithmetic3A_174 = arith.shrsi %add3A_164, %shift_right_arithmetic3A_173 : vector<16xi32>
    %and3A_175 = arith.constant 127 : i32
    %and3A_176 = vector.broadcast %and3A_175 : i32 to vector<16xi32>
    %and3A_177 = arith.andi %add3A_164, %and3A_176 : vector<16xi32>
    %broadcast_in_dim3A_178 = arith.constant 6272 : i32
    %broadcast_in_dim3A_179 = vector.broadcast %broadcast_in_dim3A_178 : i32 to vector<16xi32>
    tpu.vector_store_idx %arg8[%shift_right_arithmetic3A_174, %and3A_177], %broadcast_in_dim3A_179 masked %lt3A_165 : memref<152x128xi32, #tpu.memory_space<vmem>>[vector<16xi32>, vector<16xi32>], vector<16xi32>, vector<16xi1>
    %add3A_180 = arith.constant 80 : i32
    %add3A_181 = vector.broadcast %add3A_180 : i32 to vector<16xi32>
    %add3A_182 = arith.addi %get3A_78, %add3A_181 : vector<16xi32>
    %add3A_183 = arith.addi %add3A_182, %iota3A : vector<16xi32>
    %lt3A_184 = arith.cmpi slt, %add3A_183, %mul3A_86 : vector<16xi32>
    %shift_right_arithmetic3A_185 = arith.constant 7 : i32
    %shift_right_arithmetic3A_186 = vector.broadcast %shift_right_arithmetic3A_185 : i32 to vector<16xi32>
    %shift_right_arithmetic3A_187 = arith.shrsi %add3A_183, %shift_right_arithmetic3A_186 : vector<16xi32>
    %and3A_188 = arith.constant 127 : i32
    %and3A_189 = vector.broadcast %and3A_188 : i32 to vector<16xi32>
    %and3A_190 = arith.andi %add3A_183, %and3A_189 : vector<16xi32>
    tpu.vector_store_idx %arg7[%shift_right_arithmetic3A_187, %and3A_190], %broadcast_in_dim3A_1 masked %lt3A_184 : memref<152x128xi32, #tpu.memory_space<vmem>>[vector<16xi32>, vector<16xi32>], vector<16xi32>, vector<16xi1>
    %shift_right_arithmetic3A_191 = arith.constant 7 : i32
    %shift_right_arithmetic3A_192 = vector.broadcast %shift_right_arithmetic3A_191 : i32 to vector<16xi32>
    %shift_right_arithmetic3A_193 = arith.shrsi %add3A_183, %shift_right_arithmetic3A_192 : vector<16xi32>
    %and3A_194 = arith.constant 127 : i32
    %and3A_195 = vector.broadcast %and3A_194 : i32 to vector<16xi32>
    %and3A_196 = arith.andi %add3A_183, %and3A_195 : vector<16xi32>
    %broadcast_in_dim3A_197 = arith.constant 6272 : i32
    %broadcast_in_dim3A_198 = vector.broadcast %broadcast_in_dim3A_197 : i32 to vector<16xi32>
    tpu.vector_store_idx %arg8[%shift_right_arithmetic3A_193, %and3A_196], %broadcast_in_dim3A_198 masked %lt3A_184 : memref<152x128xi32, #tpu.memory_space<vmem>>[vector<16xi32>, vector<16xi32>], vector<16xi32>, vector<16xi1>
    %add3A_199 = arith.constant 96 : i32
    %add3A_200 = vector.broadcast %add3A_199 : i32 to vector<16xi32>
    %add3A_201 = arith.addi %get3A_78, %add3A_200 : vector<16xi32>
    %add3A_202 = arith.addi %add3A_201, %iota3A : vector<16xi32>
    %lt3A_203 = arith.cmpi slt, %add3A_202, %mul3A_86 : vector<16xi32>
    %shift_right_arithmetic3A_204 = arith.constant 7 : i32
    %shift_right_arithmetic3A_205 = vector.broadcast %shift_right_arithmetic3A_204 : i32 to vector<16xi32>
    %shift_right_arithmetic3A_206 = arith.shrsi %add3A_202, %shift_right_arithmetic3A_205 : vector<16xi32>
    %and3A_207 = arith.constant 127 : i32
    %and3A_208 = vector.broadcast %and3A_207 : i32 to vector<16xi32>
    %and3A_209 = arith.andi %add3A_202, %and3A_208 : vector<16xi32>
    tpu.vector_store_idx %arg7[%shift_right_arithmetic3A_206, %and3A_209], %broadcast_in_dim3A_1 masked %lt3A_203 : memref<152x128xi32, #tpu.memory_space<vmem>>[vector<16xi32>, vector<16xi32>], vector<16xi32>, vector<16xi1>
    %shift_right_arithmetic3A_210 = arith.constant 7 : i32
    %shift_right_arithmetic3A_211 = vector.broadcast %shift_right_arithmetic3A_210 : i32 to vector<16xi32>
    %shift_right_arithmetic3A_212 = arith.shrsi %add3A_202, %shift_right_arithmetic3A_211 : vector<16xi32>
    %and3A_213 = arith.constant 127 : i32
    %and3A_214 = vector.broadcast %and3A_213 : i32 to vector<16xi32>
    %and3A_215 = arith.andi %add3A_202, %and3A_214 : vector<16xi32>
    %broadcast_in_dim3A_216 = arith.constant 6272 : i32
    %broadcast_in_dim3A_217 = vector.broadcast %broadcast_in_dim3A_216 : i32 to vector<16xi32>
    tpu.vector_store_idx %arg8[%shift_right_arithmetic3A_212, %and3A_215], %broadcast_in_dim3A_217 masked %lt3A_203 : memref<152x128xi32, #tpu.memory_space<vmem>>[vector<16xi32>, vector<16xi32>], vector<16xi32>, vector<16xi1>
    %add3A_218 = arith.constant 112 : i32
    %add3A_219 = vector.broadcast %add3A_218 : i32 to vector<16xi32>
    %add3A_220 = arith.addi %get3A_78, %add3A_219 : vector<16xi32>
    %add3A_221 = arith.addi %add3A_220, %iota3A : vector<16xi32>
    %lt3A_222 = arith.cmpi slt, %add3A_221, %mul3A_86 : vector<16xi32>
    %shift_right_arithmetic3A_223 = arith.constant 7 : i32
    %shift_right_arithmetic3A_224 = vector.broadcast %shift_right_arithmetic3A_223 : i32 to vector<16xi32>
    %shift_right_arithmetic3A_225 = arith.shrsi %add3A_221, %shift_right_arithmetic3A_224 : vector<16xi32>
    %and3A_226 = arith.constant 127 : i32
    %and3A_227 = vector.broadcast %and3A_226 : i32 to vector<16xi32>
    %and3A_228 = arith.andi %add3A_221, %and3A_227 : vector<16xi32>
    tpu.vector_store_idx %arg7[%shift_right_arithmetic3A_225, %and3A_228], %broadcast_in_dim3A_1 masked %lt3A_222 : memref<152x128xi32, #tpu.memory_space<vmem>>[vector<16xi32>, vector<16xi32>], vector<16xi32>, vector<16xi1>
    %shift_right_arithmetic3A_229 = arith.constant 7 : i32
    %shift_right_arithmetic3A_230 = vector.broadcast %shift_right_arithmetic3A_229 : i32 to vector<16xi32>
    %shift_right_arithmetic3A_231 = arith.shrsi %add3A_221, %shift_right_arithmetic3A_230 : vector<16xi32>
    %and3A_232 = arith.constant 127 : i32
    %and3A_233 = vector.broadcast %and3A_232 : i32 to vector<16xi32>
    %and3A_234 = arith.andi %add3A_221, %and3A_233 : vector<16xi32>
    %broadcast_in_dim3A_235 = arith.constant 6272 : i32
    %broadcast_in_dim3A_236 = vector.broadcast %broadcast_in_dim3A_235 : i32 to vector<16xi32>
    tpu.vector_store_idx %arg8[%shift_right_arithmetic3A_231, %and3A_234], %broadcast_in_dim3A_236 masked %lt3A_222 : memref<152x128xi32, #tpu.memory_space<vmem>>[vector<16xi32>, vector<16xi32>], vector<16xi32>, vector<16xi1>
    %while3A = arith.constant 0 : i32
    %while3A_237 = scf.while (%while3A_866 = %while3A) : (i32) -> i32 {
      %get3A_867 = arith.constant 0 : index
      %get3A_868 = tpu.vector_load %arg13[%get3A_867] {strides = array<i32>} : memref<16xi32, #tpu.memory_space<vmem>>, vector<16xi32>,
      %add3A_869 = arith.constant 127 : i32
      %add3A_870 = vector.broadcast %add3A_869 : i32 to vector<16xi32>
      %add3A_871 = arith.addi %get3A_868, %add3A_870 : vector<16xi32>
      %shift_right_arithmetic3A_872 = arith.constant 7 : i32
      %shift_right_arithmetic3A_873 = vector.broadcast %shift_right_arithmetic3A_872 : i32 to vector<16xi32>
      %shift_right_arithmetic3A_874 = arith.shrsi %add3A_871, %shift_right_arithmetic3A_873 : vector<16xi32>
      %broadcast_in_dim3A_875 = vector.broadcast %while3A_866 : i32 to vector<16xi32>
      %lt3A_876 = arith.cmpi slt, %broadcast_in_dim3A_875, %shift_right_arithmetic3A_874 : vector<16xi32>
      %reduce_or3A = arith.constant 1.000000e+00 : f32
      %reduce_or3A_877 = arith.constant 0.000000e+00 : f32
      %reduce_or3A_878 = vector.broadcast %reduce_or3A : f32 to vector<16xf32>
      %reduce_or3A_879 = vector.broadcast %reduce_or3A_877 : f32 to vector<16xf32>
      %reduce_or3A_880 = arith.select %lt3A_876, %reduce_or3A_878, %reduce_or3A_879 : vector<16xi1>, vector<16xf32>
      %reduce_or3A_881 = arith.constant true
      %reduce_or3A_882 = vector.broadcast %reduce_or3A_881 : i1 to vector<16xi1>
      %reduce_or3A_883 = tpu.scan <max>, %reduce_or3A_880 masked %reduce_or3A_882 : vector<16xf32>, vector<16xi1> -> vector<16xf32>
      %reduce_or3A_884 = vector.extract %reduce_or3A_883[15] : f32 from vector<16xf32>
      %reduce_or3A_885 = arith.constant 0.000000e+00 : f32
      %reduce_or3A_886 = arith.cmpf ogt, %reduce_or3A_884, %reduce_or3A_885 : f32
      scf.condition(%reduce_or3A_886) %while3A_866 : i32
    } do {
    ^bb0(%while3A_866: i32):
      %dma_start3A = arith.constant 0 : i32
      %dma_start3A_867 = tpu.memref_slice %arg7[%while3A_866, %dma_start3A] : memref<152x128xi32, #tpu.memory_space<vmem>> -> memref<1x128xi32, #tpu.memory_space<vmem>>
      %dma_start3A_868 = tpu.memref_squeeze %dma_start3A_867 : memref<1x128xi32, #tpu.memory_space<vmem>> -> memref<128xi32, #tpu.memory_space<vmem>>
      %dma_start3A_869 = arith.constant 0 : i32
      %dma_start3A_870 = arith.constant 0 : i32
      %dma_start3A_871 = tpu.memref_slice %arg4[%dma_start3A_869, %dma_start3A_870] : memref<50000x128xf32, #tpu.memory_space<hbm>> -> memref<50000x128xf32, #tpu.memory_space<hbm>>
      tpu.enqueue_indirect_dma source(%dma_start3A_871 : memref<50000x128xf32, #tpu.memory_space<hbm>>) target(%arg9 : memref<128x128xf32, #tpu.memory_space<vmem>>) offsets(%dma_start3A_868 : memref<128xi32, #tpu.memory_space<vmem>>) semaphore(%arg16 : memref<!tpu.dma_semaphore, #tpu.memory_space<semaphore_mem>>)
      %dma_wait3A = arith.constant 0 : i32
      %dma_wait3A_872 = tpu.memref_slice %arg7[%while3A_866, %dma_wait3A] : memref<152x128xi32, #tpu.memory_space<vmem>> -> memref<1x128xi32, #tpu.memory_space<vmem>>
      %dma_wait3A_873 = tpu.memref_squeeze %dma_wait3A_872 : memref<1x128xi32, #tpu.memory_space<vmem>> -> memref<128xi32, #tpu.memory_space<vmem>>
      %dma_wait3A_874 = arith.constant 0 : i32
      %dma_wait3A_875 = arith.constant 0 : i32
      %dma_wait3A_876 = tpu.memref_slice %arg4[%dma_wait3A_874, %dma_wait3A_875] : memref<50000x128xf32, #tpu.memory_space<hbm>> -> memref<50000x128xf32, #tpu.memory_space<hbm>>
      tpu.wait_indirect_dma semaphore(%arg16 : memref<!tpu.dma_semaphore, #tpu.memory_space<semaphore_mem>>) src(%dma_wait3A_876 : memref<50000x128xf32, #tpu.memory_space<hbm>>) dst(%arg9 : memref<128x128xf32, #tpu.memory_space<vmem>>)
      "tpu.region"() ({
        %run_scoped3A = tpu.sem_alloc : memref<!tpu.dma_semaphore, #tpu.memory_space<semaphore_mem>>
        %dma_start3A_879 = arith.constant 0 : i32
        %dma_start3A_880 = tpu.memref_slice %arg8[%while3A_866, %dma_start3A_879] : memref<152x128xi32, #tpu.memory_space<vmem>> -> memref<1x128xi32, #tpu.memory_space<vmem>>
        %dma_start3A_881 = tpu.memref_squeeze %dma_start3A_880 : memref<1x128xi32, #tpu.memory_space<vmem>> -> memref<128xi32, #tpu.memory_space<vmem>>
        %dma_start3A_882 = arith.constant 0 : i32
        %dma_start3A_883 = arith.constant 0 : i32
        %dma_start3A_884 = tpu.memref_slice %arg14[%dma_start3A_882, %dma_start3A_883] : memref<6400x128xf32, #tpu.memory_space<vmem_shared>> -> memref<6400x128xf32, #tpu.memory_space<vmem_shared>>
        tpu.enqueue_indirect_dma source(%arg9 : memref<128x128xf32, #tpu.memory_space<vmem>>) target(%dma_start3A_884 : memref<6400x128xf32, #tpu.memory_space<vmem_shared>>) offsets(%dma_start3A_881 : memref<128xi32, #tpu.memory_space<vmem>>) semaphore(%run_scoped3A : memref<!tpu.dma_semaphore, #tpu.memory_space<semaphore_mem>>) {add = true}
        %dma_wait3A_885 = arith.constant 0 : i32
        %dma_wait3A_886 = tpu.memref_slice %arg8[%while3A_866, %dma_wait3A_885] : memref<152x128xi32, #tpu.memory_space<vmem>> -> memref<1x128xi32, #tpu.memory_space<vmem>>
        %dma_wait3A_887 = tpu.memref_squeeze %dma_wait3A_886 : memref<1x128xi32, #tpu.memory_space<vmem>> -> memref<128xi32, #tpu.memory_space<vmem>>
        %dma_wait3A_888 = arith.constant 0 : i32
        %dma_wait3A_889 = arith.constant 0 : i32
        %dma_wait3A_890 = tpu.memref_slice %arg14[%dma_wait3A_888, %dma_wait3A_889] : memref<6400x128xf32, #tpu.memory_space<vmem_shared>> -> memref<6400x128xf32, #tpu.memory_space<vmem_shared>>
        tpu.wait_indirect_dma semaphore(%run_scoped3A : memref<!tpu.dma_semaphore, #tpu.memory_space<semaphore_mem>>) src(%arg9 : memref<128x128xf32, #tpu.memory_space<vmem>>) dst(%dma_wait3A_890 : memref<6400x128xf32, #tpu.memory_space<vmem_shared>>)
        tpu.yield
      }) : () -> ()
      "tpu.region"() ({
        %run_scoped3A = tpu.sem_alloc : memref<!tpu.dma_semaphore, #tpu.memory_space<semaphore_mem>>
        %dma_start3A_879 = arith.constant 0 : i32
        %dma_start3A_880 = tpu.memref_slice %arg8[%while3A_866, %dma_start3A_879] : memref<152x128xi32, #tpu.memory_space<vmem>> -> memref<1x128xi32, #tpu.memory_space<vmem>>
        %dma_start3A_881 = tpu.memref_squeeze %dma_start3A_880 : memref<1x128xi32, #tpu.memory_space<vmem>> -> memref<128xi32, #tpu.memory_space<vmem>>
        %dma_start3A_882 = arith.constant 0 : i32
        %dma_start3A_883 = tpu.memref_slice %arg15[%dma_start3A_882] : memref<7168xf32, #tpu.memory_space<vmem_shared>> -> memref<7168xf32, #tpu.memory_space<vmem_shared>>
        tpu.enqueue_indirect_dma source(%arg12 : memref<128xf32, #tpu.memory_space<vmem>>) target(%dma_start3A_883 : memref<7168xf32, #tpu.memory_space<vmem_shared>>) offsets(%dma_start3A_881 : memref<128xi32, #tpu.memory_space<vmem>>) semaphore(%run_scoped3A : memref<!tpu.dma_semaphore, #tpu.memory_space<semaphore_mem>>) {add = true}
        %dma_wait3A_884 = arith.constant 0 : i32
        %dma_wait3A_885 = tpu.memref_slice %arg8[%while3A_866, %dma_wait3A_884] : memref<152x128xi32, #tpu.memory_space<vmem>> -> memref<1x128xi32, #tpu.memory_space<vmem>>
        %dma_wait3A_886 = tpu.memref_squeeze %dma_wait3A_885 : memref<1x128xi32, #tpu.memory_space<vmem>> -> memref<128xi32, #tpu.memory_space<vmem>>
        %dma_wait3A_887 = arith.constant 0 : i32
        %dma_wait3A_888 = tpu.memref_slice %arg15[%dma_wait3A_887] : memref<7168xf32, #tpu.memory_space<vmem_shared>> -> memref<7168xf32, #tpu.memory_space<vmem_shared>>
        tpu.wait_indirect_dma semaphore(%run_scoped3A : memref<!tpu.dma_semaphore, #tpu.memory_space<semaphore_mem>>) src(%arg12 : memref<128xf32, #tpu.memory_space<vmem>>) dst(%dma_wait3A_888 : memref<7168xf32, #tpu.memory_space<vmem_shared>>)
        tpu.yield
      }) : () -> ()
      %add3A_877 = arith.constant 1 : i32
      %add3A_878 = arith.addi %while3A_866, %add3A_877 : i32
      scf.yield %add3A_878 : i32
    }
    %barrier3A_238 = arith.constant 0 : index
    tpu.barrier barrier_id(%barrier3A_238)
    %mul3A_239 = arith.constant 392 : i32
    %mul3A_240 = arith.muli %arg1, %mul3A_239 : i32
    %add3A_241 = arith.addi %mul3A_52, %mul3A_240 : i32
    "tpu.region"() ({
      %run_scoped3A = tpu.sem_alloc : memref<!tpu.dma_semaphore, #tpu.memory_space<semaphore_mem>>
      %dma_start3A = arith.constant 0 : i32
      %dma_start3A_866 = tpu.memref_slice %arg5[%add3A_241, %dma_start3A] : memref<50176x128xf32, #tpu.memory_space<hbm>> -> memref<392x128xf32, #tpu.memory_space<hbm>>
      %dma_start3A_867 = arith.constant 0 : i32
      %dma_start3A_868 = tpu.memref_slice %arg14[%mul3A_240, %dma_start3A_867] : memref<6400x128xf32, #tpu.memory_space<vmem_shared>> -> memref<392x128xf32, #tpu.memory_space<vmem_shared>>
      tpu.enqueue_dma source(%dma_start3A_868 : memref<392x128xf32, #tpu.memory_space<vmem_shared>>) target(%dma_start3A_866 : memref<392x128xf32, #tpu.memory_space<hbm>>) target_semaphore(%run_scoped3A : memref<!tpu.dma_semaphore, #tpu.memory_space<semaphore_mem>>)
      %dma_wait3A = arith.constant 0 : i32
      %dma_wait3A_869 = tpu.memref_slice %arg5[%add3A_241, %dma_wait3A] : memref<50176x128xf32, #tpu.memory_space<hbm>> -> memref<392x128xf32, #tpu.memory_space<hbm>>
      %dma_wait3A_870 = arith.constant 0 : i32
      %dma_wait3A_871 = tpu.memref_slice %arg14[%mul3A_240, %dma_wait3A_870] : memref<6400x128xf32, #tpu.memory_space<vmem_shared>> -> memref<392x128xf32, #tpu.memory_space<vmem_shared>>
      tpu.wait_dma2 semaphore(%run_scoped3A : memref<!tpu.dma_semaphore, #tpu.memory_space<semaphore_mem>>) src(%dma_wait3A_871 : memref<392x128xf32, #tpu.memory_space<vmem_shared>>) dst(%dma_wait3A_869 : memref<392x128xf32, #tpu.memory_space<hbm>>)
      tpu.yield
    }) : () -> ()
    %eq3A = arith.constant 0 : i32
    %eq3A_242 = arith.cmpi eq, %arg1, %eq3A : i32
    %convert_element_type3A = arith.extui %eq3A_242 : i1 to i32
    %cond3A = arith.constant 0 : i32
    %cond3A_243 = arith.cmpi ne, %convert_element_type3A, %cond3A : i32
    scf.if %cond3A_243 {
      "tpu.region"() ({
        %run_scoped3A = tpu.sem_alloc : memref<!tpu.dma_semaphore, #tpu.memory_space<semaphore_mem>>
        %dma_start3A = tpu.memref_slice %arg6[%mul3A_52] : memref<50176xf32, #tpu.memory_space<hbm>> -> memref<6272xf32, #tpu.memory_space<hbm>>
        %dma_start3A_866 = arith.constant 0 : i32
        %dma_start3A_867 = tpu.memref_slice %arg15[%dma_start3A_866] : memref<7168xf32, #tpu.memory_space<vmem_shared>> -> memref<6272xf32, #tpu.memory_space<vmem_shared>>
        tpu.enqueue_dma source(%dma_start3A_867 : memref<6272xf32, #tpu.memory_space<vmem_shared>>) target(%dma_start3A : memref<6272xf32, #tpu.memory_space<hbm>>) target_semaphore(%run_scoped3A : memref<!tpu.dma_semaphore, #tpu.memory_space<semaphore_mem>>)
        %dma_wait3A = tpu.memref_slice %arg6[%mul3A_52] : memref<50176xf32, #tpu.memory_space<hbm>> -> memref<6272xf32, #tpu.memory_space<hbm>>
        %dma_wait3A_868 = arith.constant 0 : i32
        %dma_wait3A_869 = tpu.memref_slice %arg15[%dma_wait3A_868] : memref<7168xf32, #tpu.memory_space<vmem_shared>> -> memref<6272xf32, #tpu.memory_space<vmem_shared>>
        tpu.wait_dma2 semaphore(%run_scoped3A : memref<!tpu.dma_semaphore, #tpu.memory_space<semaphore_mem>>) src(%dma_wait3A_869 : memref<6272xf32, #tpu.memory_space<vmem_shared>>) dst(%dma_wait3A : memref<6272xf32, #tpu.memory_space<hbm>>)
        tpu.yield
      }) : () -> ()
    } else {
    }
    %barrier3A_244 = arith.constant 0 : index
    tpu.barrier barrier_id(%barrier3A_244)
    %mul3A_245 = arith.constant 4 : i32
    %mul3A_246 = arith.muli %mul3A_245, %arg0 : i32
    %add3A_247 = arith.constant 1 : i32
    %add3A_248 = arith.addi %mul3A_246, %add3A_247 : i32
    %mul3A_249 = arith.constant 6272 : i32
    %mul3A_250 = arith.muli %add3A_248, %mul3A_249 : i32
    %mul3A_251 = arith.constant 400 : i32
    %mul3A_252 = arith.muli %arg1, %mul3A_251 : i32
    %add3A_253 = arith.constant 0 : i32
    %add3A_254 = arith.addi %mul3A_252, %add3A_253 : i32
    "tpu.region"() ({
      %run_scoped3A = tpu.sem_alloc : memref<!tpu.dma_semaphore, #tpu.memory_space<semaphore_mem>>
      %dma_start3A = arith.constant 0 : i32
      %dma_start3A_866 = tpu.memref_slice %arg14[%add3A_254, %dma_start3A] : memref<6400x128xf32, #tpu.memory_space<vmem_shared>> -> memref<128x128xf32, #tpu.memory_space<vmem_shared>>
      %dma_start3A_867 = arith.constant 0 : i32
      %dma_start3A_868 = tpu.memref_slice %arg14[%add3A_254, %dma_start3A_867] : memref<6400x128xf32, #tpu.memory_space<vmem_shared>> -> memref<128x128xf32, #tpu.memory_space<vmem_shared>>
      tpu.enqueue_dma source(%arg10 : memref<128x128xf32, #tpu.memory_space<vmem>>) target(%dma_start3A_868 : memref<128x128xf32, #tpu.memory_space<vmem_shared>>) target_semaphore(%run_scoped3A : memref<!tpu.dma_semaphore, #tpu.memory_space<semaphore_mem>>)
      %dma_wait3A = arith.constant 0 : i32
      %dma_wait3A_869 = tpu.memref_slice %arg14[%add3A_254, %dma_wait3A] : memref<6400x128xf32, #tpu.memory_space<vmem_shared>> -> memref<128x128xf32, #tpu.memory_space<vmem_shared>>
      %dma_wait3A_870 = arith.constant 0 : i32
      %dma_wait3A_871 = tpu.memref_slice %arg14[%add3A_254, %dma_wait3A_870] : memref<6400x128xf32, #tpu.memory_space<vmem_shared>> -> memref<128x128xf32, #tpu.memory_space<vmem_shared>>
      tpu.wait_dma2 semaphore(%run_scoped3A : memref<!tpu.dma_semaphore, #tpu.memory_space<semaphore_mem>>) src(%arg10 : memref<128x128xf32, #tpu.memory_space<vmem>>) dst(%dma_wait3A_871 : memref<128x128xf32, #tpu.memory_space<vmem_shared>>)
      tpu.yield
    }) : () -> ()
    %add3A_255 = arith.constant 128 : i32
    %add3A_256 = arith.addi %mul3A_252, %add3A_255 : i32
    "tpu.region"() ({
      %run_scoped3A = tpu.sem_alloc : memref<!tpu.dma_semaphore, #tpu.memory_space<semaphore_mem>>
      %dma_start3A = arith.constant 0 : i32
      %dma_start3A_866 = tpu.memref_slice %arg14[%add3A_256, %dma_start3A] : memref<6400x128xf32, #tpu.memory_space<vmem_shared>> -> memref<128x128xf32, #tpu.memory_space<vmem_shared>>
      %dma_start3A_867 = arith.constant 0 : i32
      %dma_start3A_868 = tpu.memref_slice %arg14[%add3A_256, %dma_start3A_867] : memref<6400x128xf32, #tpu.memory_space<vmem_shared>> -> memref<128x128xf32, #tpu.memory_space<vmem_shared>>
      tpu.enqueue_dma source(%arg10 : memref<128x128xf32, #tpu.memory_space<vmem>>) target(%dma_start3A_868 : memref<128x128xf32, #tpu.memory_space<vmem_shared>>) target_semaphore(%run_scoped3A : memref<!tpu.dma_semaphore, #tpu.memory_space<semaphore_mem>>)
      %dma_wait3A = arith.constant 0 : i32
      %dma_wait3A_869 = tpu.memref_slice %arg14[%add3A_256, %dma_wait3A] : memref<6400x128xf32, #tpu.memory_space<vmem_shared>> -> memref<128x128xf32, #tpu.memory_space<vmem_shared>>
      %dma_wait3A_870 = arith.constant 0 : i32
      %dma_wait3A_871 = tpu.memref_slice %arg14[%add3A_256, %dma_wait3A_870] : memref<6400x128xf32, #tpu.memory_space<vmem_shared>> -> memref<128x128xf32, #tpu.memory_space<vmem_shared>>
      tpu.wait_dma2 semaphore(%run_scoped3A : memref<!tpu.dma_semaphore, #tpu.memory_space<semaphore_mem>>) src(%arg10 : memref<128x128xf32, #tpu.memory_space<vmem>>) dst(%dma_wait3A_871 : memref<128x128xf32, #tpu.memory_space<vmem_shared>>)
      tpu.yield
    }) : () -> ()
    %add3A_257 = arith.constant 256 : i32
    %add3A_258 = arith.addi %mul3A_252, %add3A_257 : i32
    "tpu.region"() ({
      %run_scoped3A = tpu.sem_alloc : memref<!tpu.dma_semaphore, #tpu.memory_space<semaphore_mem>>
      %dma_start3A = arith.constant 0 : i32
      %dma_start3A_866 = tpu.memref_slice %arg14[%add3A_258, %dma_start3A] : memref<6400x128xf32, #tpu.memory_space<vmem_shared>> -> memref<128x128xf32, #tpu.memory_space<vmem_shared>>
      %dma_start3A_867 = arith.constant 0 : i32
      %dma_start3A_868 = tpu.memref_slice %arg14[%add3A_258, %dma_start3A_867] : memref<6400x128xf32, #tpu.memory_space<vmem_shared>> -> memref<128x128xf32, #tpu.memory_space<vmem_shared>>
      tpu.enqueue_dma source(%arg10 : memref<128x128xf32, #tpu.memory_space<vmem>>) target(%dma_start3A_868 : memref<128x128xf32, #tpu.memory_space<vmem_shared>>) target_semaphore(%run_scoped3A : memref<!tpu.dma_semaphore, #tpu.memory_space<semaphore_mem>>)
      %dma_wait3A = arith.constant 0 : i32
      %dma_wait3A_869 = tpu.memref_slice %arg14[%add3A_258, %dma_wait3A] : memref<6400x128xf32, #tpu.memory_space<vmem_shared>> -> memref<128x128xf32, #tpu.memory_space<vmem_shared>>
      %dma_wait3A_870 = arith.constant 0 : i32
      %dma_wait3A_871 = tpu.memref_slice %arg14[%add3A_258, %dma_wait3A_870] : memref<6400x128xf32, #tpu.memory_space<vmem_shared>> -> memref<128x128xf32, #tpu.memory_space<vmem_shared>>
      tpu.wait_dma2 semaphore(%run_scoped3A : memref<!tpu.dma_semaphore, #tpu.memory_space<semaphore_mem>>) src(%arg10 : memref<128x128xf32, #tpu.memory_space<vmem>>) dst(%dma_wait3A_871 : memref<128x128xf32, #tpu.memory_space<vmem_shared>>)
      tpu.yield
    }) : () -> ()
    %add3A_259 = arith.constant 384 : i32
    %add3A_260 = arith.addi %mul3A_252, %add3A_259 : i32
    "tpu.region"() ({
      %run_scoped3A = tpu.sem_alloc : memref<!tpu.dma_semaphore, #tpu.memory_space<semaphore_mem>>
      %dma_start3A = arith.constant 0 : i32
      %dma_start3A_866 = arith.constant 0 : i32
      %dma_start3A_867 = tpu.memref_slice %arg10[%dma_start3A, %dma_start3A_866] : memref<128x128xf32, #tpu.memory_space<vmem>> -> memref<16x128xf32, #tpu.memory_space<vmem>>
      %dma_start3A_868 = arith.constant 0 : i32
      %dma_start3A_869 = tpu.memref_slice %arg14[%add3A_260, %dma_start3A_868] : memref<6400x128xf32, #tpu.memory_space<vmem_shared>> -> memref<16x128xf32, #tpu.memory_space<vmem_shared>>
      %dma_start3A_870 = arith.constant 0 : i32
      %dma_start3A_871 = tpu.memref_slice %arg14[%add3A_260, %dma_start3A_870] : memref<6400x128xf32, #tpu.memory_space<vmem_shared>> -> memref<16x128xf32, #tpu.memory_space<vmem_shared>>
      %dma_start3A_872 = arith.constant 0 : i32
      %dma_start3A_873 = arith.constant 0 : i32
      %dma_start3A_874 = tpu.memref_slice %arg10[%dma_start3A_872, %dma_start3A_873] : memref<128x128xf32, #tpu.memory_space<vmem>> -> memref<16x128xf32, #tpu.memory_space<vmem>>
      tpu.enqueue_dma source(%dma_start3A_874 : memref<16x128xf32, #tpu.memory_space<vmem>>) target(%dma_start3A_871 : memref<16x128xf32, #tpu.memory_space<vmem_shared>>) target_semaphore(%run_scoped3A : memref<!tpu.dma_semaphore, #tpu.memory_space<semaphore_mem>>)
      %dma_wait3A = arith.constant 0 : i32
      %dma_wait3A_875 = arith.constant 0 : i32
      %dma_wait3A_876 = tpu.memref_slice %arg10[%dma_wait3A, %dma_wait3A_875] : memref<128x128xf32, #tpu.memory_space<vmem>> -> memref<16x128xf32, #tpu.memory_space<vmem>>
      %dma_wait3A_877 = arith.constant 0 : i32
      %dma_wait3A_878 = tpu.memref_slice %arg14[%add3A_260, %dma_wait3A_877] : memref<6400x128xf32, #tpu.memory_space<vmem_shared>> -> memref<16x128xf32, #tpu.memory_space<vmem_shared>>
      %dma_wait3A_879 = arith.constant 0 : i32
      %dma_wait3A_880 = tpu.memref_slice %arg14[%add3A_260, %dma_wait3A_879] : memref<6400x128xf32, #tpu.memory_space<vmem_shared>> -> memref<16x128xf32, #tpu.memory_space<vmem_shared>>
      %dma_wait3A_881 = arith.constant 0 : i32
      %dma_wait3A_882 = arith.constant 0 : i32
      %dma_wait3A_883 = tpu.memref_slice %arg10[%dma_wait3A_881, %dma_wait3A_882] : memref<128x128xf32, #tpu.memory_space<vmem>> -> memref<16x128xf32, #tpu.memory_space<vmem>>
      tpu.wait_dma2 semaphore(%run_scoped3A : memref<!tpu.dma_semaphore, #tpu.memory_space<semaphore_mem>>) src(%dma_wait3A_883 : memref<16x128xf32, #tpu.memory_space<vmem>>) dst(%dma_wait3A_880 : memref<16x128xf32, #tpu.memory_space<vmem_shared>>)
      tpu.yield
    }) : () -> ()
    %mul3A_261 = arith.constant 448 : i32
    %mul3A_262 = arith.muli %arg1, %mul3A_261 : i32
    "tpu.region"() ({
      %run_scoped3A = tpu.sem_alloc : memref<!tpu.dma_semaphore, #tpu.memory_space<semaphore_mem>>
      %dma_start3A = tpu.memref_slice %arg15[%mul3A_262] : memref<7168xf32, #tpu.memory_space<vmem_shared>> -> memref<448xf32, #tpu.memory_space<vmem_shared>>
      %dma_start3A_866 = tpu.memref_slice %arg15[%mul3A_262] : memref<7168xf32, #tpu.memory_space<vmem_shared>> -> memref<448xf32, #tpu.memory_space<vmem_shared>>
      tpu.enqueue_dma source(%arg11 : memref<448xf32, #tpu.memory_space<vmem>>) target(%dma_start3A_866 : memref<448xf32, #tpu.memory_space<vmem_shared>>) target_semaphore(%run_scoped3A : memref<!tpu.dma_semaphore, #tpu.memory_space<semaphore_mem>>)
      %dma_wait3A = tpu.memref_slice %arg15[%mul3A_262] : memref<7168xf32, #tpu.memory_space<vmem_shared>> -> memref<448xf32, #tpu.memory_space<vmem_shared>>
      %dma_wait3A_867 = tpu.memref_slice %arg15[%mul3A_262] : memref<7168xf32, #tpu.memory_space<vmem_shared>> -> memref<448xf32, #tpu.memory_space<vmem_shared>>
      tpu.wait_dma2 semaphore(%run_scoped3A : memref<!tpu.dma_semaphore, #tpu.memory_space<semaphore_mem>>) src(%arg11 : memref<448xf32, #tpu.memory_space<vmem>>) dst(%dma_wait3A_867 : memref<448xf32, #tpu.memory_space<vmem_shared>>)
      tpu.yield
    }) : () -> ()
    %barrier3A_263 = arith.constant 0 : index
    tpu.barrier barrier_id(%barrier3A_263)
    "tpu.region"() ({
      %run_scoped3A = tpu.sem_alloc : memref<!tpu.dma_semaphore, #tpu.memory_space<semaphore_mem>>
      %dma_start3A = arith.constant 0 : i32
      %dma_start3A_866 = tpu.memref_slice %arg2[%mul3A_0, %dma_start3A] : memref<2432x128xi32, #tpu.memory_space<hbm>> -> memref<152x128xi32, #tpu.memory_space<hbm>>
      %dma_start3A_867 = arith.constant 0 : i32
      %dma_start3A_868 = tpu.memref_slice %arg2[%mul3A_0, %dma_start3A_867] : memref<2432x128xi32, #tpu.memory_space<hbm>> -> memref<152x128xi32, #tpu.memory_space<hbm>>
      tpu.enqueue_dma source(%dma_start3A_868 : memref<152x128xi32, #tpu.memory_space<hbm>>) target(%arg7 : memref<152x128xi32, #tpu.memory_space<vmem>>) target_semaphore(%run_scoped3A : memref<!tpu.dma_semaphore, #tpu.memory_space<semaphore_mem>>)
      %dma_wait3A = arith.constant 0 : i32
      %dma_wait3A_869 = tpu.memref_slice %arg2[%mul3A_0, %dma_wait3A] : memref<2432x128xi32, #tpu.memory_space<hbm>> -> memref<152x128xi32, #tpu.memory_space<hbm>>
      %dma_wait3A_870 = arith.constant 0 : i32
      %dma_wait3A_871 = tpu.memref_slice %arg2[%mul3A_0, %dma_wait3A_870] : memref<2432x128xi32, #tpu.memory_space<hbm>> -> memref<152x128xi32, #tpu.memory_space<hbm>>
      tpu.wait_dma2 semaphore(%run_scoped3A : memref<!tpu.dma_semaphore, #tpu.memory_space<semaphore_mem>>) src(%dma_wait3A_871 : memref<152x128xi32, #tpu.memory_space<hbm>>) dst(%arg7 : memref<152x128xi32, #tpu.memory_space<vmem>>)
      tpu.yield
    }) : () -> ()
    "tpu.region"() ({
      %run_scoped3A = tpu.sem_alloc : memref<!tpu.dma_semaphore, #tpu.memory_space<semaphore_mem>>
      %dma_start3A = arith.constant 0 : i32
      %dma_start3A_866 = tpu.memref_slice %arg3[%mul3A_0, %dma_start3A] : memref<2432x128xi32, #tpu.memory_space<hbm>> -> memref<152x128xi32, #tpu.memory_space<hbm>>
      %dma_start3A_867 = arith.constant 0 : i32
      %dma_start3A_868 = tpu.memref_slice %arg3[%mul3A_0, %dma_start3A_867] : memref<2432x128xi32, #tpu.memory_space<hbm>> -> memref<152x128xi32, #tpu.memory_space<hbm>>
      tpu.enqueue_dma source(%dma_start3A_868 : memref<152x128xi32, #tpu.memory_space<hbm>>) target(%arg8 : memref<152x128xi32, #tpu.memory_space<vmem>>) target_semaphore(%run_scoped3A : memref<!tpu.dma_semaphore, #tpu.memory_space<semaphore_mem>>)
      %dma_wait3A = arith.constant 0 : i32
      %dma_wait3A_869 = tpu.memref_slice %arg3[%mul3A_0, %dma_wait3A] : memref<2432x128xi32, #tpu.memory_space<hbm>> -> memref<152x128xi32, #tpu.memory_space<hbm>>
      %dma_wait3A_870 = arith.constant 0 : i32
      %dma_wait3A_871 = tpu.memref_slice %arg3[%mul3A_0, %dma_wait3A_870] : memref<2432x128xi32, #tpu.memory_space<hbm>> -> memref<152x128xi32, #tpu.memory_space<hbm>>
      tpu.wait_dma2 semaphore(%run_scoped3A : memref<!tpu.dma_semaphore, #tpu.memory_space<semaphore_mem>>) src(%dma_wait3A_871 : memref<152x128xi32, #tpu.memory_space<hbm>>) dst(%arg8 : memref<152x128xi32, #tpu.memory_space<vmem>>)
      tpu.yield
    }) : () -> ()
    %broadcast_in_dim3A_264 = vector.broadcast %mul3A_250 : i32 to vector<16xi32>
    %add3A_265 = arith.constant 6272 : i32
    %add3A_266 = arith.addi %mul3A_250, %add3A_265 : i32
    %broadcast_in_dim3A_267 = vector.broadcast %add3A_266 : i32 to vector<16xi32>
    %swap3A_268 = arith.constant 0 : index
    %swap3A_269 = tpu.vector_load %arg13[%swap3A_268] {strides = array<i32>} : memref<16xi32, #tpu.memory_space<vmem>>, vector<16xi32>,
    tpu.vector_store %arg13[%swap3A_268], %broadcast_in_dim3A_1 {strides = array<i32>} : memref<16xi32, #tpu.memory_space<vmem>>, vector<16xi32>,
    %scan3A_270 = arith.constant 0 : i32
    %scan3A_271 = arith.constant 0 : i32
    %scan3A_272 = arith.constant 1216 : i32
    %scan3A_273 = arith.addi %scan3A_271, %scan3A_272 : i32
    %scan3A_274 = arith.constant 1 : i32
    %scan3A_275 = scf.for %scan3A_866 = %scan3A_271 to %scan3A_273 step %scan3A_274 iter_args(%scan3A_867 = %scan3A_270) -> (i32)  : i32 {
      %jit3A = arith.constant 8 : i32
      %div3A = arith.divsi %scan3A_866, %jit3A : i32
      %sign3A = arith.constant 0 : i32
      %sign3A_868 = arith.cmpi sgt, %scan3A_866, %sign3A : i32
      %sign3A_869 = arith.extui %sign3A_868 : i1 to i32
      %sign3A_870 = arith.constant 0 : i32
      %sign3A_871 = arith.cmpi slt, %scan3A_866, %sign3A_870 : i32
      %sign3A_872 = arith.extui %sign3A_871 : i1 to i32
      %sign3A_873 = arith.subi %sign3A_869, %sign3A_872 : i32
      %sign3A_874 = arith.constant 0 : i32
      %sign3A_875 = arith.cmpi sgt, %jit3A, %sign3A_874 : i32
      %sign3A_876 = arith.extui %sign3A_875 : i1 to i32
      %sign3A_877 = arith.constant 0 : i32
      %sign3A_878 = arith.cmpi slt, %jit3A, %sign3A_877 : i32
      %sign3A_879 = arith.extui %sign3A_878 : i1 to i32
      %sign3A_880 = arith.subi %sign3A_876, %sign3A_879 : i32
      %ne3A = arith.cmpi ne, %sign3A_873, %sign3A_880 : i32
      %rem3A = arith.remsi %scan3A_866, %jit3A : i32
      %ne3A_881 = arith.constant 0 : i32
      %ne3A_882 = arith.cmpi ne, %rem3A, %ne3A_881 : i32
      %and3A_883 = arith.andi %ne3A, %ne3A_882 : i1
      %sub3A = arith.constant 1 : i32
      %sub3A_884 = arith.subi %div3A, %sub3A : i32
      %select_n3A = arith.select %and3A_883, %sub3A_884, %div3A : i32
      %jit3A_885 = arith.constant 8 : i32
      %eq3A_886 = arith.constant 0 : i32
      %eq3A_887 = arith.cmpi eq, %jit3A_885, %eq3A_886 : i32
      %jit3A_888 = arith.constant 1 : i32
      %select_n3A_889 = arith.select %eq3A_887, %jit3A_888, %jit3A_885 : i32
      %rem3A_890 = arith.remsi %scan3A_866, %select_n3A_889 : i32
      %ne3A_891 = arith.constant 0 : i32
      %ne3A_892 = arith.cmpi ne, %rem3A_890, %ne3A_891 : i32
      %lt3A_893 = arith.constant 0 : i32
      %lt3A_894 = arith.cmpi slt, %rem3A_890, %lt3A_893 : i32
      %lt3A_895 = arith.constant 0 : i32
      %lt3A_896 = arith.cmpi slt, %select_n3A_889, %lt3A_895 : i32
      %ne3A_897 = arith.xori %lt3A_894, %lt3A_896 : i1
      %and3A_898 = arith.andi %ne3A_897, %ne3A_892 : i1
      %add3A_899 = arith.addi %rem3A_890, %select_n3A_889 : i32
      %select_n3A_900 = arith.select %and3A_898, %add3A_899, %rem3A_890 : i32
      %mul3A_901 = arith.constant 16 : i32
      %mul3A_902 = arith.muli %select_n3A_900, %mul3A_901 : i32
      %get3A_903 = arith.index_cast %select_n3A : i32 to index
      %get3A_904 = arith.index_cast %mul3A_902 : i32 to index
      %get3A_905 = tpu.vector_load %arg7[%get3A_903, %get3A_904] {strides = array<i32>} : memref<152x128xi32, #tpu.memory_space<vmem>>, vector<16xi32>,
      %get3A_906 = arith.index_cast %select_n3A : i32 to index
      %get3A_907 = arith.index_cast %mul3A_902 : i32 to index
      %get3A_908 = tpu.vector_load %arg8[%get3A_906, %get3A_907] {strides = array<i32>} : memref<152x128xi32, #tpu.memory_space<vmem>>, vector<16xi32>,
      %sub3A_909 = arith.subi %get3A_908, %broadcast_in_dim3A_264 : vector<16xi32>
      %ge3A = arith.cmpi sge, %get3A_908, %broadcast_in_dim3A_264 : vector<16xi32>
      %lt3A_910 = arith.cmpi slt, %get3A_908, %broadcast_in_dim3A_267 : vector<16xi32>
      %and3A_911 = arith.andi %ge3A, %lt3A_910 : vector<16xi1>
      %select_n3A_912 = arith.select %and3A_911, %broadcast_in_dim3A_3, %broadcast_in_dim3A_1 : vector<16xi1>, vector<16xi32>
      %get3A_913 = arith.constant 0 : index
      %get3A_914 = tpu.vector_load %arg13[%get3A_913] {strides = array<i32>} : memref<16xi32, #tpu.memory_space<vmem>>, vector<16xi32>,
      %broadcast_in_dim3A_915 = arith.constant true
      %broadcast_in_dim3A_916 = vector.broadcast %broadcast_in_dim3A_915 : i1 to vector<16xi1>
      %masked_cumsum3A = tpu.scan <sum>, %select_n3A_912 masked %broadcast_in_dim3A_916 : vector<16xi32>, vector<16xi1> -> vector<16xi32>
      %add3A_917 = arith.addi %get3A_914, %masked_cumsum3A : vector<16xi32>
      %sub3A_918 = arith.constant 1 : i32
      %sub3A_919 = vector.broadcast %sub3A_918 : i32 to vector<16xi32>
      %sub3A_920 = arith.subi %add3A_917, %sub3A_919 : vector<16xi32>
      %shift_right_arithmetic3A_921 = arith.constant 7 : i32
      %shift_right_arithmetic3A_922 = vector.broadcast %shift_right_arithmetic3A_921 : i32 to vector<16xi32>
      %shift_right_arithmetic3A_923 = arith.shrsi %sub3A_920, %shift_right_arithmetic3A_922 : vector<16xi32>
      %and3A_924 = arith.constant 127 : i32
      %and3A_925 = vector.broadcast %and3A_924 : i32 to vector<16xi32>
      %and3A_926 = arith.andi %sub3A_920, %and3A_925 : vector<16xi32>
      tpu.vector_store_idx %arg7[%shift_right_arithmetic3A_923, %and3A_926], %get3A_905 masked %and3A_911 : memref<152x128xi32, #tpu.memory_space<vmem>>[vector<16xi32>, vector<16xi32>], vector<16xi32>, vector<16xi1>
      %shift_right_arithmetic3A_927 = arith.constant 7 : i32
      %shift_right_arithmetic3A_928 = vector.broadcast %shift_right_arithmetic3A_927 : i32 to vector<16xi32>
      %shift_right_arithmetic3A_929 = arith.shrsi %sub3A_920, %shift_right_arithmetic3A_928 : vector<16xi32>
      %and3A_930 = arith.constant 127 : i32
      %and3A_931 = vector.broadcast %and3A_930 : i32 to vector<16xi32>
      %and3A_932 = arith.andi %sub3A_920, %and3A_931 : vector<16xi32>
      tpu.vector_store_idx %arg8[%shift_right_arithmetic3A_929, %and3A_932], %sub3A_909 masked %and3A_911 : memref<152x128xi32, #tpu.memory_space<vmem>>[vector<16xi32>, vector<16xi32>], vector<16xi32>, vector<16xi1>
      %all_reduce_population_count3A = tpu.all_reduce %and3A_911 {dim = 0 : i64, kind = #tpu.reduction_kind<sum>} : vector<16xi1> -> vector<16xi32>
      %add3A_933 = arith.addi %get3A_914, %all_reduce_population_count3A : vector<16xi32>
      %swap3A_934 = arith.constant 0 : index
      %swap3A_935 = tpu.vector_load %arg13[%swap3A_934] {strides = array<i32>} : memref<16xi32, #tpu.memory_space<vmem>>, vector<16xi32>,
      tpu.vector_store %arg13[%swap3A_934], %add3A_933 {strides = array<i32>} : memref<16xi32, #tpu.memory_space<vmem>>, vector<16xi32>,
      %scan3A_936 = arith.constant 0 : i32
      scf.yield %scan3A_936 : i32
    }
    %scan3A_276 = arith.constant 1216 : i32
    %get3A_277 = arith.constant 0 : index
    %get3A_278 = tpu.vector_load %arg13[%get3A_277] {strides = array<i32>} : memref<16xi32, #tpu.memory_space<vmem>>, vector<16xi32>,
    %add3A_279 = arith.constant 127 : i32
    %add3A_280 = vector.broadcast %add3A_279 : i32 to vector<16xi32>
    %add3A_281 = arith.addi %get3A_278, %add3A_280 : vector<16xi32>
    %shift_right_arithmetic3A_282 = arith.constant 7 : i32
    %shift_right_arithmetic3A_283 = vector.broadcast %shift_right_arithmetic3A_282 : i32 to vector<16xi32>
    %shift_right_arithmetic3A_284 = arith.shrsi %add3A_281, %shift_right_arithmetic3A_283 : vector<16xi32>
    %mul3A_285 = arith.constant 128 : i32
    %mul3A_286 = vector.broadcast %mul3A_285 : i32 to vector<16xi32>
    %mul3A_287 = arith.muli %shift_right_arithmetic3A_284, %mul3A_286 : vector<16xi32>
    %add3A_288 = arith.constant 0 : i32
    %add3A_289 = vector.broadcast %add3A_288 : i32 to vector<16xi32>
    %add3A_290 = arith.addi %get3A_278, %add3A_289 : vector<16xi32>
    %add3A_291 = arith.addi %add3A_290, %iota3A : vector<16xi32>
    %lt3A_292 = arith.cmpi slt, %add3A_291, %mul3A_287 : vector<16xi32>
    %shift_right_arithmetic3A_293 = arith.constant 7 : i32
    %shift_right_arithmetic3A_294 = vector.broadcast %shift_right_arithmetic3A_293 : i32 to vector<16xi32>
    %shift_right_arithmetic3A_295 = arith.shrsi %add3A_291, %shift_right_arithmetic3A_294 : vector<16xi32>
    %and3A_296 = arith.constant 127 : i32
    %and3A_297 = vector.broadcast %and3A_296 : i32 to vector<16xi32>
    %and3A_298 = arith.andi %add3A_291, %and3A_297 : vector<16xi32>
    tpu.vector_store_idx %arg7[%shift_right_arithmetic3A_295, %and3A_298], %broadcast_in_dim3A_1 masked %lt3A_292 : memref<152x128xi32, #tpu.memory_space<vmem>>[vector<16xi32>, vector<16xi32>], vector<16xi32>, vector<16xi1>
    %shift_right_arithmetic3A_299 = arith.constant 7 : i32
    %shift_right_arithmetic3A_300 = vector.broadcast %shift_right_arithmetic3A_299 : i32 to vector<16xi32>
    %shift_right_arithmetic3A_301 = arith.shrsi %add3A_291, %shift_right_arithmetic3A_300 : vector<16xi32>
    %and3A_302 = arith.constant 127 : i32
    %and3A_303 = vector.broadcast %and3A_302 : i32 to vector<16xi32>
    %and3A_304 = arith.andi %add3A_291, %and3A_303 : vector<16xi32>
    %broadcast_in_dim3A_305 = arith.constant 6272 : i32
    %broadcast_in_dim3A_306 = vector.broadcast %broadcast_in_dim3A_305 : i32 to vector<16xi32>
    tpu.vector_store_idx %arg8[%shift_right_arithmetic3A_301, %and3A_304], %broadcast_in_dim3A_306 masked %lt3A_292 : memref<152x128xi32, #tpu.memory_space<vmem>>[vector<16xi32>, vector<16xi32>], vector<16xi32>, vector<16xi1>
    %add3A_307 = arith.constant 16 : i32
    %add3A_308 = vector.broadcast %add3A_307 : i32 to vector<16xi32>
    %add3A_309 = arith.addi %get3A_278, %add3A_308 : vector<16xi32>
    %add3A_310 = arith.addi %add3A_309, %iota3A : vector<16xi32>
    %lt3A_311 = arith.cmpi slt, %add3A_310, %mul3A_287 : vector<16xi32>
    %shift_right_arithmetic3A_312 = arith.constant 7 : i32
    %shift_right_arithmetic3A_313 = vector.broadcast %shift_right_arithmetic3A_312 : i32 to vector<16xi32>
    %shift_right_arithmetic3A_314 = arith.shrsi %add3A_310, %shift_right_arithmetic3A_313 : vector<16xi32>
    %and3A_315 = arith.constant 127 : i32
    %and3A_316 = vector.broadcast %and3A_315 : i32 to vector<16xi32>
    %and3A_317 = arith.andi %add3A_310, %and3A_316 : vector<16xi32>
    tpu.vector_store_idx %arg7[%shift_right_arithmetic3A_314, %and3A_317], %broadcast_in_dim3A_1 masked %lt3A_311 : memref<152x128xi32, #tpu.memory_space<vmem>>[vector<16xi32>, vector<16xi32>], vector<16xi32>, vector<16xi1>
    %shift_right_arithmetic3A_318 = arith.constant 7 : i32
    %shift_right_arithmetic3A_319 = vector.broadcast %shift_right_arithmetic3A_318 : i32 to vector<16xi32>
    %shift_right_arithmetic3A_320 = arith.shrsi %add3A_310, %shift_right_arithmetic3A_319 : vector<16xi32>
    %and3A_321 = arith.constant 127 : i32
    %and3A_322 = vector.broadcast %and3A_321 : i32 to vector<16xi32>
    %and3A_323 = arith.andi %add3A_310, %and3A_322 : vector<16xi32>
    %broadcast_in_dim3A_324 = arith.constant 6272 : i32
    %broadcast_in_dim3A_325 = vector.broadcast %broadcast_in_dim3A_324 : i32 to vector<16xi32>
    tpu.vector_store_idx %arg8[%shift_right_arithmetic3A_320, %and3A_323], %broadcast_in_dim3A_325 masked %lt3A_311 : memref<152x128xi32, #tpu.memory_space<vmem>>[vector<16xi32>, vector<16xi32>], vector<16xi32>, vector<16xi1>
    %add3A_326 = arith.constant 32 : i32
    %add3A_327 = vector.broadcast %add3A_326 : i32 to vector<16xi32>
    %add3A_328 = arith.addi %get3A_278, %add3A_327 : vector<16xi32>
    %add3A_329 = arith.addi %add3A_328, %iota3A : vector<16xi32>
    %lt3A_330 = arith.cmpi slt, %add3A_329, %mul3A_287 : vector<16xi32>
    %shift_right_arithmetic3A_331 = arith.constant 7 : i32
    %shift_right_arithmetic3A_332 = vector.broadcast %shift_right_arithmetic3A_331 : i32 to vector<16xi32>
    %shift_right_arithmetic3A_333 = arith.shrsi %add3A_329, %shift_right_arithmetic3A_332 : vector<16xi32>
    %and3A_334 = arith.constant 127 : i32
    %and3A_335 = vector.broadcast %and3A_334 : i32 to vector<16xi32>
    %and3A_336 = arith.andi %add3A_329, %and3A_335 : vector<16xi32>
    tpu.vector_store_idx %arg7[%shift_right_arithmetic3A_333, %and3A_336], %broadcast_in_dim3A_1 masked %lt3A_330 : memref<152x128xi32, #tpu.memory_space<vmem>>[vector<16xi32>, vector<16xi32>], vector<16xi32>, vector<16xi1>
    %shift_right_arithmetic3A_337 = arith.constant 7 : i32
    %shift_right_arithmetic3A_338 = vector.broadcast %shift_right_arithmetic3A_337 : i32 to vector<16xi32>
    %shift_right_arithmetic3A_339 = arith.shrsi %add3A_329, %shift_right_arithmetic3A_338 : vector<16xi32>
    %and3A_340 = arith.constant 127 : i32
    %and3A_341 = vector.broadcast %and3A_340 : i32 to vector<16xi32>
    %and3A_342 = arith.andi %add3A_329, %and3A_341 : vector<16xi32>
    %broadcast_in_dim3A_343 = arith.constant 6272 : i32
    %broadcast_in_dim3A_344 = vector.broadcast %broadcast_in_dim3A_343 : i32 to vector<16xi32>
    tpu.vector_store_idx %arg8[%shift_right_arithmetic3A_339, %and3A_342], %broadcast_in_dim3A_344 masked %lt3A_330 : memref<152x128xi32, #tpu.memory_space<vmem>>[vector<16xi32>, vector<16xi32>], vector<16xi32>, vector<16xi1>
    %add3A_345 = arith.constant 48 : i32
    %add3A_346 = vector.broadcast %add3A_345 : i32 to vector<16xi32>
    %add3A_347 = arith.addi %get3A_278, %add3A_346 : vector<16xi32>
    %add3A_348 = arith.addi %add3A_347, %iota3A : vector<16xi32>
    %lt3A_349 = arith.cmpi slt, %add3A_348, %mul3A_287 : vector<16xi32>
    %shift_right_arithmetic3A_350 = arith.constant 7 : i32
    %shift_right_arithmetic3A_351 = vector.broadcast %shift_right_arithmetic3A_350 : i32 to vector<16xi32>
    %shift_right_arithmetic3A_352 = arith.shrsi %add3A_348, %shift_right_arithmetic3A_351 : vector<16xi32>
    %and3A_353 = arith.constant 127 : i32
    %and3A_354 = vector.broadcast %and3A_353 : i32 to vector<16xi32>
    %and3A_355 = arith.andi %add3A_348, %and3A_354 : vector<16xi32>
    tpu.vector_store_idx %arg7[%shift_right_arithmetic3A_352, %and3A_355], %broadcast_in_dim3A_1 masked %lt3A_349 : memref<152x128xi32, #tpu.memory_space<vmem>>[vector<16xi32>, vector<16xi32>], vector<16xi32>, vector<16xi1>
    %shift_right_arithmetic3A_356 = arith.constant 7 : i32
    %shift_right_arithmetic3A_357 = vector.broadcast %shift_right_arithmetic3A_356 : i32 to vector<16xi32>
    %shift_right_arithmetic3A_358 = arith.shrsi %add3A_348, %shift_right_arithmetic3A_357 : vector<16xi32>
    %and3A_359 = arith.constant 127 : i32
    %and3A_360 = vector.broadcast %and3A_359 : i32 to vector<16xi32>
    %and3A_361 = arith.andi %add3A_348, %and3A_360 : vector<16xi32>
    %broadcast_in_dim3A_362 = arith.constant 6272 : i32
    %broadcast_in_dim3A_363 = vector.broadcast %broadcast_in_dim3A_362 : i32 to vector<16xi32>
    tpu.vector_store_idx %arg8[%shift_right_arithmetic3A_358, %and3A_361], %broadcast_in_dim3A_363 masked %lt3A_349 : memref<152x128xi32, #tpu.memory_space<vmem>>[vector<16xi32>, vector<16xi32>], vector<16xi32>, vector<16xi1>
    %add3A_364 = arith.constant 64 : i32
    %add3A_365 = vector.broadcast %add3A_364 : i32 to vector<16xi32>
    %add3A_366 = arith.addi %get3A_278, %add3A_365 : vector<16xi32>
    %add3A_367 = arith.addi %add3A_366, %iota3A : vector<16xi32>
    %lt3A_368 = arith.cmpi slt, %add3A_367, %mul3A_287 : vector<16xi32>
    %shift_right_arithmetic3A_369 = arith.constant 7 : i32
    %shift_right_arithmetic3A_370 = vector.broadcast %shift_right_arithmetic3A_369 : i32 to vector<16xi32>
    %shift_right_arithmetic3A_371 = arith.shrsi %add3A_367, %shift_right_arithmetic3A_370 : vector<16xi32>
    %and3A_372 = arith.constant 127 : i32
    %and3A_373 = vector.broadcast %and3A_372 : i32 to vector<16xi32>
    %and3A_374 = arith.andi %add3A_367, %and3A_373 : vector<16xi32>
    tpu.vector_store_idx %arg7[%shift_right_arithmetic3A_371, %and3A_374], %broadcast_in_dim3A_1 masked %lt3A_368 : memref<152x128xi32, #tpu.memory_space<vmem>>[vector<16xi32>, vector<16xi32>], vector<16xi32>, vector<16xi1>
    %shift_right_arithmetic3A_375 = arith.constant 7 : i32
    %shift_right_arithmetic3A_376 = vector.broadcast %shift_right_arithmetic3A_375 : i32 to vector<16xi32>
    %shift_right_arithmetic3A_377 = arith.shrsi %add3A_367, %shift_right_arithmetic3A_376 : vector<16xi32>
    %and3A_378 = arith.constant 127 : i32
    %and3A_379 = vector.broadcast %and3A_378 : i32 to vector<16xi32>
    %and3A_380 = arith.andi %add3A_367, %and3A_379 : vector<16xi32>
    %broadcast_in_dim3A_381 = arith.constant 6272 : i32
    %broadcast_in_dim3A_382 = vector.broadcast %broadcast_in_dim3A_381 : i32 to vector<16xi32>
    tpu.vector_store_idx %arg8[%shift_right_arithmetic3A_377, %and3A_380], %broadcast_in_dim3A_382 masked %lt3A_368 : memref<152x128xi32, #tpu.memory_space<vmem>>[vector<16xi32>, vector<16xi32>], vector<16xi32>, vector<16xi1>
    %add3A_383 = arith.constant 80 : i32
    %add3A_384 = vector.broadcast %add3A_383 : i32 to vector<16xi32>
    %add3A_385 = arith.addi %get3A_278, %add3A_384 : vector<16xi32>
    %add3A_386 = arith.addi %add3A_385, %iota3A : vector<16xi32>
    %lt3A_387 = arith.cmpi slt, %add3A_386, %mul3A_287 : vector<16xi32>
    %shift_right_arithmetic3A_388 = arith.constant 7 : i32
    %shift_right_arithmetic3A_389 = vector.broadcast %shift_right_arithmetic3A_388 : i32 to vector<16xi32>
    %shift_right_arithmetic3A_390 = arith.shrsi %add3A_386, %shift_right_arithmetic3A_389 : vector<16xi32>
    %and3A_391 = arith.constant 127 : i32
    %and3A_392 = vector.broadcast %and3A_391 : i32 to vector<16xi32>
    %and3A_393 = arith.andi %add3A_386, %and3A_392 : vector<16xi32>
    tpu.vector_store_idx %arg7[%shift_right_arithmetic3A_390, %and3A_393], %broadcast_in_dim3A_1 masked %lt3A_387 : memref<152x128xi32, #tpu.memory_space<vmem>>[vector<16xi32>, vector<16xi32>], vector<16xi32>, vector<16xi1>
    %shift_right_arithmetic3A_394 = arith.constant 7 : i32
    %shift_right_arithmetic3A_395 = vector.broadcast %shift_right_arithmetic3A_394 : i32 to vector<16xi32>
    %shift_right_arithmetic3A_396 = arith.shrsi %add3A_386, %shift_right_arithmetic3A_395 : vector<16xi32>
    %and3A_397 = arith.constant 127 : i32
    %and3A_398 = vector.broadcast %and3A_397 : i32 to vector<16xi32>
    %and3A_399 = arith.andi %add3A_386, %and3A_398 : vector<16xi32>
    %broadcast_in_dim3A_400 = arith.constant 6272 : i32
    %broadcast_in_dim3A_401 = vector.broadcast %broadcast_in_dim3A_400 : i32 to vector<16xi32>
    tpu.vector_store_idx %arg8[%shift_right_arithmetic3A_396, %and3A_399], %broadcast_in_dim3A_401 masked %lt3A_387 : memref<152x128xi32, #tpu.memory_space<vmem>>[vector<16xi32>, vector<16xi32>], vector<16xi32>, vector<16xi1>
    %add3A_402 = arith.constant 96 : i32
    %add3A_403 = vector.broadcast %add3A_402 : i32 to vector<16xi32>
    %add3A_404 = arith.addi %get3A_278, %add3A_403 : vector<16xi32>
    %add3A_405 = arith.addi %add3A_404, %iota3A : vector<16xi32>
    %lt3A_406 = arith.cmpi slt, %add3A_405, %mul3A_287 : vector<16xi32>
    %shift_right_arithmetic3A_407 = arith.constant 7 : i32
    %shift_right_arithmetic3A_408 = vector.broadcast %shift_right_arithmetic3A_407 : i32 to vector<16xi32>
    %shift_right_arithmetic3A_409 = arith.shrsi %add3A_405, %shift_right_arithmetic3A_408 : vector<16xi32>
    %and3A_410 = arith.constant 127 : i32
    %and3A_411 = vector.broadcast %and3A_410 : i32 to vector<16xi32>
    %and3A_412 = arith.andi %add3A_405, %and3A_411 : vector<16xi32>
    tpu.vector_store_idx %arg7[%shift_right_arithmetic3A_409, %and3A_412], %broadcast_in_dim3A_1 masked %lt3A_406 : memref<152x128xi32, #tpu.memory_space<vmem>>[vector<16xi32>, vector<16xi32>], vector<16xi32>, vector<16xi1>
    %shift_right_arithmetic3A_413 = arith.constant 7 : i32
    %shift_right_arithmetic3A_414 = vector.broadcast %shift_right_arithmetic3A_413 : i32 to vector<16xi32>
    %shift_right_arithmetic3A_415 = arith.shrsi %add3A_405, %shift_right_arithmetic3A_414 : vector<16xi32>
    %and3A_416 = arith.constant 127 : i32
    %and3A_417 = vector.broadcast %and3A_416 : i32 to vector<16xi32>
    %and3A_418 = arith.andi %add3A_405, %and3A_417 : vector<16xi32>
    %broadcast_in_dim3A_419 = arith.constant 6272 : i32
    %broadcast_in_dim3A_420 = vector.broadcast %broadcast_in_dim3A_419 : i32 to vector<16xi32>
    tpu.vector_store_idx %arg8[%shift_right_arithmetic3A_415, %and3A_418], %broadcast_in_dim3A_420 masked %lt3A_406 : memref<152x128xi32, #tpu.memory_space<vmem>>[vector<16xi32>, vector<16xi32>], vector<16xi32>, vector<16xi1>
    %add3A_421 = arith.constant 112 : i32
    %add3A_422 = vector.broadcast %add3A_421 : i32 to vector<16xi32>
    %add3A_423 = arith.addi %get3A_278, %add3A_422 : vector<16xi32>
    %add3A_424 = arith.addi %add3A_423, %iota3A : vector<16xi32>
    %lt3A_425 = arith.cmpi slt, %add3A_424, %mul3A_287 : vector<16xi32>
    %shift_right_arithmetic3A_426 = arith.constant 7 : i32
    %shift_right_arithmetic3A_427 = vector.broadcast %shift_right_arithmetic3A_426 : i32 to vector<16xi32>
    %shift_right_arithmetic3A_428 = arith.shrsi %add3A_424, %shift_right_arithmetic3A_427 : vector<16xi32>
    %and3A_429 = arith.constant 127 : i32
    %and3A_430 = vector.broadcast %and3A_429 : i32 to vector<16xi32>
    %and3A_431 = arith.andi %add3A_424, %and3A_430 : vector<16xi32>
    tpu.vector_store_idx %arg7[%shift_right_arithmetic3A_428, %and3A_431], %broadcast_in_dim3A_1 masked %lt3A_425 : memref<152x128xi32, #tpu.memory_space<vmem>>[vector<16xi32>, vector<16xi32>], vector<16xi32>, vector<16xi1>
    %shift_right_arithmetic3A_432 = arith.constant 7 : i32
    %shift_right_arithmetic3A_433 = vector.broadcast %shift_right_arithmetic3A_432 : i32 to vector<16xi32>
    %shift_right_arithmetic3A_434 = arith.shrsi %add3A_424, %shift_right_arithmetic3A_433 : vector<16xi32>
    %and3A_435 = arith.constant 127 : i32
    %and3A_436 = vector.broadcast %and3A_435 : i32 to vector<16xi32>
    %and3A_437 = arith.andi %add3A_424, %and3A_436 : vector<16xi32>
    %broadcast_in_dim3A_438 = arith.constant 6272 : i32
    %broadcast_in_dim3A_439 = vector.broadcast %broadcast_in_dim3A_438 : i32 to vector<16xi32>
    tpu.vector_store_idx %arg8[%shift_right_arithmetic3A_434, %and3A_437], %broadcast_in_dim3A_439 masked %lt3A_425 : memref<152x128xi32, #tpu.memory_space<vmem>>[vector<16xi32>, vector<16xi32>], vector<16xi32>, vector<16xi1>
    %while3A_440 = arith.constant 0 : i32
    %while3A_441 = scf.while (%while3A_866 = %while3A_440) : (i32) -> i32 {
      %get3A_867 = arith.constant 0 : index
      %get3A_868 = tpu.vector_load %arg13[%get3A_867] {strides = array<i32>} : memref<16xi32, #tpu.memory_space<vmem>>, vector<16xi32>,
      %add3A_869 = arith.constant 127 : i32
      %add3A_870 = vector.broadcast %add3A_869 : i32 to vector<16xi32>
      %add3A_871 = arith.addi %get3A_868, %add3A_870 : vector<16xi32>
      %shift_right_arithmetic3A_872 = arith.constant 7 : i32
      %shift_right_arithmetic3A_873 = vector.broadcast %shift_right_arithmetic3A_872 : i32 to vector<16xi32>
      %shift_right_arithmetic3A_874 = arith.shrsi %add3A_871, %shift_right_arithmetic3A_873 : vector<16xi32>
      %broadcast_in_dim3A_875 = vector.broadcast %while3A_866 : i32 to vector<16xi32>
      %lt3A_876 = arith.cmpi slt, %broadcast_in_dim3A_875, %shift_right_arithmetic3A_874 : vector<16xi32>
      %reduce_or3A = arith.constant 1.000000e+00 : f32
      %reduce_or3A_877 = arith.constant 0.000000e+00 : f32
      %reduce_or3A_878 = vector.broadcast %reduce_or3A : f32 to vector<16xf32>
      %reduce_or3A_879 = vector.broadcast %reduce_or3A_877 : f32 to vector<16xf32>
      %reduce_or3A_880 = arith.select %lt3A_876, %reduce_or3A_878, %reduce_or3A_879 : vector<16xi1>, vector<16xf32>
      %reduce_or3A_881 = arith.constant true
      %reduce_or3A_882 = vector.broadcast %reduce_or3A_881 : i1 to vector<16xi1>
      %reduce_or3A_883 = tpu.scan <max>, %reduce_or3A_880 masked %reduce_or3A_882 : vector<16xf32>, vector<16xi1> -> vector<16xf32>
      %reduce_or3A_884 = vector.extract %reduce_or3A_883[15] : f32 from vector<16xf32>
      %reduce_or3A_885 = arith.constant 0.000000e+00 : f32
      %reduce_or3A_886 = arith.cmpf ogt, %reduce_or3A_884, %reduce_or3A_885 : f32
      scf.condition(%reduce_or3A_886) %while3A_866 : i32
    } do {
    ^bb0(%while3A_866: i32):
      %dma_start3A = arith.constant 0 : i32
      %dma_start3A_867 = tpu.memref_slice %arg7[%while3A_866, %dma_start3A] : memref<152x128xi32, #tpu.memory_space<vmem>> -> memref<1x128xi32, #tpu.memory_space<vmem>>
      %dma_start3A_868 = tpu.memref_squeeze %dma_start3A_867 : memref<1x128xi32, #tpu.memory_space<vmem>> -> memref<128xi32, #tpu.memory_space<vmem>>
      %dma_start3A_869 = arith.constant 0 : i32
      %dma_start3A_870 = arith.constant 0 : i32
      %dma_start3A_871 = tpu.memref_slice %arg4[%dma_start3A_869, %dma_start3A_870] : memref<50000x128xf32, #tpu.memory_space<hbm>> -> memref<50000x128xf32, #tpu.memory_space<hbm>>
      tpu.enqueue_indirect_dma source(%dma_start3A_871 : memref<50000x128xf32, #tpu.memory_space<hbm>>) target(%arg9 : memref<128x128xf32, #tpu.memory_space<vmem>>) offsets(%dma_start3A_868 : memref<128xi32, #tpu.memory_space<vmem>>) semaphore(%arg16 : memref<!tpu.dma_semaphore, #tpu.memory_space<semaphore_mem>>)
      %dma_wait3A = arith.constant 0 : i32
      %dma_wait3A_872 = tpu.memref_slice %arg7[%while3A_866, %dma_wait3A] : memref<152x128xi32, #tpu.memory_space<vmem>> -> memref<1x128xi32, #tpu.memory_space<vmem>>
      %dma_wait3A_873 = tpu.memref_squeeze %dma_wait3A_872 : memref<1x128xi32, #tpu.memory_space<vmem>> -> memref<128xi32, #tpu.memory_space<vmem>>
      %dma_wait3A_874 = arith.constant 0 : i32
      %dma_wait3A_875 = arith.constant 0 : i32
      %dma_wait3A_876 = tpu.memref_slice %arg4[%dma_wait3A_874, %dma_wait3A_875] : memref<50000x128xf32, #tpu.memory_space<hbm>> -> memref<50000x128xf32, #tpu.memory_space<hbm>>
      tpu.wait_indirect_dma semaphore(%arg16 : memref<!tpu.dma_semaphore, #tpu.memory_space<semaphore_mem>>) src(%dma_wait3A_876 : memref<50000x128xf32, #tpu.memory_space<hbm>>) dst(%arg9 : memref<128x128xf32, #tpu.memory_space<vmem>>)
      "tpu.region"() ({
        %run_scoped3A = tpu.sem_alloc : memref<!tpu.dma_semaphore, #tpu.memory_space<semaphore_mem>>
        %dma_start3A_879 = arith.constant 0 : i32
        %dma_start3A_880 = tpu.memref_slice %arg8[%while3A_866, %dma_start3A_879] : memref<152x128xi32, #tpu.memory_space<vmem>> -> memref<1x128xi32, #tpu.memory_space<vmem>>
        %dma_start3A_881 = tpu.memref_squeeze %dma_start3A_880 : memref<1x128xi32, #tpu.memory_space<vmem>> -> memref<128xi32, #tpu.memory_space<vmem>>
        %dma_start3A_882 = arith.constant 0 : i32
        %dma_start3A_883 = arith.constant 0 : i32
        %dma_start3A_884 = tpu.memref_slice %arg14[%dma_start3A_882, %dma_start3A_883] : memref<6400x128xf32, #tpu.memory_space<vmem_shared>> -> memref<6400x128xf32, #tpu.memory_space<vmem_shared>>
        tpu.enqueue_indirect_dma source(%arg9 : memref<128x128xf32, #tpu.memory_space<vmem>>) target(%dma_start3A_884 : memref<6400x128xf32, #tpu.memory_space<vmem_shared>>) offsets(%dma_start3A_881 : memref<128xi32, #tpu.memory_space<vmem>>) semaphore(%run_scoped3A : memref<!tpu.dma_semaphore, #tpu.memory_space<semaphore_mem>>) {add = true}
        %dma_wait3A_885 = arith.constant 0 : i32
        %dma_wait3A_886 = tpu.memref_slice %arg8[%while3A_866, %dma_wait3A_885] : memref<152x128xi32, #tpu.memory_space<vmem>> -> memref<1x128xi32, #tpu.memory_space<vmem>>
        %dma_wait3A_887 = tpu.memref_squeeze %dma_wait3A_886 : memref<1x128xi32, #tpu.memory_space<vmem>> -> memref<128xi32, #tpu.memory_space<vmem>>
        %dma_wait3A_888 = arith.constant 0 : i32
        %dma_wait3A_889 = arith.constant 0 : i32
        %dma_wait3A_890 = tpu.memref_slice %arg14[%dma_wait3A_888, %dma_wait3A_889] : memref<6400x128xf32, #tpu.memory_space<vmem_shared>> -> memref<6400x128xf32, #tpu.memory_space<vmem_shared>>
        tpu.wait_indirect_dma semaphore(%run_scoped3A : memref<!tpu.dma_semaphore, #tpu.memory_space<semaphore_mem>>) src(%arg9 : memref<128x128xf32, #tpu.memory_space<vmem>>) dst(%dma_wait3A_890 : memref<6400x128xf32, #tpu.memory_space<vmem_shared>>)
        tpu.yield
      }) : () -> ()
      "tpu.region"() ({
        %run_scoped3A = tpu.sem_alloc : memref<!tpu.dma_semaphore, #tpu.memory_space<semaphore_mem>>
        %dma_start3A_879 = arith.constant 0 : i32
        %dma_start3A_880 = tpu.memref_slice %arg8[%while3A_866, %dma_start3A_879] : memref<152x128xi32, #tpu.memory_space<vmem>> -> memref<1x128xi32, #tpu.memory_space<vmem>>
        %dma_start3A_881 = tpu.memref_squeeze %dma_start3A_880 : memref<1x128xi32, #tpu.memory_space<vmem>> -> memref<128xi32, #tpu.memory_space<vmem>>
        %dma_start3A_882 = arith.constant 0 : i32
        %dma_start3A_883 = tpu.memref_slice %arg15[%dma_start3A_882] : memref<7168xf32, #tpu.memory_space<vmem_shared>> -> memref<7168xf32, #tpu.memory_space<vmem_shared>>
        tpu.enqueue_indirect_dma source(%arg12 : memref<128xf32, #tpu.memory_space<vmem>>) target(%dma_start3A_883 : memref<7168xf32, #tpu.memory_space<vmem_shared>>) offsets(%dma_start3A_881 : memref<128xi32, #tpu.memory_space<vmem>>) semaphore(%run_scoped3A : memref<!tpu.dma_semaphore, #tpu.memory_space<semaphore_mem>>) {add = true}
        %dma_wait3A_884 = arith.constant 0 : i32
        %dma_wait3A_885 = tpu.memref_slice %arg8[%while3A_866, %dma_wait3A_884] : memref<152x128xi32, #tpu.memory_space<vmem>> -> memref<1x128xi32, #tpu.memory_space<vmem>>
        %dma_wait3A_886 = tpu.memref_squeeze %dma_wait3A_885 : memref<1x128xi32, #tpu.memory_space<vmem>> -> memref<128xi32, #tpu.memory_space<vmem>>
        %dma_wait3A_887 = arith.constant 0 : i32
        %dma_wait3A_888 = tpu.memref_slice %arg15[%dma_wait3A_887] : memref<7168xf32, #tpu.memory_space<vmem_shared>> -> memref<7168xf32, #tpu.memory_space<vmem_shared>>
        tpu.wait_indirect_dma semaphore(%run_scoped3A : memref<!tpu.dma_semaphore, #tpu.memory_space<semaphore_mem>>) src(%arg12 : memref<128xf32, #tpu.memory_space<vmem>>) dst(%dma_wait3A_888 : memref<7168xf32, #tpu.memory_space<vmem_shared>>)
        tpu.yield
      }) : () -> ()
      %add3A_877 = arith.constant 1 : i32
      %add3A_878 = arith.addi %while3A_866, %add3A_877 : i32
      scf.yield %add3A_878 : i32
    }
    %barrier3A_442 = arith.constant 0 : index
    tpu.barrier barrier_id(%barrier3A_442)
    %mul3A_443 = arith.constant 392 : i32
    %mul3A_444 = arith.muli %arg1, %mul3A_443 : i32
    %add3A_445 = arith.addi %mul3A_250, %mul3A_444 : i32
    "tpu.region"() ({
      %run_scoped3A = tpu.sem_alloc : memref<!tpu.dma_semaphore, #tpu.memory_space<semaphore_mem>>
      %dma_start3A = arith.constant 0 : i32
      %dma_start3A_866 = tpu.memref_slice %arg5[%add3A_445, %dma_start3A] : memref<50176x128xf32, #tpu.memory_space<hbm>> -> memref<392x128xf32, #tpu.memory_space<hbm>>
      %dma_start3A_867 = arith.constant 0 : i32
      %dma_start3A_868 = tpu.memref_slice %arg14[%mul3A_444, %dma_start3A_867] : memref<6400x128xf32, #tpu.memory_space<vmem_shared>> -> memref<392x128xf32, #tpu.memory_space<vmem_shared>>
      tpu.enqueue_dma source(%dma_start3A_868 : memref<392x128xf32, #tpu.memory_space<vmem_shared>>) target(%dma_start3A_866 : memref<392x128xf32, #tpu.memory_space<hbm>>) target_semaphore(%run_scoped3A : memref<!tpu.dma_semaphore, #tpu.memory_space<semaphore_mem>>)
      %dma_wait3A = arith.constant 0 : i32
      %dma_wait3A_869 = tpu.memref_slice %arg5[%add3A_445, %dma_wait3A] : memref<50176x128xf32, #tpu.memory_space<hbm>> -> memref<392x128xf32, #tpu.memory_space<hbm>>
      %dma_wait3A_870 = arith.constant 0 : i32
      %dma_wait3A_871 = tpu.memref_slice %arg14[%mul3A_444, %dma_wait3A_870] : memref<6400x128xf32, #tpu.memory_space<vmem_shared>> -> memref<392x128xf32, #tpu.memory_space<vmem_shared>>
      tpu.wait_dma2 semaphore(%run_scoped3A : memref<!tpu.dma_semaphore, #tpu.memory_space<semaphore_mem>>) src(%dma_wait3A_871 : memref<392x128xf32, #tpu.memory_space<vmem_shared>>) dst(%dma_wait3A_869 : memref<392x128xf32, #tpu.memory_space<hbm>>)
      tpu.yield
    }) : () -> ()
    %eq3A_446 = arith.constant 0 : i32
    %eq3A_447 = arith.cmpi eq, %arg1, %eq3A_446 : i32
    %convert_element_type3A_448 = arith.extui %eq3A_447 : i1 to i32
    %cond3A_449 = arith.constant 0 : i32
    %cond3A_450 = arith.cmpi ne, %convert_element_type3A_448, %cond3A_449 : i32
    scf.if %cond3A_450 {
      "tpu.region"() ({
        %run_scoped3A = tpu.sem_alloc : memref<!tpu.dma_semaphore, #tpu.memory_space<semaphore_mem>>
        %dma_start3A = tpu.memref_slice %arg6[%mul3A_250] : memref<50176xf32, #tpu.memory_space<hbm>> -> memref<6272xf32, #tpu.memory_space<hbm>>
        %dma_start3A_866 = arith.constant 0 : i32
        %dma_start3A_867 = tpu.memref_slice %arg15[%dma_start3A_866] : memref<7168xf32, #tpu.memory_space<vmem_shared>> -> memref<6272xf32, #tpu.memory_space<vmem_shared>>
        tpu.enqueue_dma source(%dma_start3A_867 : memref<6272xf32, #tpu.memory_space<vmem_shared>>) target(%dma_start3A : memref<6272xf32, #tpu.memory_space<hbm>>) target_semaphore(%run_scoped3A : memref<!tpu.dma_semaphore, #tpu.memory_space<semaphore_mem>>)
        %dma_wait3A = tpu.memref_slice %arg6[%mul3A_250] : memref<50176xf32, #tpu.memory_space<hbm>> -> memref<6272xf32, #tpu.memory_space<hbm>>
        %dma_wait3A_868 = arith.constant 0 : i32
        %dma_wait3A_869 = tpu.memref_slice %arg15[%dma_wait3A_868] : memref<7168xf32, #tpu.memory_space<vmem_shared>> -> memref<6272xf32, #tpu.memory_space<vmem_shared>>
        tpu.wait_dma2 semaphore(%run_scoped3A : memref<!tpu.dma_semaphore, #tpu.memory_space<semaphore_mem>>) src(%dma_wait3A_869 : memref<6272xf32, #tpu.memory_space<vmem_shared>>) dst(%dma_wait3A : memref<6272xf32, #tpu.memory_space<hbm>>)
        tpu.yield
      }) : () -> ()
    } else {
    }
    %barrier3A_451 = arith.constant 0 : index
    tpu.barrier barrier_id(%barrier3A_451)
    %mul3A_452 = arith.constant 4 : i32
    %mul3A_453 = arith.muli %mul3A_452, %arg0 : i32
    %add3A_454 = arith.constant 2 : i32
    %add3A_455 = arith.addi %mul3A_453, %add3A_454 : i32
    %mul3A_456 = arith.constant 6272 : i32
    %mul3A_457 = arith.muli %add3A_455, %mul3A_456 : i32
    %mul3A_458 = arith.constant 400 : i32
    %mul3A_459 = arith.muli %arg1, %mul3A_458 : i32
    %add3A_460 = arith.constant 0 : i32
    %add3A_461 = arith.addi %mul3A_459, %add3A_460 : i32
    "tpu.region"() ({
      %run_scoped3A = tpu.sem_alloc : memref<!tpu.dma_semaphore, #tpu.memory_space<semaphore_mem>>
      %dma_start3A = arith.constant 0 : i32
      %dma_start3A_866 = tpu.memref_slice %arg14[%add3A_461, %dma_start3A] : memref<6400x128xf32, #tpu.memory_space<vmem_shared>> -> memref<128x128xf32, #tpu.memory_space<vmem_shared>>
      %dma_start3A_867 = arith.constant 0 : i32
      %dma_start3A_868 = tpu.memref_slice %arg14[%add3A_461, %dma_start3A_867] : memref<6400x128xf32, #tpu.memory_space<vmem_shared>> -> memref<128x128xf32, #tpu.memory_space<vmem_shared>>
      tpu.enqueue_dma source(%arg10 : memref<128x128xf32, #tpu.memory_space<vmem>>) target(%dma_start3A_868 : memref<128x128xf32, #tpu.memory_space<vmem_shared>>) target_semaphore(%run_scoped3A : memref<!tpu.dma_semaphore, #tpu.memory_space<semaphore_mem>>)
      %dma_wait3A = arith.constant 0 : i32
      %dma_wait3A_869 = tpu.memref_slice %arg14[%add3A_461, %dma_wait3A] : memref<6400x128xf32, #tpu.memory_space<vmem_shared>> -> memref<128x128xf32, #tpu.memory_space<vmem_shared>>
      %dma_wait3A_870 = arith.constant 0 : i32
      %dma_wait3A_871 = tpu.memref_slice %arg14[%add3A_461, %dma_wait3A_870] : memref<6400x128xf32, #tpu.memory_space<vmem_shared>> -> memref<128x128xf32, #tpu.memory_space<vmem_shared>>
      tpu.wait_dma2 semaphore(%run_scoped3A : memref<!tpu.dma_semaphore, #tpu.memory_space<semaphore_mem>>) src(%arg10 : memref<128x128xf32, #tpu.memory_space<vmem>>) dst(%dma_wait3A_871 : memref<128x128xf32, #tpu.memory_space<vmem_shared>>)
      tpu.yield
    }) : () -> ()
    %add3A_462 = arith.constant 128 : i32
    %add3A_463 = arith.addi %mul3A_459, %add3A_462 : i32
    "tpu.region"() ({
      %run_scoped3A = tpu.sem_alloc : memref<!tpu.dma_semaphore, #tpu.memory_space<semaphore_mem>>
      %dma_start3A = arith.constant 0 : i32
      %dma_start3A_866 = tpu.memref_slice %arg14[%add3A_463, %dma_start3A] : memref<6400x128xf32, #tpu.memory_space<vmem_shared>> -> memref<128x128xf32, #tpu.memory_space<vmem_shared>>
      %dma_start3A_867 = arith.constant 0 : i32
      %dma_start3A_868 = tpu.memref_slice %arg14[%add3A_463, %dma_start3A_867] : memref<6400x128xf32, #tpu.memory_space<vmem_shared>> -> memref<128x128xf32, #tpu.memory_space<vmem_shared>>
      tpu.enqueue_dma source(%arg10 : memref<128x128xf32, #tpu.memory_space<vmem>>) target(%dma_start3A_868 : memref<128x128xf32, #tpu.memory_space<vmem_shared>>) target_semaphore(%run_scoped3A : memref<!tpu.dma_semaphore, #tpu.memory_space<semaphore_mem>>)
      %dma_wait3A = arith.constant 0 : i32
      %dma_wait3A_869 = tpu.memref_slice %arg14[%add3A_463, %dma_wait3A] : memref<6400x128xf32, #tpu.memory_space<vmem_shared>> -> memref<128x128xf32, #tpu.memory_space<vmem_shared>>
      %dma_wait3A_870 = arith.constant 0 : i32
      %dma_wait3A_871 = tpu.memref_slice %arg14[%add3A_463, %dma_wait3A_870] : memref<6400x128xf32, #tpu.memory_space<vmem_shared>> -> memref<128x128xf32, #tpu.memory_space<vmem_shared>>
      tpu.wait_dma2 semaphore(%run_scoped3A : memref<!tpu.dma_semaphore, #tpu.memory_space<semaphore_mem>>) src(%arg10 : memref<128x128xf32, #tpu.memory_space<vmem>>) dst(%dma_wait3A_871 : memref<128x128xf32, #tpu.memory_space<vmem_shared>>)
      tpu.yield
    }) : () -> ()
    %add3A_464 = arith.constant 256 : i32
    %add3A_465 = arith.addi %mul3A_459, %add3A_464 : i32
    "tpu.region"() ({
      %run_scoped3A = tpu.sem_alloc : memref<!tpu.dma_semaphore, #tpu.memory_space<semaphore_mem>>
      %dma_start3A = arith.constant 0 : i32
      %dma_start3A_866 = tpu.memref_slice %arg14[%add3A_465, %dma_start3A] : memref<6400x128xf32, #tpu.memory_space<vmem_shared>> -> memref<128x128xf32, #tpu.memory_space<vmem_shared>>
      %dma_start3A_867 = arith.constant 0 : i32
      %dma_start3A_868 = tpu.memref_slice %arg14[%add3A_465, %dma_start3A_867] : memref<6400x128xf32, #tpu.memory_space<vmem_shared>> -> memref<128x128xf32, #tpu.memory_space<vmem_shared>>
      tpu.enqueue_dma source(%arg10 : memref<128x128xf32, #tpu.memory_space<vmem>>) target(%dma_start3A_868 : memref<128x128xf32, #tpu.memory_space<vmem_shared>>) target_semaphore(%run_scoped3A : memref<!tpu.dma_semaphore, #tpu.memory_space<semaphore_mem>>)
      %dma_wait3A = arith.constant 0 : i32
      %dma_wait3A_869 = tpu.memref_slice %arg14[%add3A_465, %dma_wait3A] : memref<6400x128xf32, #tpu.memory_space<vmem_shared>> -> memref<128x128xf32, #tpu.memory_space<vmem_shared>>
      %dma_wait3A_870 = arith.constant 0 : i32
      %dma_wait3A_871 = tpu.memref_slice %arg14[%add3A_465, %dma_wait3A_870] : memref<6400x128xf32, #tpu.memory_space<vmem_shared>> -> memref<128x128xf32, #tpu.memory_space<vmem_shared>>
      tpu.wait_dma2 semaphore(%run_scoped3A : memref<!tpu.dma_semaphore, #tpu.memory_space<semaphore_mem>>) src(%arg10 : memref<128x128xf32, #tpu.memory_space<vmem>>) dst(%dma_wait3A_871 : memref<128x128xf32, #tpu.memory_space<vmem_shared>>)
      tpu.yield
    }) : () -> ()
    %add3A_466 = arith.constant 384 : i32
    %add3A_467 = arith.addi %mul3A_459, %add3A_466 : i32
    "tpu.region"() ({
      %run_scoped3A = tpu.sem_alloc : memref<!tpu.dma_semaphore, #tpu.memory_space<semaphore_mem>>
      %dma_start3A = arith.constant 0 : i32
      %dma_start3A_866 = arith.constant 0 : i32
      %dma_start3A_867 = tpu.memref_slice %arg10[%dma_start3A, %dma_start3A_866] : memref<128x128xf32, #tpu.memory_space<vmem>> -> memref<16x128xf32, #tpu.memory_space<vmem>>
      %dma_start3A_868 = arith.constant 0 : i32
      %dma_start3A_869 = tpu.memref_slice %arg14[%add3A_467, %dma_start3A_868] : memref<6400x128xf32, #tpu.memory_space<vmem_shared>> -> memref<16x128xf32, #tpu.memory_space<vmem_shared>>
      %dma_start3A_870 = arith.constant 0 : i32
      %dma_start3A_871 = tpu.memref_slice %arg14[%add3A_467, %dma_start3A_870] : memref<6400x128xf32, #tpu.memory_space<vmem_shared>> -> memref<16x128xf32, #tpu.memory_space<vmem_shared>>
      %dma_start3A_872 = arith.constant 0 : i32
      %dma_start3A_873 = arith.constant 0 : i32
      %dma_start3A_874 = tpu.memref_slice %arg10[%dma_start3A_872, %dma_start3A_873] : memref<128x128xf32, #tpu.memory_space<vmem>> -> memref<16x128xf32, #tpu.memory_space<vmem>>
      tpu.enqueue_dma source(%dma_start3A_874 : memref<16x128xf32, #tpu.memory_space<vmem>>) target(%dma_start3A_871 : memref<16x128xf32, #tpu.memory_space<vmem_shared>>) target_semaphore(%run_scoped3A : memref<!tpu.dma_semaphore, #tpu.memory_space<semaphore_mem>>)
      %dma_wait3A = arith.constant 0 : i32
      %dma_wait3A_875 = arith.constant 0 : i32
      %dma_wait3A_876 = tpu.memref_slice %arg10[%dma_wait3A, %dma_wait3A_875] : memref<128x128xf32, #tpu.memory_space<vmem>> -> memref<16x128xf32, #tpu.memory_space<vmem>>
      %dma_wait3A_877 = arith.constant 0 : i32
      %dma_wait3A_878 = tpu.memref_slice %arg14[%add3A_467, %dma_wait3A_877] : memref<6400x128xf32, #tpu.memory_space<vmem_shared>> -> memref<16x128xf32, #tpu.memory_space<vmem_shared>>
      %dma_wait3A_879 = arith.constant 0 : i32
      %dma_wait3A_880 = tpu.memref_slice %arg14[%add3A_467, %dma_wait3A_879] : memref<6400x128xf32, #tpu.memory_space<vmem_shared>> -> memref<16x128xf32, #tpu.memory_space<vmem_shared>>
      %dma_wait3A_881 = arith.constant 0 : i32
      %dma_wait3A_882 = arith.constant 0 : i32
      %dma_wait3A_883 = tpu.memref_slice %arg10[%dma_wait3A_881, %dma_wait3A_882] : memref<128x128xf32, #tpu.memory_space<vmem>> -> memref<16x128xf32, #tpu.memory_space<vmem>>
      tpu.wait_dma2 semaphore(%run_scoped3A : memref<!tpu.dma_semaphore, #tpu.memory_space<semaphore_mem>>) src(%dma_wait3A_883 : memref<16x128xf32, #tpu.memory_space<vmem>>) dst(%dma_wait3A_880 : memref<16x128xf32, #tpu.memory_space<vmem_shared>>)
      tpu.yield
    }) : () -> ()
    %mul3A_468 = arith.constant 448 : i32
    %mul3A_469 = arith.muli %arg1, %mul3A_468 : i32
    "tpu.region"() ({
      %run_scoped3A = tpu.sem_alloc : memref<!tpu.dma_semaphore, #tpu.memory_space<semaphore_mem>>
      %dma_start3A = tpu.memref_slice %arg15[%mul3A_469] : memref<7168xf32, #tpu.memory_space<vmem_shared>> -> memref<448xf32, #tpu.memory_space<vmem_shared>>
      %dma_start3A_866 = tpu.memref_slice %arg15[%mul3A_469] : memref<7168xf32, #tpu.memory_space<vmem_shared>> -> memref<448xf32, #tpu.memory_space<vmem_shared>>
      tpu.enqueue_dma source(%arg11 : memref<448xf32, #tpu.memory_space<vmem>>) target(%dma_start3A_866 : memref<448xf32, #tpu.memory_space<vmem_shared>>) target_semaphore(%run_scoped3A : memref<!tpu.dma_semaphore, #tpu.memory_space<semaphore_mem>>)
      %dma_wait3A = tpu.memref_slice %arg15[%mul3A_469] : memref<7168xf32, #tpu.memory_space<vmem_shared>> -> memref<448xf32, #tpu.memory_space<vmem_shared>>
      %dma_wait3A_867 = tpu.memref_slice %arg15[%mul3A_469] : memref<7168xf32, #tpu.memory_space<vmem_shared>> -> memref<448xf32, #tpu.memory_space<vmem_shared>>
      tpu.wait_dma2 semaphore(%run_scoped3A : memref<!tpu.dma_semaphore, #tpu.memory_space<semaphore_mem>>) src(%arg11 : memref<448xf32, #tpu.memory_space<vmem>>) dst(%dma_wait3A_867 : memref<448xf32, #tpu.memory_space<vmem_shared>>)
      tpu.yield
    }) : () -> ()
    %barrier3A_470 = arith.constant 0 : index
    tpu.barrier barrier_id(%barrier3A_470)
    "tpu.region"() ({
      %run_scoped3A = tpu.sem_alloc : memref<!tpu.dma_semaphore, #tpu.memory_space<semaphore_mem>>
      %dma_start3A = arith.constant 0 : i32
      %dma_start3A_866 = tpu.memref_slice %arg2[%mul3A_0, %dma_start3A] : memref<2432x128xi32, #tpu.memory_space<hbm>> -> memref<152x128xi32, #tpu.memory_space<hbm>>
      %dma_start3A_867 = arith.constant 0 : i32
      %dma_start3A_868 = tpu.memref_slice %arg2[%mul3A_0, %dma_start3A_867] : memref<2432x128xi32, #tpu.memory_space<hbm>> -> memref<152x128xi32, #tpu.memory_space<hbm>>
      tpu.enqueue_dma source(%dma_start3A_868 : memref<152x128xi32, #tpu.memory_space<hbm>>) target(%arg7 : memref<152x128xi32, #tpu.memory_space<vmem>>) target_semaphore(%run_scoped3A : memref<!tpu.dma_semaphore, #tpu.memory_space<semaphore_mem>>)
      %dma_wait3A = arith.constant 0 : i32
      %dma_wait3A_869 = tpu.memref_slice %arg2[%mul3A_0, %dma_wait3A] : memref<2432x128xi32, #tpu.memory_space<hbm>> -> memref<152x128xi32, #tpu.memory_space<hbm>>
      %dma_wait3A_870 = arith.constant 0 : i32
      %dma_wait3A_871 = tpu.memref_slice %arg2[%mul3A_0, %dma_wait3A_870] : memref<2432x128xi32, #tpu.memory_space<hbm>> -> memref<152x128xi32, #tpu.memory_space<hbm>>
      tpu.wait_dma2 semaphore(%run_scoped3A : memref<!tpu.dma_semaphore, #tpu.memory_space<semaphore_mem>>) src(%dma_wait3A_871 : memref<152x128xi32, #tpu.memory_space<hbm>>) dst(%arg7 : memref<152x128xi32, #tpu.memory_space<vmem>>)
      tpu.yield
    }) : () -> ()
    "tpu.region"() ({
      %run_scoped3A = tpu.sem_alloc : memref<!tpu.dma_semaphore, #tpu.memory_space<semaphore_mem>>
      %dma_start3A = arith.constant 0 : i32
      %dma_start3A_866 = tpu.memref_slice %arg3[%mul3A_0, %dma_start3A] : memref<2432x128xi32, #tpu.memory_space<hbm>> -> memref<152x128xi32, #tpu.memory_space<hbm>>
      %dma_start3A_867 = arith.constant 0 : i32
      %dma_start3A_868 = tpu.memref_slice %arg3[%mul3A_0, %dma_start3A_867] : memref<2432x128xi32, #tpu.memory_space<hbm>> -> memref<152x128xi32, #tpu.memory_space<hbm>>
      tpu.enqueue_dma source(%dma_start3A_868 : memref<152x128xi32, #tpu.memory_space<hbm>>) target(%arg8 : memref<152x128xi32, #tpu.memory_space<vmem>>) target_semaphore(%run_scoped3A : memref<!tpu.dma_semaphore, #tpu.memory_space<semaphore_mem>>)
      %dma_wait3A = arith.constant 0 : i32
      %dma_wait3A_869 = tpu.memref_slice %arg3[%mul3A_0, %dma_wait3A] : memref<2432x128xi32, #tpu.memory_space<hbm>> -> memref<152x128xi32, #tpu.memory_space<hbm>>
      %dma_wait3A_870 = arith.constant 0 : i32
      %dma_wait3A_871 = tpu.memref_slice %arg3[%mul3A_0, %dma_wait3A_870] : memref<2432x128xi32, #tpu.memory_space<hbm>> -> memref<152x128xi32, #tpu.memory_space<hbm>>
      tpu.wait_dma2 semaphore(%run_scoped3A : memref<!tpu.dma_semaphore, #tpu.memory_space<semaphore_mem>>) src(%dma_wait3A_871 : memref<152x128xi32, #tpu.memory_space<hbm>>) dst(%arg8 : memref<152x128xi32, #tpu.memory_space<vmem>>)
      tpu.yield
    }) : () -> ()
    %broadcast_in_dim3A_471 = vector.broadcast %mul3A_457 : i32 to vector<16xi32>
    %add3A_472 = arith.constant 6272 : i32
    %add3A_473 = arith.addi %mul3A_457, %add3A_472 : i32
    %broadcast_in_dim3A_474 = vector.broadcast %add3A_473 : i32 to vector<16xi32>
    %swap3A_475 = arith.constant 0 : index
    %swap3A_476 = tpu.vector_load %arg13[%swap3A_475] {strides = array<i32>} : memref<16xi32, #tpu.memory_space<vmem>>, vector<16xi32>,
    tpu.vector_store %arg13[%swap3A_475], %broadcast_in_dim3A_1 {strides = array<i32>} : memref<16xi32, #tpu.memory_space<vmem>>, vector<16xi32>,
    %scan3A_477 = arith.constant 0 : i32
    %scan3A_478 = arith.constant 0 : i32
    %scan3A_479 = arith.constant 1216 : i32
    %scan3A_480 = arith.addi %scan3A_478, %scan3A_479 : i32
    %scan3A_481 = arith.constant 1 : i32
    %scan3A_482 = scf.for %scan3A_866 = %scan3A_478 to %scan3A_480 step %scan3A_481 iter_args(%scan3A_867 = %scan3A_477) -> (i32)  : i32 {
      %jit3A = arith.constant 8 : i32
      %div3A = arith.divsi %scan3A_866, %jit3A : i32
      %sign3A = arith.constant 0 : i32
      %sign3A_868 = arith.cmpi sgt, %scan3A_866, %sign3A : i32
      %sign3A_869 = arith.extui %sign3A_868 : i1 to i32
      %sign3A_870 = arith.constant 0 : i32
      %sign3A_871 = arith.cmpi slt, %scan3A_866, %sign3A_870 : i32
      %sign3A_872 = arith.extui %sign3A_871 : i1 to i32
      %sign3A_873 = arith.subi %sign3A_869, %sign3A_872 : i32
      %sign3A_874 = arith.constant 0 : i32
      %sign3A_875 = arith.cmpi sgt, %jit3A, %sign3A_874 : i32
      %sign3A_876 = arith.extui %sign3A_875 : i1 to i32
      %sign3A_877 = arith.constant 0 : i32
      %sign3A_878 = arith.cmpi slt, %jit3A, %sign3A_877 : i32
      %sign3A_879 = arith.extui %sign3A_878 : i1 to i32
      %sign3A_880 = arith.subi %sign3A_876, %sign3A_879 : i32
      %ne3A = arith.cmpi ne, %sign3A_873, %sign3A_880 : i32
      %rem3A = arith.remsi %scan3A_866, %jit3A : i32
      %ne3A_881 = arith.constant 0 : i32
      %ne3A_882 = arith.cmpi ne, %rem3A, %ne3A_881 : i32
      %and3A_883 = arith.andi %ne3A, %ne3A_882 : i1
      %sub3A = arith.constant 1 : i32
      %sub3A_884 = arith.subi %div3A, %sub3A : i32
      %select_n3A = arith.select %and3A_883, %sub3A_884, %div3A : i32
      %jit3A_885 = arith.constant 8 : i32
      %eq3A_886 = arith.constant 0 : i32
      %eq3A_887 = arith.cmpi eq, %jit3A_885, %eq3A_886 : i32
      %jit3A_888 = arith.constant 1 : i32
      %select_n3A_889 = arith.select %eq3A_887, %jit3A_888, %jit3A_885 : i32
      %rem3A_890 = arith.remsi %scan3A_866, %select_n3A_889 : i32
      %ne3A_891 = arith.constant 0 : i32
      %ne3A_892 = arith.cmpi ne, %rem3A_890, %ne3A_891 : i32
      %lt3A_893 = arith.constant 0 : i32
      %lt3A_894 = arith.cmpi slt, %rem3A_890, %lt3A_893 : i32
      %lt3A_895 = arith.constant 0 : i32
      %lt3A_896 = arith.cmpi slt, %select_n3A_889, %lt3A_895 : i32
      %ne3A_897 = arith.xori %lt3A_894, %lt3A_896 : i1
      %and3A_898 = arith.andi %ne3A_897, %ne3A_892 : i1
      %add3A_899 = arith.addi %rem3A_890, %select_n3A_889 : i32
      %select_n3A_900 = arith.select %and3A_898, %add3A_899, %rem3A_890 : i32
      %mul3A_901 = arith.constant 16 : i32
      %mul3A_902 = arith.muli %select_n3A_900, %mul3A_901 : i32
      %get3A_903 = arith.index_cast %select_n3A : i32 to index
      %get3A_904 = arith.index_cast %mul3A_902 : i32 to index
      %get3A_905 = tpu.vector_load %arg7[%get3A_903, %get3A_904] {strides = array<i32>} : memref<152x128xi32, #tpu.memory_space<vmem>>, vector<16xi32>,
      %get3A_906 = arith.index_cast %select_n3A : i32 to index
      %get3A_907 = arith.index_cast %mul3A_902 : i32 to index
      %get3A_908 = tpu.vector_load %arg8[%get3A_906, %get3A_907] {strides = array<i32>} : memref<152x128xi32, #tpu.memory_space<vmem>>, vector<16xi32>,
      %sub3A_909 = arith.subi %get3A_908, %broadcast_in_dim3A_471 : vector<16xi32>
      %ge3A = arith.cmpi sge, %get3A_908, %broadcast_in_dim3A_471 : vector<16xi32>
      %lt3A_910 = arith.cmpi slt, %get3A_908, %broadcast_in_dim3A_474 : vector<16xi32>
      %and3A_911 = arith.andi %ge3A, %lt3A_910 : vector<16xi1>
      %select_n3A_912 = arith.select %and3A_911, %broadcast_in_dim3A_3, %broadcast_in_dim3A_1 : vector<16xi1>, vector<16xi32>
      %get3A_913 = arith.constant 0 : index
      %get3A_914 = tpu.vector_load %arg13[%get3A_913] {strides = array<i32>} : memref<16xi32, #tpu.memory_space<vmem>>, vector<16xi32>,
      %broadcast_in_dim3A_915 = arith.constant true
      %broadcast_in_dim3A_916 = vector.broadcast %broadcast_in_dim3A_915 : i1 to vector<16xi1>
      %masked_cumsum3A = tpu.scan <sum>, %select_n3A_912 masked %broadcast_in_dim3A_916 : vector<16xi32>, vector<16xi1> -> vector<16xi32>
      %add3A_917 = arith.addi %get3A_914, %masked_cumsum3A : vector<16xi32>
      %sub3A_918 = arith.constant 1 : i32
      %sub3A_919 = vector.broadcast %sub3A_918 : i32 to vector<16xi32>
      %sub3A_920 = arith.subi %add3A_917, %sub3A_919 : vector<16xi32>
      %shift_right_arithmetic3A_921 = arith.constant 7 : i32
      %shift_right_arithmetic3A_922 = vector.broadcast %shift_right_arithmetic3A_921 : i32 to vector<16xi32>
      %shift_right_arithmetic3A_923 = arith.shrsi %sub3A_920, %shift_right_arithmetic3A_922 : vector<16xi32>
      %and3A_924 = arith.constant 127 : i32
      %and3A_925 = vector.broadcast %and3A_924 : i32 to vector<16xi32>
      %and3A_926 = arith.andi %sub3A_920, %and3A_925 : vector<16xi32>
      tpu.vector_store_idx %arg7[%shift_right_arithmetic3A_923, %and3A_926], %get3A_905 masked %and3A_911 : memref<152x128xi32, #tpu.memory_space<vmem>>[vector<16xi32>, vector<16xi32>], vector<16xi32>, vector<16xi1>
      %shift_right_arithmetic3A_927 = arith.constant 7 : i32
      %shift_right_arithmetic3A_928 = vector.broadcast %shift_right_arithmetic3A_927 : i32 to vector<16xi32>
      %shift_right_arithmetic3A_929 = arith.shrsi %sub3A_920, %shift_right_arithmetic3A_928 : vector<16xi32>
      %and3A_930 = arith.constant 127 : i32
      %and3A_931 = vector.broadcast %and3A_930 : i32 to vector<16xi32>
      %and3A_932 = arith.andi %sub3A_920, %and3A_931 : vector<16xi32>
      tpu.vector_store_idx %arg8[%shift_right_arithmetic3A_929, %and3A_932], %sub3A_909 masked %and3A_911 : memref<152x128xi32, #tpu.memory_space<vmem>>[vector<16xi32>, vector<16xi32>], vector<16xi32>, vector<16xi1>
      %all_reduce_population_count3A = tpu.all_reduce %and3A_911 {dim = 0 : i64, kind = #tpu.reduction_kind<sum>} : vector<16xi1> -> vector<16xi32>
      %add3A_933 = arith.addi %get3A_914, %all_reduce_population_count3A : vector<16xi32>
      %swap3A_934 = arith.constant 0 : index
      %swap3A_935 = tpu.vector_load %arg13[%swap3A_934] {strides = array<i32>} : memref<16xi32, #tpu.memory_space<vmem>>, vector<16xi32>,
      tpu.vector_store %arg13[%swap3A_934], %add3A_933 {strides = array<i32>} : memref<16xi32, #tpu.memory_space<vmem>>, vector<16xi32>,
      %scan3A_936 = arith.constant 0 : i32
      scf.yield %scan3A_936 : i32
    }
    %scan3A_483 = arith.constant 1216 : i32
    %get3A_484 = arith.constant 0 : index
    %get3A_485 = tpu.vector_load %arg13[%get3A_484] {strides = array<i32>} : memref<16xi32, #tpu.memory_space<vmem>>, vector<16xi32>,
    %add3A_486 = arith.constant 127 : i32
    %add3A_487 = vector.broadcast %add3A_486 : i32 to vector<16xi32>
    %add3A_488 = arith.addi %get3A_485, %add3A_487 : vector<16xi32>
    %shift_right_arithmetic3A_489 = arith.constant 7 : i32
    %shift_right_arithmetic3A_490 = vector.broadcast %shift_right_arithmetic3A_489 : i32 to vector<16xi32>
    %shift_right_arithmetic3A_491 = arith.shrsi %add3A_488, %shift_right_arithmetic3A_490 : vector<16xi32>
    %mul3A_492 = arith.constant 128 : i32
    %mul3A_493 = vector.broadcast %mul3A_492 : i32 to vector<16xi32>
    %mul3A_494 = arith.muli %shift_right_arithmetic3A_491, %mul3A_493 : vector<16xi32>
    %add3A_495 = arith.constant 0 : i32
    %add3A_496 = vector.broadcast %add3A_495 : i32 to vector<16xi32>
    %add3A_497 = arith.addi %get3A_485, %add3A_496 : vector<16xi32>
    %add3A_498 = arith.addi %add3A_497, %iota3A : vector<16xi32>
    %lt3A_499 = arith.cmpi slt, %add3A_498, %mul3A_494 : vector<16xi32>
    %shift_right_arithmetic3A_500 = arith.constant 7 : i32
    %shift_right_arithmetic3A_501 = vector.broadcast %shift_right_arithmetic3A_500 : i32 to vector<16xi32>
    %shift_right_arithmetic3A_502 = arith.shrsi %add3A_498, %shift_right_arithmetic3A_501 : vector<16xi32>
    %and3A_503 = arith.constant 127 : i32
    %and3A_504 = vector.broadcast %and3A_503 : i32 to vector<16xi32>
    %and3A_505 = arith.andi %add3A_498, %and3A_504 : vector<16xi32>
    tpu.vector_store_idx %arg7[%shift_right_arithmetic3A_502, %and3A_505], %broadcast_in_dim3A_1 masked %lt3A_499 : memref<152x128xi32, #tpu.memory_space<vmem>>[vector<16xi32>, vector<16xi32>], vector<16xi32>, vector<16xi1>
    %shift_right_arithmetic3A_506 = arith.constant 7 : i32
    %shift_right_arithmetic3A_507 = vector.broadcast %shift_right_arithmetic3A_506 : i32 to vector<16xi32>
    %shift_right_arithmetic3A_508 = arith.shrsi %add3A_498, %shift_right_arithmetic3A_507 : vector<16xi32>
    %and3A_509 = arith.constant 127 : i32
    %and3A_510 = vector.broadcast %and3A_509 : i32 to vector<16xi32>
    %and3A_511 = arith.andi %add3A_498, %and3A_510 : vector<16xi32>
    %broadcast_in_dim3A_512 = arith.constant 6272 : i32
    %broadcast_in_dim3A_513 = vector.broadcast %broadcast_in_dim3A_512 : i32 to vector<16xi32>
    tpu.vector_store_idx %arg8[%shift_right_arithmetic3A_508, %and3A_511], %broadcast_in_dim3A_513 masked %lt3A_499 : memref<152x128xi32, #tpu.memory_space<vmem>>[vector<16xi32>, vector<16xi32>], vector<16xi32>, vector<16xi1>
    %add3A_514 = arith.constant 16 : i32
    %add3A_515 = vector.broadcast %add3A_514 : i32 to vector<16xi32>
    %add3A_516 = arith.addi %get3A_485, %add3A_515 : vector<16xi32>
    %add3A_517 = arith.addi %add3A_516, %iota3A : vector<16xi32>
    %lt3A_518 = arith.cmpi slt, %add3A_517, %mul3A_494 : vector<16xi32>
    %shift_right_arithmetic3A_519 = arith.constant 7 : i32
    %shift_right_arithmetic3A_520 = vector.broadcast %shift_right_arithmetic3A_519 : i32 to vector<16xi32>
    %shift_right_arithmetic3A_521 = arith.shrsi %add3A_517, %shift_right_arithmetic3A_520 : vector<16xi32>
    %and3A_522 = arith.constant 127 : i32
    %and3A_523 = vector.broadcast %and3A_522 : i32 to vector<16xi32>
    %and3A_524 = arith.andi %add3A_517, %and3A_523 : vector<16xi32>
    tpu.vector_store_idx %arg7[%shift_right_arithmetic3A_521, %and3A_524], %broadcast_in_dim3A_1 masked %lt3A_518 : memref<152x128xi32, #tpu.memory_space<vmem>>[vector<16xi32>, vector<16xi32>], vector<16xi32>, vector<16xi1>
    %shift_right_arithmetic3A_525 = arith.constant 7 : i32
    %shift_right_arithmetic3A_526 = vector.broadcast %shift_right_arithmetic3A_525 : i32 to vector<16xi32>
    %shift_right_arithmetic3A_527 = arith.shrsi %add3A_517, %shift_right_arithmetic3A_526 : vector<16xi32>
    %and3A_528 = arith.constant 127 : i32
    %and3A_529 = vector.broadcast %and3A_528 : i32 to vector<16xi32>
    %and3A_530 = arith.andi %add3A_517, %and3A_529 : vector<16xi32>
    %broadcast_in_dim3A_531 = arith.constant 6272 : i32
    %broadcast_in_dim3A_532 = vector.broadcast %broadcast_in_dim3A_531 : i32 to vector<16xi32>
    tpu.vector_store_idx %arg8[%shift_right_arithmetic3A_527, %and3A_530], %broadcast_in_dim3A_532 masked %lt3A_518 : memref<152x128xi32, #tpu.memory_space<vmem>>[vector<16xi32>, vector<16xi32>], vector<16xi32>, vector<16xi1>
    %add3A_533 = arith.constant 32 : i32
    %add3A_534 = vector.broadcast %add3A_533 : i32 to vector<16xi32>
    %add3A_535 = arith.addi %get3A_485, %add3A_534 : vector<16xi32>
    %add3A_536 = arith.addi %add3A_535, %iota3A : vector<16xi32>
    %lt3A_537 = arith.cmpi slt, %add3A_536, %mul3A_494 : vector<16xi32>
    %shift_right_arithmetic3A_538 = arith.constant 7 : i32
    %shift_right_arithmetic3A_539 = vector.broadcast %shift_right_arithmetic3A_538 : i32 to vector<16xi32>
    %shift_right_arithmetic3A_540 = arith.shrsi %add3A_536, %shift_right_arithmetic3A_539 : vector<16xi32>
    %and3A_541 = arith.constant 127 : i32
    %and3A_542 = vector.broadcast %and3A_541 : i32 to vector<16xi32>
    %and3A_543 = arith.andi %add3A_536, %and3A_542 : vector<16xi32>
    tpu.vector_store_idx %arg7[%shift_right_arithmetic3A_540, %and3A_543], %broadcast_in_dim3A_1 masked %lt3A_537 : memref<152x128xi32, #tpu.memory_space<vmem>>[vector<16xi32>, vector<16xi32>], vector<16xi32>, vector<16xi1>
    %shift_right_arithmetic3A_544 = arith.constant 7 : i32
    %shift_right_arithmetic3A_545 = vector.broadcast %shift_right_arithmetic3A_544 : i32 to vector<16xi32>
    %shift_right_arithmetic3A_546 = arith.shrsi %add3A_536, %shift_right_arithmetic3A_545 : vector<16xi32>
    %and3A_547 = arith.constant 127 : i32
    %and3A_548 = vector.broadcast %and3A_547 : i32 to vector<16xi32>
    %and3A_549 = arith.andi %add3A_536, %and3A_548 : vector<16xi32>
    %broadcast_in_dim3A_550 = arith.constant 6272 : i32
    %broadcast_in_dim3A_551 = vector.broadcast %broadcast_in_dim3A_550 : i32 to vector<16xi32>
    tpu.vector_store_idx %arg8[%shift_right_arithmetic3A_546, %and3A_549], %broadcast_in_dim3A_551 masked %lt3A_537 : memref<152x128xi32, #tpu.memory_space<vmem>>[vector<16xi32>, vector<16xi32>], vector<16xi32>, vector<16xi1>
    %add3A_552 = arith.constant 48 : i32
    %add3A_553 = vector.broadcast %add3A_552 : i32 to vector<16xi32>
    %add3A_554 = arith.addi %get3A_485, %add3A_553 : vector<16xi32>
    %add3A_555 = arith.addi %add3A_554, %iota3A : vector<16xi32>
    %lt3A_556 = arith.cmpi slt, %add3A_555, %mul3A_494 : vector<16xi32>
    %shift_right_arithmetic3A_557 = arith.constant 7 : i32
    %shift_right_arithmetic3A_558 = vector.broadcast %shift_right_arithmetic3A_557 : i32 to vector<16xi32>
    %shift_right_arithmetic3A_559 = arith.shrsi %add3A_555, %shift_right_arithmetic3A_558 : vector<16xi32>
    %and3A_560 = arith.constant 127 : i32
    %and3A_561 = vector.broadcast %and3A_560 : i32 to vector<16xi32>
    %and3A_562 = arith.andi %add3A_555, %and3A_561 : vector<16xi32>
    tpu.vector_store_idx %arg7[%shift_right_arithmetic3A_559, %and3A_562], %broadcast_in_dim3A_1 masked %lt3A_556 : memref<152x128xi32, #tpu.memory_space<vmem>>[vector<16xi32>, vector<16xi32>], vector<16xi32>, vector<16xi1>
    %shift_right_arithmetic3A_563 = arith.constant 7 : i32
    %shift_right_arithmetic3A_564 = vector.broadcast %shift_right_arithmetic3A_563 : i32 to vector<16xi32>
    %shift_right_arithmetic3A_565 = arith.shrsi %add3A_555, %shift_right_arithmetic3A_564 : vector<16xi32>
    %and3A_566 = arith.constant 127 : i32
    %and3A_567 = vector.broadcast %and3A_566 : i32 to vector<16xi32>
    %and3A_568 = arith.andi %add3A_555, %and3A_567 : vector<16xi32>
    %broadcast_in_dim3A_569 = arith.constant 6272 : i32
    %broadcast_in_dim3A_570 = vector.broadcast %broadcast_in_dim3A_569 : i32 to vector<16xi32>
    tpu.vector_store_idx %arg8[%shift_right_arithmetic3A_565, %and3A_568], %broadcast_in_dim3A_570 masked %lt3A_556 : memref<152x128xi32, #tpu.memory_space<vmem>>[vector<16xi32>, vector<16xi32>], vector<16xi32>, vector<16xi1>
    %add3A_571 = arith.constant 64 : i32
    %add3A_572 = vector.broadcast %add3A_571 : i32 to vector<16xi32>
    %add3A_573 = arith.addi %get3A_485, %add3A_572 : vector<16xi32>
    %add3A_574 = arith.addi %add3A_573, %iota3A : vector<16xi32>
    %lt3A_575 = arith.cmpi slt, %add3A_574, %mul3A_494 : vector<16xi32>
    %shift_right_arithmetic3A_576 = arith.constant 7 : i32
    %shift_right_arithmetic3A_577 = vector.broadcast %shift_right_arithmetic3A_576 : i32 to vector<16xi32>
    %shift_right_arithmetic3A_578 = arith.shrsi %add3A_574, %shift_right_arithmetic3A_577 : vector<16xi32>
    %and3A_579 = arith.constant 127 : i32
    %and3A_580 = vector.broadcast %and3A_579 : i32 to vector<16xi32>
    %and3A_581 = arith.andi %add3A_574, %and3A_580 : vector<16xi32>
    tpu.vector_store_idx %arg7[%shift_right_arithmetic3A_578, %and3A_581], %broadcast_in_dim3A_1 masked %lt3A_575 : memref<152x128xi32, #tpu.memory_space<vmem>>[vector<16xi32>, vector<16xi32>], vector<16xi32>, vector<16xi1>
    %shift_right_arithmetic3A_582 = arith.constant 7 : i32
    %shift_right_arithmetic3A_583 = vector.broadcast %shift_right_arithmetic3A_582 : i32 to vector<16xi32>
    %shift_right_arithmetic3A_584 = arith.shrsi %add3A_574, %shift_right_arithmetic3A_583 : vector<16xi32>
    %and3A_585 = arith.constant 127 : i32
    %and3A_586 = vector.broadcast %and3A_585 : i32 to vector<16xi32>
    %and3A_587 = arith.andi %add3A_574, %and3A_586 : vector<16xi32>
    %broadcast_in_dim3A_588 = arith.constant 6272 : i32
    %broadcast_in_dim3A_589 = vector.broadcast %broadcast_in_dim3A_588 : i32 to vector<16xi32>
    tpu.vector_store_idx %arg8[%shift_right_arithmetic3A_584, %and3A_587], %broadcast_in_dim3A_589 masked %lt3A_575 : memref<152x128xi32, #tpu.memory_space<vmem>>[vector<16xi32>, vector<16xi32>], vector<16xi32>, vector<16xi1>
    %add3A_590 = arith.constant 80 : i32
    %add3A_591 = vector.broadcast %add3A_590 : i32 to vector<16xi32>
    %add3A_592 = arith.addi %get3A_485, %add3A_591 : vector<16xi32>
    %add3A_593 = arith.addi %add3A_592, %iota3A : vector<16xi32>
    %lt3A_594 = arith.cmpi slt, %add3A_593, %mul3A_494 : vector<16xi32>
    %shift_right_arithmetic3A_595 = arith.constant 7 : i32
    %shift_right_arithmetic3A_596 = vector.broadcast %shift_right_arithmetic3A_595 : i32 to vector<16xi32>
    %shift_right_arithmetic3A_597 = arith.shrsi %add3A_593, %shift_right_arithmetic3A_596 : vector<16xi32>
    %and3A_598 = arith.constant 127 : i32
    %and3A_599 = vector.broadcast %and3A_598 : i32 to vector<16xi32>
    %and3A_600 = arith.andi %add3A_593, %and3A_599 : vector<16xi32>
    tpu.vector_store_idx %arg7[%shift_right_arithmetic3A_597, %and3A_600], %broadcast_in_dim3A_1 masked %lt3A_594 : memref<152x128xi32, #tpu.memory_space<vmem>>[vector<16xi32>, vector<16xi32>], vector<16xi32>, vector<16xi1>
    %shift_right_arithmetic3A_601 = arith.constant 7 : i32
    %shift_right_arithmetic3A_602 = vector.broadcast %shift_right_arithmetic3A_601 : i32 to vector<16xi32>
    %shift_right_arithmetic3A_603 = arith.shrsi %add3A_593, %shift_right_arithmetic3A_602 : vector<16xi32>
    %and3A_604 = arith.constant 127 : i32
    %and3A_605 = vector.broadcast %and3A_604 : i32 to vector<16xi32>
    %and3A_606 = arith.andi %add3A_593, %and3A_605 : vector<16xi32>
    %broadcast_in_dim3A_607 = arith.constant 6272 : i32
    %broadcast_in_dim3A_608 = vector.broadcast %broadcast_in_dim3A_607 : i32 to vector<16xi32>
    tpu.vector_store_idx %arg8[%shift_right_arithmetic3A_603, %and3A_606], %broadcast_in_dim3A_608 masked %lt3A_594 : memref<152x128xi32, #tpu.memory_space<vmem>>[vector<16xi32>, vector<16xi32>], vector<16xi32>, vector<16xi1>
    %add3A_609 = arith.constant 96 : i32
    %add3A_610 = vector.broadcast %add3A_609 : i32 to vector<16xi32>
    %add3A_611 = arith.addi %get3A_485, %add3A_610 : vector<16xi32>
    %add3A_612 = arith.addi %add3A_611, %iota3A : vector<16xi32>
    %lt3A_613 = arith.cmpi slt, %add3A_612, %mul3A_494 : vector<16xi32>
    %shift_right_arithmetic3A_614 = arith.constant 7 : i32
    %shift_right_arithmetic3A_615 = vector.broadcast %shift_right_arithmetic3A_614 : i32 to vector<16xi32>
    %shift_right_arithmetic3A_616 = arith.shrsi %add3A_612, %shift_right_arithmetic3A_615 : vector<16xi32>
    %and3A_617 = arith.constant 127 : i32
    %and3A_618 = vector.broadcast %and3A_617 : i32 to vector<16xi32>
    %and3A_619 = arith.andi %add3A_612, %and3A_618 : vector<16xi32>
    tpu.vector_store_idx %arg7[%shift_right_arithmetic3A_616, %and3A_619], %broadcast_in_dim3A_1 masked %lt3A_613 : memref<152x128xi32, #tpu.memory_space<vmem>>[vector<16xi32>, vector<16xi32>], vector<16xi32>, vector<16xi1>
    %shift_right_arithmetic3A_620 = arith.constant 7 : i32
    %shift_right_arithmetic3A_621 = vector.broadcast %shift_right_arithmetic3A_620 : i32 to vector<16xi32>
    %shift_right_arithmetic3A_622 = arith.shrsi %add3A_612, %shift_right_arithmetic3A_621 : vector<16xi32>
    %and3A_623 = arith.constant 127 : i32
    %and3A_624 = vector.broadcast %and3A_623 : i32 to vector<16xi32>
    %and3A_625 = arith.andi %add3A_612, %and3A_624 : vector<16xi32>
    %broadcast_in_dim3A_626 = arith.constant 6272 : i32
    %broadcast_in_dim3A_627 = vector.broadcast %broadcast_in_dim3A_626 : i32 to vector<16xi32>
    tpu.vector_store_idx %arg8[%shift_right_arithmetic3A_622, %and3A_625], %broadcast_in_dim3A_627 masked %lt3A_613 : memref<152x128xi32, #tpu.memory_space<vmem>>[vector<16xi32>, vector<16xi32>], vector<16xi32>, vector<16xi1>
    %add3A_628 = arith.constant 112 : i32
    %add3A_629 = vector.broadcast %add3A_628 : i32 to vector<16xi32>
    %add3A_630 = arith.addi %get3A_485, %add3A_629 : vector<16xi32>
    %add3A_631 = arith.addi %add3A_630, %iota3A : vector<16xi32>
    %lt3A_632 = arith.cmpi slt, %add3A_631, %mul3A_494 : vector<16xi32>
    %shift_right_arithmetic3A_633 = arith.constant 7 : i32
    %shift_right_arithmetic3A_634 = vector.broadcast %shift_right_arithmetic3A_633 : i32 to vector<16xi32>
    %shift_right_arithmetic3A_635 = arith.shrsi %add3A_631, %shift_right_arithmetic3A_634 : vector<16xi32>
    %and3A_636 = arith.constant 127 : i32
    %and3A_637 = vector.broadcast %and3A_636 : i32 to vector<16xi32>
    %and3A_638 = arith.andi %add3A_631, %and3A_637 : vector<16xi32>
    tpu.vector_store_idx %arg7[%shift_right_arithmetic3A_635, %and3A_638], %broadcast_in_dim3A_1 masked %lt3A_632 : memref<152x128xi32, #tpu.memory_space<vmem>>[vector<16xi32>, vector<16xi32>], vector<16xi32>, vector<16xi1>
    %shift_right_arithmetic3A_639 = arith.constant 7 : i32
    %shift_right_arithmetic3A_640 = vector.broadcast %shift_right_arithmetic3A_639 : i32 to vector<16xi32>
    %shift_right_arithmetic3A_641 = arith.shrsi %add3A_631, %shift_right_arithmetic3A_640 : vector<16xi32>
    %and3A_642 = arith.constant 127 : i32
    %and3A_643 = vector.broadcast %and3A_642 : i32 to vector<16xi32>
    %and3A_644 = arith.andi %add3A_631, %and3A_643 : vector<16xi32>
    %broadcast_in_dim3A_645 = arith.constant 6272 : i32
    %broadcast_in_dim3A_646 = vector.broadcast %broadcast_in_dim3A_645 : i32 to vector<16xi32>
    tpu.vector_store_idx %arg8[%shift_right_arithmetic3A_641, %and3A_644], %broadcast_in_dim3A_646 masked %lt3A_632 : memref<152x128xi32, #tpu.memory_space<vmem>>[vector<16xi32>, vector<16xi32>], vector<16xi32>, vector<16xi1>
    %while3A_647 = arith.constant 0 : i32
    %while3A_648 = scf.while (%while3A_866 = %while3A_647) : (i32) -> i32 {
      %get3A_867 = arith.constant 0 : index
      %get3A_868 = tpu.vector_load %arg13[%get3A_867] {strides = array<i32>} : memref<16xi32, #tpu.memory_space<vmem>>, vector<16xi32>,
      %add3A_869 = arith.constant 127 : i32
      %add3A_870 = vector.broadcast %add3A_869 : i32 to vector<16xi32>
      %add3A_871 = arith.addi %get3A_868, %add3A_870 : vector<16xi32>
      %shift_right_arithmetic3A_872 = arith.constant 7 : i32
      %shift_right_arithmetic3A_873 = vector.broadcast %shift_right_arithmetic3A_872 : i32 to vector<16xi32>
      %shift_right_arithmetic3A_874 = arith.shrsi %add3A_871, %shift_right_arithmetic3A_873 : vector<16xi32>
      %broadcast_in_dim3A_875 = vector.broadcast %while3A_866 : i32 to vector<16xi32>
      %lt3A_876 = arith.cmpi slt, %broadcast_in_dim3A_875, %shift_right_arithmetic3A_874 : vector<16xi32>
      %reduce_or3A = arith.constant 1.000000e+00 : f32
      %reduce_or3A_877 = arith.constant 0.000000e+00 : f32
      %reduce_or3A_878 = vector.broadcast %reduce_or3A : f32 to vector<16xf32>
      %reduce_or3A_879 = vector.broadcast %reduce_or3A_877 : f32 to vector<16xf32>
      %reduce_or3A_880 = arith.select %lt3A_876, %reduce_or3A_878, %reduce_or3A_879 : vector<16xi1>, vector<16xf32>
      %reduce_or3A_881 = arith.constant true
      %reduce_or3A_882 = vector.broadcast %reduce_or3A_881 : i1 to vector<16xi1>
      %reduce_or3A_883 = tpu.scan <max>, %reduce_or3A_880 masked %reduce_or3A_882 : vector<16xf32>, vector<16xi1> -> vector<16xf32>
      %reduce_or3A_884 = vector.extract %reduce_or3A_883[15] : f32 from vector<16xf32>
      %reduce_or3A_885 = arith.constant 0.000000e+00 : f32
      %reduce_or3A_886 = arith.cmpf ogt, %reduce_or3A_884, %reduce_or3A_885 : f32
      scf.condition(%reduce_or3A_886) %while3A_866 : i32
    } do {
    ^bb0(%while3A_866: i32):
      %dma_start3A = arith.constant 0 : i32
      %dma_start3A_867 = tpu.memref_slice %arg7[%while3A_866, %dma_start3A] : memref<152x128xi32, #tpu.memory_space<vmem>> -> memref<1x128xi32, #tpu.memory_space<vmem>>
      %dma_start3A_868 = tpu.memref_squeeze %dma_start3A_867 : memref<1x128xi32, #tpu.memory_space<vmem>> -> memref<128xi32, #tpu.memory_space<vmem>>
      %dma_start3A_869 = arith.constant 0 : i32
      %dma_start3A_870 = arith.constant 0 : i32
      %dma_start3A_871 = tpu.memref_slice %arg4[%dma_start3A_869, %dma_start3A_870] : memref<50000x128xf32, #tpu.memory_space<hbm>> -> memref<50000x128xf32, #tpu.memory_space<hbm>>
      tpu.enqueue_indirect_dma source(%dma_start3A_871 : memref<50000x128xf32, #tpu.memory_space<hbm>>) target(%arg9 : memref<128x128xf32, #tpu.memory_space<vmem>>) offsets(%dma_start3A_868 : memref<128xi32, #tpu.memory_space<vmem>>) semaphore(%arg16 : memref<!tpu.dma_semaphore, #tpu.memory_space<semaphore_mem>>)
      %dma_wait3A = arith.constant 0 : i32
      %dma_wait3A_872 = tpu.memref_slice %arg7[%while3A_866, %dma_wait3A] : memref<152x128xi32, #tpu.memory_space<vmem>> -> memref<1x128xi32, #tpu.memory_space<vmem>>
      %dma_wait3A_873 = tpu.memref_squeeze %dma_wait3A_872 : memref<1x128xi32, #tpu.memory_space<vmem>> -> memref<128xi32, #tpu.memory_space<vmem>>
      %dma_wait3A_874 = arith.constant 0 : i32
      %dma_wait3A_875 = arith.constant 0 : i32
      %dma_wait3A_876 = tpu.memref_slice %arg4[%dma_wait3A_874, %dma_wait3A_875] : memref<50000x128xf32, #tpu.memory_space<hbm>> -> memref<50000x128xf32, #tpu.memory_space<hbm>>
      tpu.wait_indirect_dma semaphore(%arg16 : memref<!tpu.dma_semaphore, #tpu.memory_space<semaphore_mem>>) src(%dma_wait3A_876 : memref<50000x128xf32, #tpu.memory_space<hbm>>) dst(%arg9 : memref<128x128xf32, #tpu.memory_space<vmem>>)
      "tpu.region"() ({
        %run_scoped3A = tpu.sem_alloc : memref<!tpu.dma_semaphore, #tpu.memory_space<semaphore_mem>>
        %dma_start3A_879 = arith.constant 0 : i32
        %dma_start3A_880 = tpu.memref_slice %arg8[%while3A_866, %dma_start3A_879] : memref<152x128xi32, #tpu.memory_space<vmem>> -> memref<1x128xi32, #tpu.memory_space<vmem>>
        %dma_start3A_881 = tpu.memref_squeeze %dma_start3A_880 : memref<1x128xi32, #tpu.memory_space<vmem>> -> memref<128xi32, #tpu.memory_space<vmem>>
        %dma_start3A_882 = arith.constant 0 : i32
        %dma_start3A_883 = arith.constant 0 : i32
        %dma_start3A_884 = tpu.memref_slice %arg14[%dma_start3A_882, %dma_start3A_883] : memref<6400x128xf32, #tpu.memory_space<vmem_shared>> -> memref<6400x128xf32, #tpu.memory_space<vmem_shared>>
        tpu.enqueue_indirect_dma source(%arg9 : memref<128x128xf32, #tpu.memory_space<vmem>>) target(%dma_start3A_884 : memref<6400x128xf32, #tpu.memory_space<vmem_shared>>) offsets(%dma_start3A_881 : memref<128xi32, #tpu.memory_space<vmem>>) semaphore(%run_scoped3A : memref<!tpu.dma_semaphore, #tpu.memory_space<semaphore_mem>>) {add = true}
        %dma_wait3A_885 = arith.constant 0 : i32
        %dma_wait3A_886 = tpu.memref_slice %arg8[%while3A_866, %dma_wait3A_885] : memref<152x128xi32, #tpu.memory_space<vmem>> -> memref<1x128xi32, #tpu.memory_space<vmem>>
        %dma_wait3A_887 = tpu.memref_squeeze %dma_wait3A_886 : memref<1x128xi32, #tpu.memory_space<vmem>> -> memref<128xi32, #tpu.memory_space<vmem>>
        %dma_wait3A_888 = arith.constant 0 : i32
        %dma_wait3A_889 = arith.constant 0 : i32
        %dma_wait3A_890 = tpu.memref_slice %arg14[%dma_wait3A_888, %dma_wait3A_889] : memref<6400x128xf32, #tpu.memory_space<vmem_shared>> -> memref<6400x128xf32, #tpu.memory_space<vmem_shared>>
        tpu.wait_indirect_dma semaphore(%run_scoped3A : memref<!tpu.dma_semaphore, #tpu.memory_space<semaphore_mem>>) src(%arg9 : memref<128x128xf32, #tpu.memory_space<vmem>>) dst(%dma_wait3A_890 : memref<6400x128xf32, #tpu.memory_space<vmem_shared>>)
        tpu.yield
      }) : () -> ()
      "tpu.region"() ({
        %run_scoped3A = tpu.sem_alloc : memref<!tpu.dma_semaphore, #tpu.memory_space<semaphore_mem>>
        %dma_start3A_879 = arith.constant 0 : i32
        %dma_start3A_880 = tpu.memref_slice %arg8[%while3A_866, %dma_start3A_879] : memref<152x128xi32, #tpu.memory_space<vmem>> -> memref<1x128xi32, #tpu.memory_space<vmem>>
        %dma_start3A_881 = tpu.memref_squeeze %dma_start3A_880 : memref<1x128xi32, #tpu.memory_space<vmem>> -> memref<128xi32, #tpu.memory_space<vmem>>
        %dma_start3A_882 = arith.constant 0 : i32
        %dma_start3A_883 = tpu.memref_slice %arg15[%dma_start3A_882] : memref<7168xf32, #tpu.memory_space<vmem_shared>> -> memref<7168xf32, #tpu.memory_space<vmem_shared>>
        tpu.enqueue_indirect_dma source(%arg12 : memref<128xf32, #tpu.memory_space<vmem>>) target(%dma_start3A_883 : memref<7168xf32, #tpu.memory_space<vmem_shared>>) offsets(%dma_start3A_881 : memref<128xi32, #tpu.memory_space<vmem>>) semaphore(%run_scoped3A : memref<!tpu.dma_semaphore, #tpu.memory_space<semaphore_mem>>) {add = true}
        %dma_wait3A_884 = arith.constant 0 : i32
        %dma_wait3A_885 = tpu.memref_slice %arg8[%while3A_866, %dma_wait3A_884] : memref<152x128xi32, #tpu.memory_space<vmem>> -> memref<1x128xi32, #tpu.memory_space<vmem>>
        %dma_wait3A_886 = tpu.memref_squeeze %dma_wait3A_885 : memref<1x128xi32, #tpu.memory_space<vmem>> -> memref<128xi32, #tpu.memory_space<vmem>>
        %dma_wait3A_887 = arith.constant 0 : i32
        %dma_wait3A_888 = tpu.memref_slice %arg15[%dma_wait3A_887] : memref<7168xf32, #tpu.memory_space<vmem_shared>> -> memref<7168xf32, #tpu.memory_space<vmem_shared>>
        tpu.wait_indirect_dma semaphore(%run_scoped3A : memref<!tpu.dma_semaphore, #tpu.memory_space<semaphore_mem>>) src(%arg12 : memref<128xf32, #tpu.memory_space<vmem>>) dst(%dma_wait3A_888 : memref<7168xf32, #tpu.memory_space<vmem_shared>>)
        tpu.yield
      }) : () -> ()
      %add3A_877 = arith.constant 1 : i32
      %add3A_878 = arith.addi %while3A_866, %add3A_877 : i32
      scf.yield %add3A_878 : i32
    }
    %barrier3A_649 = arith.constant 0 : index
    tpu.barrier barrier_id(%barrier3A_649)
    %mul3A_650 = arith.constant 392 : i32
    %mul3A_651 = arith.muli %arg1, %mul3A_650 : i32
    %add3A_652 = arith.addi %mul3A_457, %mul3A_651 : i32
    "tpu.region"() ({
      %run_scoped3A = tpu.sem_alloc : memref<!tpu.dma_semaphore, #tpu.memory_space<semaphore_mem>>
      %dma_start3A = arith.constant 0 : i32
      %dma_start3A_866 = tpu.memref_slice %arg5[%add3A_652, %dma_start3A] : memref<50176x128xf32, #tpu.memory_space<hbm>> -> memref<392x128xf32, #tpu.memory_space<hbm>>
      %dma_start3A_867 = arith.constant 0 : i32
      %dma_start3A_868 = tpu.memref_slice %arg14[%mul3A_651, %dma_start3A_867] : memref<6400x128xf32, #tpu.memory_space<vmem_shared>> -> memref<392x128xf32, #tpu.memory_space<vmem_shared>>
      tpu.enqueue_dma source(%dma_start3A_868 : memref<392x128xf32, #tpu.memory_space<vmem_shared>>) target(%dma_start3A_866 : memref<392x128xf32, #tpu.memory_space<hbm>>) target_semaphore(%run_scoped3A : memref<!tpu.dma_semaphore, #tpu.memory_space<semaphore_mem>>)
      %dma_wait3A = arith.constant 0 : i32
      %dma_wait3A_869 = tpu.memref_slice %arg5[%add3A_652, %dma_wait3A] : memref<50176x128xf32, #tpu.memory_space<hbm>> -> memref<392x128xf32, #tpu.memory_space<hbm>>
      %dma_wait3A_870 = arith.constant 0 : i32
      %dma_wait3A_871 = tpu.memref_slice %arg14[%mul3A_651, %dma_wait3A_870] : memref<6400x128xf32, #tpu.memory_space<vmem_shared>> -> memref<392x128xf32, #tpu.memory_space<vmem_shared>>
      tpu.wait_dma2 semaphore(%run_scoped3A : memref<!tpu.dma_semaphore, #tpu.memory_space<semaphore_mem>>) src(%dma_wait3A_871 : memref<392x128xf32, #tpu.memory_space<vmem_shared>>) dst(%dma_wait3A_869 : memref<392x128xf32, #tpu.memory_space<hbm>>)
      tpu.yield
    }) : () -> ()
    %eq3A_653 = arith.constant 0 : i32
    %eq3A_654 = arith.cmpi eq, %arg1, %eq3A_653 : i32
    %convert_element_type3A_655 = arith.extui %eq3A_654 : i1 to i32
    %cond3A_656 = arith.constant 0 : i32
    %cond3A_657 = arith.cmpi ne, %convert_element_type3A_655, %cond3A_656 : i32
    scf.if %cond3A_657 {
      "tpu.region"() ({
        %run_scoped3A = tpu.sem_alloc : memref<!tpu.dma_semaphore, #tpu.memory_space<semaphore_mem>>
        %dma_start3A = tpu.memref_slice %arg6[%mul3A_457] : memref<50176xf32, #tpu.memory_space<hbm>> -> memref<6272xf32, #tpu.memory_space<hbm>>
        %dma_start3A_866 = arith.constant 0 : i32
        %dma_start3A_867 = tpu.memref_slice %arg15[%dma_start3A_866] : memref<7168xf32, #tpu.memory_space<vmem_shared>> -> memref<6272xf32, #tpu.memory_space<vmem_shared>>
        tpu.enqueue_dma source(%dma_start3A_867 : memref<6272xf32, #tpu.memory_space<vmem_shared>>) target(%dma_start3A : memref<6272xf32, #tpu.memory_space<hbm>>) target_semaphore(%run_scoped3A : memref<!tpu.dma_semaphore, #tpu.memory_space<semaphore_mem>>)
        %dma_wait3A = tpu.memref_slice %arg6[%mul3A_457] : memref<50176xf32, #tpu.memory_space<hbm>> -> memref<6272xf32, #tpu.memory_space<hbm>>
        %dma_wait3A_868 = arith.constant 0 : i32
        %dma_wait3A_869 = tpu.memref_slice %arg15[%dma_wait3A_868] : memref<7168xf32, #tpu.memory_space<vmem_shared>> -> memref<6272xf32, #tpu.memory_space<vmem_shared>>
        tpu.wait_dma2 semaphore(%run_scoped3A : memref<!tpu.dma_semaphore, #tpu.memory_space<semaphore_mem>>) src(%dma_wait3A_869 : memref<6272xf32, #tpu.memory_space<vmem_shared>>) dst(%dma_wait3A : memref<6272xf32, #tpu.memory_space<hbm>>)
        tpu.yield
      }) : () -> ()
    } else {
    }
    %barrier3A_658 = arith.constant 0 : index
    tpu.barrier barrier_id(%barrier3A_658)
    %mul3A_659 = arith.constant 4 : i32
    %mul3A_660 = arith.muli %mul3A_659, %arg0 : i32
    %add3A_661 = arith.constant 3 : i32
    %add3A_662 = arith.addi %mul3A_660, %add3A_661 : i32
    %mul3A_663 = arith.constant 6272 : i32
    %mul3A_664 = arith.muli %add3A_662, %mul3A_663 : i32
    %mul3A_665 = arith.constant 400 : i32
    %mul3A_666 = arith.muli %arg1, %mul3A_665 : i32
    %add3A_667 = arith.constant 0 : i32
    %add3A_668 = arith.addi %mul3A_666, %add3A_667 : i32
    "tpu.region"() ({
      %run_scoped3A = tpu.sem_alloc : memref<!tpu.dma_semaphore, #tpu.memory_space<semaphore_mem>>
      %dma_start3A = arith.constant 0 : i32
      %dma_start3A_866 = tpu.memref_slice %arg14[%add3A_668, %dma_start3A] : memref<6400x128xf32, #tpu.memory_space<vmem_shared>> -> memref<128x128xf32, #tpu.memory_space<vmem_shared>>
      %dma_start3A_867 = arith.constant 0 : i32
      %dma_start3A_868 = tpu.memref_slice %arg14[%add3A_668, %dma_start3A_867] : memref<6400x128xf32, #tpu.memory_space<vmem_shared>> -> memref<128x128xf32, #tpu.memory_space<vmem_shared>>
      tpu.enqueue_dma source(%arg10 : memref<128x128xf32, #tpu.memory_space<vmem>>) target(%dma_start3A_868 : memref<128x128xf32, #tpu.memory_space<vmem_shared>>) target_semaphore(%run_scoped3A : memref<!tpu.dma_semaphore, #tpu.memory_space<semaphore_mem>>)
      %dma_wait3A = arith.constant 0 : i32
      %dma_wait3A_869 = tpu.memref_slice %arg14[%add3A_668, %dma_wait3A] : memref<6400x128xf32, #tpu.memory_space<vmem_shared>> -> memref<128x128xf32, #tpu.memory_space<vmem_shared>>
      %dma_wait3A_870 = arith.constant 0 : i32
      %dma_wait3A_871 = tpu.memref_slice %arg14[%add3A_668, %dma_wait3A_870] : memref<6400x128xf32, #tpu.memory_space<vmem_shared>> -> memref<128x128xf32, #tpu.memory_space<vmem_shared>>
      tpu.wait_dma2 semaphore(%run_scoped3A : memref<!tpu.dma_semaphore, #tpu.memory_space<semaphore_mem>>) src(%arg10 : memref<128x128xf32, #tpu.memory_space<vmem>>) dst(%dma_wait3A_871 : memref<128x128xf32, #tpu.memory_space<vmem_shared>>)
      tpu.yield
    }) : () -> ()
    %add3A_669 = arith.constant 128 : i32
    %add3A_670 = arith.addi %mul3A_666, %add3A_669 : i32
    "tpu.region"() ({
      %run_scoped3A = tpu.sem_alloc : memref<!tpu.dma_semaphore, #tpu.memory_space<semaphore_mem>>
      %dma_start3A = arith.constant 0 : i32
      %dma_start3A_866 = tpu.memref_slice %arg14[%add3A_670, %dma_start3A] : memref<6400x128xf32, #tpu.memory_space<vmem_shared>> -> memref<128x128xf32, #tpu.memory_space<vmem_shared>>
      %dma_start3A_867 = arith.constant 0 : i32
      %dma_start3A_868 = tpu.memref_slice %arg14[%add3A_670, %dma_start3A_867] : memref<6400x128xf32, #tpu.memory_space<vmem_shared>> -> memref<128x128xf32, #tpu.memory_space<vmem_shared>>
      tpu.enqueue_dma source(%arg10 : memref<128x128xf32, #tpu.memory_space<vmem>>) target(%dma_start3A_868 : memref<128x128xf32, #tpu.memory_space<vmem_shared>>) target_semaphore(%run_scoped3A : memref<!tpu.dma_semaphore, #tpu.memory_space<semaphore_mem>>)
      %dma_wait3A = arith.constant 0 : i32
      %dma_wait3A_869 = tpu.memref_slice %arg14[%add3A_670, %dma_wait3A] : memref<6400x128xf32, #tpu.memory_space<vmem_shared>> -> memref<128x128xf32, #tpu.memory_space<vmem_shared>>
      %dma_wait3A_870 = arith.constant 0 : i32
      %dma_wait3A_871 = tpu.memref_slice %arg14[%add3A_670, %dma_wait3A_870] : memref<6400x128xf32, #tpu.memory_space<vmem_shared>> -> memref<128x128xf32, #tpu.memory_space<vmem_shared>>
      tpu.wait_dma2 semaphore(%run_scoped3A : memref<!tpu.dma_semaphore, #tpu.memory_space<semaphore_mem>>) src(%arg10 : memref<128x128xf32, #tpu.memory_space<vmem>>) dst(%dma_wait3A_871 : memref<128x128xf32, #tpu.memory_space<vmem_shared>>)
      tpu.yield
    }) : () -> ()
    %add3A_671 = arith.constant 256 : i32
    %add3A_672 = arith.addi %mul3A_666, %add3A_671 : i32
    "tpu.region"() ({
      %run_scoped3A = tpu.sem_alloc : memref<!tpu.dma_semaphore, #tpu.memory_space<semaphore_mem>>
      %dma_start3A = arith.constant 0 : i32
      %dma_start3A_866 = tpu.memref_slice %arg14[%add3A_672, %dma_start3A] : memref<6400x128xf32, #tpu.memory_space<vmem_shared>> -> memref<128x128xf32, #tpu.memory_space<vmem_shared>>
      %dma_start3A_867 = arith.constant 0 : i32
      %dma_start3A_868 = tpu.memref_slice %arg14[%add3A_672, %dma_start3A_867] : memref<6400x128xf32, #tpu.memory_space<vmem_shared>> -> memref<128x128xf32, #tpu.memory_space<vmem_shared>>
      tpu.enqueue_dma source(%arg10 : memref<128x128xf32, #tpu.memory_space<vmem>>) target(%dma_start3A_868 : memref<128x128xf32, #tpu.memory_space<vmem_shared>>) target_semaphore(%run_scoped3A : memref<!tpu.dma_semaphore, #tpu.memory_space<semaphore_mem>>)
      %dma_wait3A = arith.constant 0 : i32
      %dma_wait3A_869 = tpu.memref_slice %arg14[%add3A_672, %dma_wait3A] : memref<6400x128xf32, #tpu.memory_space<vmem_shared>> -> memref<128x128xf32, #tpu.memory_space<vmem_shared>>
      %dma_wait3A_870 = arith.constant 0 : i32
      %dma_wait3A_871 = tpu.memref_slice %arg14[%add3A_672, %dma_wait3A_870] : memref<6400x128xf32, #tpu.memory_space<vmem_shared>> -> memref<128x128xf32, #tpu.memory_space<vmem_shared>>
      tpu.wait_dma2 semaphore(%run_scoped3A : memref<!tpu.dma_semaphore, #tpu.memory_space<semaphore_mem>>) src(%arg10 : memref<128x128xf32, #tpu.memory_space<vmem>>) dst(%dma_wait3A_871 : memref<128x128xf32, #tpu.memory_space<vmem_shared>>)
      tpu.yield
    }) : () -> ()
    %add3A_673 = arith.constant 384 : i32
    %add3A_674 = arith.addi %mul3A_666, %add3A_673 : i32
    "tpu.region"() ({
      %run_scoped3A = tpu.sem_alloc : memref<!tpu.dma_semaphore, #tpu.memory_space<semaphore_mem>>
      %dma_start3A = arith.constant 0 : i32
      %dma_start3A_866 = arith.constant 0 : i32
      %dma_start3A_867 = tpu.memref_slice %arg10[%dma_start3A, %dma_start3A_866] : memref<128x128xf32, #tpu.memory_space<vmem>> -> memref<16x128xf32, #tpu.memory_space<vmem>>
      %dma_start3A_868 = arith.constant 0 : i32
      %dma_start3A_869 = tpu.memref_slice %arg14[%add3A_674, %dma_start3A_868] : memref<6400x128xf32, #tpu.memory_space<vmem_shared>> -> memref<16x128xf32, #tpu.memory_space<vmem_shared>>
      %dma_start3A_870 = arith.constant 0 : i32
      %dma_start3A_871 = tpu.memref_slice %arg14[%add3A_674, %dma_start3A_870] : memref<6400x128xf32, #tpu.memory_space<vmem_shared>> -> memref<16x128xf32, #tpu.memory_space<vmem_shared>>
      %dma_start3A_872 = arith.constant 0 : i32
      %dma_start3A_873 = arith.constant 0 : i32
      %dma_start3A_874 = tpu.memref_slice %arg10[%dma_start3A_872, %dma_start3A_873] : memref<128x128xf32, #tpu.memory_space<vmem>> -> memref<16x128xf32, #tpu.memory_space<vmem>>
      tpu.enqueue_dma source(%dma_start3A_874 : memref<16x128xf32, #tpu.memory_space<vmem>>) target(%dma_start3A_871 : memref<16x128xf32, #tpu.memory_space<vmem_shared>>) target_semaphore(%run_scoped3A : memref<!tpu.dma_semaphore, #tpu.memory_space<semaphore_mem>>)
      %dma_wait3A = arith.constant 0 : i32
      %dma_wait3A_875 = arith.constant 0 : i32
      %dma_wait3A_876 = tpu.memref_slice %arg10[%dma_wait3A, %dma_wait3A_875] : memref<128x128xf32, #tpu.memory_space<vmem>> -> memref<16x128xf32, #tpu.memory_space<vmem>>
      %dma_wait3A_877 = arith.constant 0 : i32
      %dma_wait3A_878 = tpu.memref_slice %arg14[%add3A_674, %dma_wait3A_877] : memref<6400x128xf32, #tpu.memory_space<vmem_shared>> -> memref<16x128xf32, #tpu.memory_space<vmem_shared>>
      %dma_wait3A_879 = arith.constant 0 : i32
      %dma_wait3A_880 = tpu.memref_slice %arg14[%add3A_674, %dma_wait3A_879] : memref<6400x128xf32, #tpu.memory_space<vmem_shared>> -> memref<16x128xf32, #tpu.memory_space<vmem_shared>>
      %dma_wait3A_881 = arith.constant 0 : i32
      %dma_wait3A_882 = arith.constant 0 : i32
      %dma_wait3A_883 = tpu.memref_slice %arg10[%dma_wait3A_881, %dma_wait3A_882] : memref<128x128xf32, #tpu.memory_space<vmem>> -> memref<16x128xf32, #tpu.memory_space<vmem>>
      tpu.wait_dma2 semaphore(%run_scoped3A : memref<!tpu.dma_semaphore, #tpu.memory_space<semaphore_mem>>) src(%dma_wait3A_883 : memref<16x128xf32, #tpu.memory_space<vmem>>) dst(%dma_wait3A_880 : memref<16x128xf32, #tpu.memory_space<vmem_shared>>)
      tpu.yield
    }) : () -> ()
    %mul3A_675 = arith.constant 448 : i32
    %mul3A_676 = arith.muli %arg1, %mul3A_675 : i32
    "tpu.region"() ({
      %run_scoped3A = tpu.sem_alloc : memref<!tpu.dma_semaphore, #tpu.memory_space<semaphore_mem>>
      %dma_start3A = tpu.memref_slice %arg15[%mul3A_676] : memref<7168xf32, #tpu.memory_space<vmem_shared>> -> memref<448xf32, #tpu.memory_space<vmem_shared>>
      %dma_start3A_866 = tpu.memref_slice %arg15[%mul3A_676] : memref<7168xf32, #tpu.memory_space<vmem_shared>> -> memref<448xf32, #tpu.memory_space<vmem_shared>>
      tpu.enqueue_dma source(%arg11 : memref<448xf32, #tpu.memory_space<vmem>>) target(%dma_start3A_866 : memref<448xf32, #tpu.memory_space<vmem_shared>>) target_semaphore(%run_scoped3A : memref<!tpu.dma_semaphore, #tpu.memory_space<semaphore_mem>>)
      %dma_wait3A = tpu.memref_slice %arg15[%mul3A_676] : memref<7168xf32, #tpu.memory_space<vmem_shared>> -> memref<448xf32, #tpu.memory_space<vmem_shared>>
      %dma_wait3A_867 = tpu.memref_slice %arg15[%mul3A_676] : memref<7168xf32, #tpu.memory_space<vmem_shared>> -> memref<448xf32, #tpu.memory_space<vmem_shared>>
      tpu.wait_dma2 semaphore(%run_scoped3A : memref<!tpu.dma_semaphore, #tpu.memory_space<semaphore_mem>>) src(%arg11 : memref<448xf32, #tpu.memory_space<vmem>>) dst(%dma_wait3A_867 : memref<448xf32, #tpu.memory_space<vmem_shared>>)
      tpu.yield
    }) : () -> ()
    %barrier3A_677 = arith.constant 0 : index
    tpu.barrier barrier_id(%barrier3A_677)
    "tpu.region"() ({
      %run_scoped3A = tpu.sem_alloc : memref<!tpu.dma_semaphore, #tpu.memory_space<semaphore_mem>>
      %dma_start3A = arith.constant 0 : i32
      %dma_start3A_866 = tpu.memref_slice %arg2[%mul3A_0, %dma_start3A] : memref<2432x128xi32, #tpu.memory_space<hbm>> -> memref<152x128xi32, #tpu.memory_space<hbm>>
      %dma_start3A_867 = arith.constant 0 : i32
      %dma_start3A_868 = tpu.memref_slice %arg2[%mul3A_0, %dma_start3A_867] : memref<2432x128xi32, #tpu.memory_space<hbm>> -> memref<152x128xi32, #tpu.memory_space<hbm>>
      tpu.enqueue_dma source(%dma_start3A_868 : memref<152x128xi32, #tpu.memory_space<hbm>>) target(%arg7 : memref<152x128xi32, #tpu.memory_space<vmem>>) target_semaphore(%run_scoped3A : memref<!tpu.dma_semaphore, #tpu.memory_space<semaphore_mem>>)
      %dma_wait3A = arith.constant 0 : i32
      %dma_wait3A_869 = tpu.memref_slice %arg2[%mul3A_0, %dma_wait3A] : memref<2432x128xi32, #tpu.memory_space<hbm>> -> memref<152x128xi32, #tpu.memory_space<hbm>>
      %dma_wait3A_870 = arith.constant 0 : i32
      %dma_wait3A_871 = tpu.memref_slice %arg2[%mul3A_0, %dma_wait3A_870] : memref<2432x128xi32, #tpu.memory_space<hbm>> -> memref<152x128xi32, #tpu.memory_space<hbm>>
      tpu.wait_dma2 semaphore(%run_scoped3A : memref<!tpu.dma_semaphore, #tpu.memory_space<semaphore_mem>>) src(%dma_wait3A_871 : memref<152x128xi32, #tpu.memory_space<hbm>>) dst(%arg7 : memref<152x128xi32, #tpu.memory_space<vmem>>)
      tpu.yield
    }) : () -> ()
    "tpu.region"() ({
      %run_scoped3A = tpu.sem_alloc : memref<!tpu.dma_semaphore, #tpu.memory_space<semaphore_mem>>
      %dma_start3A = arith.constant 0 : i32
      %dma_start3A_866 = tpu.memref_slice %arg3[%mul3A_0, %dma_start3A] : memref<2432x128xi32, #tpu.memory_space<hbm>> -> memref<152x128xi32, #tpu.memory_space<hbm>>
      %dma_start3A_867 = arith.constant 0 : i32
      %dma_start3A_868 = tpu.memref_slice %arg3[%mul3A_0, %dma_start3A_867] : memref<2432x128xi32, #tpu.memory_space<hbm>> -> memref<152x128xi32, #tpu.memory_space<hbm>>
      tpu.enqueue_dma source(%dma_start3A_868 : memref<152x128xi32, #tpu.memory_space<hbm>>) target(%arg8 : memref<152x128xi32, #tpu.memory_space<vmem>>) target_semaphore(%run_scoped3A : memref<!tpu.dma_semaphore, #tpu.memory_space<semaphore_mem>>)
      %dma_wait3A = arith.constant 0 : i32
      %dma_wait3A_869 = tpu.memref_slice %arg3[%mul3A_0, %dma_wait3A] : memref<2432x128xi32, #tpu.memory_space<hbm>> -> memref<152x128xi32, #tpu.memory_space<hbm>>
      %dma_wait3A_870 = arith.constant 0 : i32
      %dma_wait3A_871 = tpu.memref_slice %arg3[%mul3A_0, %dma_wait3A_870] : memref<2432x128xi32, #tpu.memory_space<hbm>> -> memref<152x128xi32, #tpu.memory_space<hbm>>
      tpu.wait_dma2 semaphore(%run_scoped3A : memref<!tpu.dma_semaphore, #tpu.memory_space<semaphore_mem>>) src(%dma_wait3A_871 : memref<152x128xi32, #tpu.memory_space<hbm>>) dst(%arg8 : memref<152x128xi32, #tpu.memory_space<vmem>>)
      tpu.yield
    }) : () -> ()
    %broadcast_in_dim3A_678 = vector.broadcast %mul3A_664 : i32 to vector<16xi32>
    %add3A_679 = arith.constant 6272 : i32
    %add3A_680 = arith.addi %mul3A_664, %add3A_679 : i32
    %broadcast_in_dim3A_681 = vector.broadcast %add3A_680 : i32 to vector<16xi32>
    %swap3A_682 = arith.constant 0 : index
    %swap3A_683 = tpu.vector_load %arg13[%swap3A_682] {strides = array<i32>} : memref<16xi32, #tpu.memory_space<vmem>>, vector<16xi32>,
    tpu.vector_store %arg13[%swap3A_682], %broadcast_in_dim3A_1 {strides = array<i32>} : memref<16xi32, #tpu.memory_space<vmem>>, vector<16xi32>,
    %scan3A_684 = arith.constant 0 : i32
    %scan3A_685 = arith.constant 0 : i32
    %scan3A_686 = arith.constant 1216 : i32
    %scan3A_687 = arith.addi %scan3A_685, %scan3A_686 : i32
    %scan3A_688 = arith.constant 1 : i32
    %scan3A_689 = scf.for %scan3A_866 = %scan3A_685 to %scan3A_687 step %scan3A_688 iter_args(%scan3A_867 = %scan3A_684) -> (i32)  : i32 {
      %jit3A = arith.constant 8 : i32
      %div3A = arith.divsi %scan3A_866, %jit3A : i32
      %sign3A = arith.constant 0 : i32
      %sign3A_868 = arith.cmpi sgt, %scan3A_866, %sign3A : i32
      %sign3A_869 = arith.extui %sign3A_868 : i1 to i32
      %sign3A_870 = arith.constant 0 : i32
      %sign3A_871 = arith.cmpi slt, %scan3A_866, %sign3A_870 : i32
      %sign3A_872 = arith.extui %sign3A_871 : i1 to i32
      %sign3A_873 = arith.subi %sign3A_869, %sign3A_872 : i32
      %sign3A_874 = arith.constant 0 : i32
      %sign3A_875 = arith.cmpi sgt, %jit3A, %sign3A_874 : i32
      %sign3A_876 = arith.extui %sign3A_875 : i1 to i32
      %sign3A_877 = arith.constant 0 : i32
      %sign3A_878 = arith.cmpi slt, %jit3A, %sign3A_877 : i32
      %sign3A_879 = arith.extui %sign3A_878 : i1 to i32
      %sign3A_880 = arith.subi %sign3A_876, %sign3A_879 : i32
      %ne3A = arith.cmpi ne, %sign3A_873, %sign3A_880 : i32
      %rem3A = arith.remsi %scan3A_866, %jit3A : i32
      %ne3A_881 = arith.constant 0 : i32
      %ne3A_882 = arith.cmpi ne, %rem3A, %ne3A_881 : i32
      %and3A_883 = arith.andi %ne3A, %ne3A_882 : i1
      %sub3A = arith.constant 1 : i32
      %sub3A_884 = arith.subi %div3A, %sub3A : i32
      %select_n3A = arith.select %and3A_883, %sub3A_884, %div3A : i32
      %jit3A_885 = arith.constant 8 : i32
      %eq3A_886 = arith.constant 0 : i32
      %eq3A_887 = arith.cmpi eq, %jit3A_885, %eq3A_886 : i32
      %jit3A_888 = arith.constant 1 : i32
      %select_n3A_889 = arith.select %eq3A_887, %jit3A_888, %jit3A_885 : i32
      %rem3A_890 = arith.remsi %scan3A_866, %select_n3A_889 : i32
      %ne3A_891 = arith.constant 0 : i32
      %ne3A_892 = arith.cmpi ne, %rem3A_890, %ne3A_891 : i32
      %lt3A_893 = arith.constant 0 : i32
      %lt3A_894 = arith.cmpi slt, %rem3A_890, %lt3A_893 : i32
      %lt3A_895 = arith.constant 0 : i32
      %lt3A_896 = arith.cmpi slt, %select_n3A_889, %lt3A_895 : i32
      %ne3A_897 = arith.xori %lt3A_894, %lt3A_896 : i1
      %and3A_898 = arith.andi %ne3A_897, %ne3A_892 : i1
      %add3A_899 = arith.addi %rem3A_890, %select_n3A_889 : i32
      %select_n3A_900 = arith.select %and3A_898, %add3A_899, %rem3A_890 : i32
      %mul3A_901 = arith.constant 16 : i32
      %mul3A_902 = arith.muli %select_n3A_900, %mul3A_901 : i32
      %get3A_903 = arith.index_cast %select_n3A : i32 to index
      %get3A_904 = arith.index_cast %mul3A_902 : i32 to index
      %get3A_905 = tpu.vector_load %arg7[%get3A_903, %get3A_904] {strides = array<i32>} : memref<152x128xi32, #tpu.memory_space<vmem>>, vector<16xi32>,
      %get3A_906 = arith.index_cast %select_n3A : i32 to index
      %get3A_907 = arith.index_cast %mul3A_902 : i32 to index
      %get3A_908 = tpu.vector_load %arg8[%get3A_906, %get3A_907] {strides = array<i32>} : memref<152x128xi32, #tpu.memory_space<vmem>>, vector<16xi32>,
      %sub3A_909 = arith.subi %get3A_908, %broadcast_in_dim3A_678 : vector<16xi32>
      %ge3A = arith.cmpi sge, %get3A_908, %broadcast_in_dim3A_678 : vector<16xi32>
      %lt3A_910 = arith.cmpi slt, %get3A_908, %broadcast_in_dim3A_681 : vector<16xi32>
      %and3A_911 = arith.andi %ge3A, %lt3A_910 : vector<16xi1>
      %select_n3A_912 = arith.select %and3A_911, %broadcast_in_dim3A_3, %broadcast_in_dim3A_1 : vector<16xi1>, vector<16xi32>
      %get3A_913 = arith.constant 0 : index
      %get3A_914 = tpu.vector_load %arg13[%get3A_913] {strides = array<i32>} : memref<16xi32, #tpu.memory_space<vmem>>, vector<16xi32>,
      %broadcast_in_dim3A_915 = arith.constant true
      %broadcast_in_dim3A_916 = vector.broadcast %broadcast_in_dim3A_915 : i1 to vector<16xi1>
      %masked_cumsum3A = tpu.scan <sum>, %select_n3A_912 masked %broadcast_in_dim3A_916 : vector<16xi32>, vector<16xi1> -> vector<16xi32>
      %add3A_917 = arith.addi %get3A_914, %masked_cumsum3A : vector<16xi32>
      %sub3A_918 = arith.constant 1 : i32
      %sub3A_919 = vector.broadcast %sub3A_918 : i32 to vector<16xi32>
      %sub3A_920 = arith.subi %add3A_917, %sub3A_919 : vector<16xi32>
      %shift_right_arithmetic3A_921 = arith.constant 7 : i32
      %shift_right_arithmetic3A_922 = vector.broadcast %shift_right_arithmetic3A_921 : i32 to vector<16xi32>
      %shift_right_arithmetic3A_923 = arith.shrsi %sub3A_920, %shift_right_arithmetic3A_922 : vector<16xi32>
      %and3A_924 = arith.constant 127 : i32
      %and3A_925 = vector.broadcast %and3A_924 : i32 to vector<16xi32>
      %and3A_926 = arith.andi %sub3A_920, %and3A_925 : vector<16xi32>
      tpu.vector_store_idx %arg7[%shift_right_arithmetic3A_923, %and3A_926], %get3A_905 masked %and3A_911 : memref<152x128xi32, #tpu.memory_space<vmem>>[vector<16xi32>, vector<16xi32>], vector<16xi32>, vector<16xi1>
      %shift_right_arithmetic3A_927 = arith.constant 7 : i32
      %shift_right_arithmetic3A_928 = vector.broadcast %shift_right_arithmetic3A_927 : i32 to vector<16xi32>
      %shift_right_arithmetic3A_929 = arith.shrsi %sub3A_920, %shift_right_arithmetic3A_928 : vector<16xi32>
      %and3A_930 = arith.constant 127 : i32
      %and3A_931 = vector.broadcast %and3A_930 : i32 to vector<16xi32>
      %and3A_932 = arith.andi %sub3A_920, %and3A_931 : vector<16xi32>
      tpu.vector_store_idx %arg8[%shift_right_arithmetic3A_929, %and3A_932], %sub3A_909 masked %and3A_911 : memref<152x128xi32, #tpu.memory_space<vmem>>[vector<16xi32>, vector<16xi32>], vector<16xi32>, vector<16xi1>
      %all_reduce_population_count3A = tpu.all_reduce %and3A_911 {dim = 0 : i64, kind = #tpu.reduction_kind<sum>} : vector<16xi1> -> vector<16xi32>
      %add3A_933 = arith.addi %get3A_914, %all_reduce_population_count3A : vector<16xi32>
      %swap3A_934 = arith.constant 0 : index
      %swap3A_935 = tpu.vector_load %arg13[%swap3A_934] {strides = array<i32>} : memref<16xi32, #tpu.memory_space<vmem>>, vector<16xi32>,
      tpu.vector_store %arg13[%swap3A_934], %add3A_933 {strides = array<i32>} : memref<16xi32, #tpu.memory_space<vmem>>, vector<16xi32>,
      %scan3A_936 = arith.constant 0 : i32
      scf.yield %scan3A_936 : i32
    }
    %scan3A_690 = arith.constant 1216 : i32
    %get3A_691 = arith.constant 0 : index
    %get3A_692 = tpu.vector_load %arg13[%get3A_691] {strides = array<i32>} : memref<16xi32, #tpu.memory_space<vmem>>, vector<16xi32>,
    %add3A_693 = arith.constant 127 : i32
    %add3A_694 = vector.broadcast %add3A_693 : i32 to vector<16xi32>
    %add3A_695 = arith.addi %get3A_692, %add3A_694 : vector<16xi32>
    %shift_right_arithmetic3A_696 = arith.constant 7 : i32
    %shift_right_arithmetic3A_697 = vector.broadcast %shift_right_arithmetic3A_696 : i32 to vector<16xi32>
    %shift_right_arithmetic3A_698 = arith.shrsi %add3A_695, %shift_right_arithmetic3A_697 : vector<16xi32>
    %mul3A_699 = arith.constant 128 : i32
    %mul3A_700 = vector.broadcast %mul3A_699 : i32 to vector<16xi32>
    %mul3A_701 = arith.muli %shift_right_arithmetic3A_698, %mul3A_700 : vector<16xi32>
    %add3A_702 = arith.constant 0 : i32
    %add3A_703 = vector.broadcast %add3A_702 : i32 to vector<16xi32>
    %add3A_704 = arith.addi %get3A_692, %add3A_703 : vector<16xi32>
    %add3A_705 = arith.addi %add3A_704, %iota3A : vector<16xi32>
    %lt3A_706 = arith.cmpi slt, %add3A_705, %mul3A_701 : vector<16xi32>
    %shift_right_arithmetic3A_707 = arith.constant 7 : i32
    %shift_right_arithmetic3A_708 = vector.broadcast %shift_right_arithmetic3A_707 : i32 to vector<16xi32>
    %shift_right_arithmetic3A_709 = arith.shrsi %add3A_705, %shift_right_arithmetic3A_708 : vector<16xi32>
    %and3A_710 = arith.constant 127 : i32
    %and3A_711 = vector.broadcast %and3A_710 : i32 to vector<16xi32>
    %and3A_712 = arith.andi %add3A_705, %and3A_711 : vector<16xi32>
    tpu.vector_store_idx %arg7[%shift_right_arithmetic3A_709, %and3A_712], %broadcast_in_dim3A_1 masked %lt3A_706 : memref<152x128xi32, #tpu.memory_space<vmem>>[vector<16xi32>, vector<16xi32>], vector<16xi32>, vector<16xi1>
    %shift_right_arithmetic3A_713 = arith.constant 7 : i32
    %shift_right_arithmetic3A_714 = vector.broadcast %shift_right_arithmetic3A_713 : i32 to vector<16xi32>
    %shift_right_arithmetic3A_715 = arith.shrsi %add3A_705, %shift_right_arithmetic3A_714 : vector<16xi32>
    %and3A_716 = arith.constant 127 : i32
    %and3A_717 = vector.broadcast %and3A_716 : i32 to vector<16xi32>
    %and3A_718 = arith.andi %add3A_705, %and3A_717 : vector<16xi32>
    %broadcast_in_dim3A_719 = arith.constant 6272 : i32
    %broadcast_in_dim3A_720 = vector.broadcast %broadcast_in_dim3A_719 : i32 to vector<16xi32>
    tpu.vector_store_idx %arg8[%shift_right_arithmetic3A_715, %and3A_718], %broadcast_in_dim3A_720 masked %lt3A_706 : memref<152x128xi32, #tpu.memory_space<vmem>>[vector<16xi32>, vector<16xi32>], vector<16xi32>, vector<16xi1>
    %add3A_721 = arith.constant 16 : i32
    %add3A_722 = vector.broadcast %add3A_721 : i32 to vector<16xi32>
    %add3A_723 = arith.addi %get3A_692, %add3A_722 : vector<16xi32>
    %add3A_724 = arith.addi %add3A_723, %iota3A : vector<16xi32>
    %lt3A_725 = arith.cmpi slt, %add3A_724, %mul3A_701 : vector<16xi32>
    %shift_right_arithmetic3A_726 = arith.constant 7 : i32
    %shift_right_arithmetic3A_727 = vector.broadcast %shift_right_arithmetic3A_726 : i32 to vector<16xi32>
    %shift_right_arithmetic3A_728 = arith.shrsi %add3A_724, %shift_right_arithmetic3A_727 : vector<16xi32>
    %and3A_729 = arith.constant 127 : i32
    %and3A_730 = vector.broadcast %and3A_729 : i32 to vector<16xi32>
    %and3A_731 = arith.andi %add3A_724, %and3A_730 : vector<16xi32>
    tpu.vector_store_idx %arg7[%shift_right_arithmetic3A_728, %and3A_731], %broadcast_in_dim3A_1 masked %lt3A_725 : memref<152x128xi32, #tpu.memory_space<vmem>>[vector<16xi32>, vector<16xi32>], vector<16xi32>, vector<16xi1>
    %shift_right_arithmetic3A_732 = arith.constant 7 : i32
    %shift_right_arithmetic3A_733 = vector.broadcast %shift_right_arithmetic3A_732 : i32 to vector<16xi32>
    %shift_right_arithmetic3A_734 = arith.shrsi %add3A_724, %shift_right_arithmetic3A_733 : vector<16xi32>
    %and3A_735 = arith.constant 127 : i32
    %and3A_736 = vector.broadcast %and3A_735 : i32 to vector<16xi32>
    %and3A_737 = arith.andi %add3A_724, %and3A_736 : vector<16xi32>
    %broadcast_in_dim3A_738 = arith.constant 6272 : i32
    %broadcast_in_dim3A_739 = vector.broadcast %broadcast_in_dim3A_738 : i32 to vector<16xi32>
    tpu.vector_store_idx %arg8[%shift_right_arithmetic3A_734, %and3A_737], %broadcast_in_dim3A_739 masked %lt3A_725 : memref<152x128xi32, #tpu.memory_space<vmem>>[vector<16xi32>, vector<16xi32>], vector<16xi32>, vector<16xi1>
    %add3A_740 = arith.constant 32 : i32
    %add3A_741 = vector.broadcast %add3A_740 : i32 to vector<16xi32>
    %add3A_742 = arith.addi %get3A_692, %add3A_741 : vector<16xi32>
    %add3A_743 = arith.addi %add3A_742, %iota3A : vector<16xi32>
    %lt3A_744 = arith.cmpi slt, %add3A_743, %mul3A_701 : vector<16xi32>
    %shift_right_arithmetic3A_745 = arith.constant 7 : i32
    %shift_right_arithmetic3A_746 = vector.broadcast %shift_right_arithmetic3A_745 : i32 to vector<16xi32>
    %shift_right_arithmetic3A_747 = arith.shrsi %add3A_743, %shift_right_arithmetic3A_746 : vector<16xi32>
    %and3A_748 = arith.constant 127 : i32
    %and3A_749 = vector.broadcast %and3A_748 : i32 to vector<16xi32>
    %and3A_750 = arith.andi %add3A_743, %and3A_749 : vector<16xi32>
    tpu.vector_store_idx %arg7[%shift_right_arithmetic3A_747, %and3A_750], %broadcast_in_dim3A_1 masked %lt3A_744 : memref<152x128xi32, #tpu.memory_space<vmem>>[vector<16xi32>, vector<16xi32>], vector<16xi32>, vector<16xi1>
    %shift_right_arithmetic3A_751 = arith.constant 7 : i32
    %shift_right_arithmetic3A_752 = vector.broadcast %shift_right_arithmetic3A_751 : i32 to vector<16xi32>
    %shift_right_arithmetic3A_753 = arith.shrsi %add3A_743, %shift_right_arithmetic3A_752 : vector<16xi32>
    %and3A_754 = arith.constant 127 : i32
    %and3A_755 = vector.broadcast %and3A_754 : i32 to vector<16xi32>
    %and3A_756 = arith.andi %add3A_743, %and3A_755 : vector<16xi32>
    %broadcast_in_dim3A_757 = arith.constant 6272 : i32
    %broadcast_in_dim3A_758 = vector.broadcast %broadcast_in_dim3A_757 : i32 to vector<16xi32>
    tpu.vector_store_idx %arg8[%shift_right_arithmetic3A_753, %and3A_756], %broadcast_in_dim3A_758 masked %lt3A_744 : memref<152x128xi32, #tpu.memory_space<vmem>>[vector<16xi32>, vector<16xi32>], vector<16xi32>, vector<16xi1>
    %add3A_759 = arith.constant 48 : i32
    %add3A_760 = vector.broadcast %add3A_759 : i32 to vector<16xi32>
    %add3A_761 = arith.addi %get3A_692, %add3A_760 : vector<16xi32>
    %add3A_762 = arith.addi %add3A_761, %iota3A : vector<16xi32>
    %lt3A_763 = arith.cmpi slt, %add3A_762, %mul3A_701 : vector<16xi32>
    %shift_right_arithmetic3A_764 = arith.constant 7 : i32
    %shift_right_arithmetic3A_765 = vector.broadcast %shift_right_arithmetic3A_764 : i32 to vector<16xi32>
    %shift_right_arithmetic3A_766 = arith.shrsi %add3A_762, %shift_right_arithmetic3A_765 : vector<16xi32>
    %and3A_767 = arith.constant 127 : i32
    %and3A_768 = vector.broadcast %and3A_767 : i32 to vector<16xi32>
    %and3A_769 = arith.andi %add3A_762, %and3A_768 : vector<16xi32>
    tpu.vector_store_idx %arg7[%shift_right_arithmetic3A_766, %and3A_769], %broadcast_in_dim3A_1 masked %lt3A_763 : memref<152x128xi32, #tpu.memory_space<vmem>>[vector<16xi32>, vector<16xi32>], vector<16xi32>, vector<16xi1>
    %shift_right_arithmetic3A_770 = arith.constant 7 : i32
    %shift_right_arithmetic3A_771 = vector.broadcast %shift_right_arithmetic3A_770 : i32 to vector<16xi32>
    %shift_right_arithmetic3A_772 = arith.shrsi %add3A_762, %shift_right_arithmetic3A_771 : vector<16xi32>
    %and3A_773 = arith.constant 127 : i32
    %and3A_774 = vector.broadcast %and3A_773 : i32 to vector<16xi32>
    %and3A_775 = arith.andi %add3A_762, %and3A_774 : vector<16xi32>
    %broadcast_in_dim3A_776 = arith.constant 6272 : i32
    %broadcast_in_dim3A_777 = vector.broadcast %broadcast_in_dim3A_776 : i32 to vector<16xi32>
    tpu.vector_store_idx %arg8[%shift_right_arithmetic3A_772, %and3A_775], %broadcast_in_dim3A_777 masked %lt3A_763 : memref<152x128xi32, #tpu.memory_space<vmem>>[vector<16xi32>, vector<16xi32>], vector<16xi32>, vector<16xi1>
    %add3A_778 = arith.constant 64 : i32
    %add3A_779 = vector.broadcast %add3A_778 : i32 to vector<16xi32>
    %add3A_780 = arith.addi %get3A_692, %add3A_779 : vector<16xi32>
    %add3A_781 = arith.addi %add3A_780, %iota3A : vector<16xi32>
    %lt3A_782 = arith.cmpi slt, %add3A_781, %mul3A_701 : vector<16xi32>
    %shift_right_arithmetic3A_783 = arith.constant 7 : i32
    %shift_right_arithmetic3A_784 = vector.broadcast %shift_right_arithmetic3A_783 : i32 to vector<16xi32>
    %shift_right_arithmetic3A_785 = arith.shrsi %add3A_781, %shift_right_arithmetic3A_784 : vector<16xi32>
    %and3A_786 = arith.constant 127 : i32
    %and3A_787 = vector.broadcast %and3A_786 : i32 to vector<16xi32>
    %and3A_788 = arith.andi %add3A_781, %and3A_787 : vector<16xi32>
    tpu.vector_store_idx %arg7[%shift_right_arithmetic3A_785, %and3A_788], %broadcast_in_dim3A_1 masked %lt3A_782 : memref<152x128xi32, #tpu.memory_space<vmem>>[vector<16xi32>, vector<16xi32>], vector<16xi32>, vector<16xi1>
    %shift_right_arithmetic3A_789 = arith.constant 7 : i32
    %shift_right_arithmetic3A_790 = vector.broadcast %shift_right_arithmetic3A_789 : i32 to vector<16xi32>
    %shift_right_arithmetic3A_791 = arith.shrsi %add3A_781, %shift_right_arithmetic3A_790 : vector<16xi32>
    %and3A_792 = arith.constant 127 : i32
    %and3A_793 = vector.broadcast %and3A_792 : i32 to vector<16xi32>
    %and3A_794 = arith.andi %add3A_781, %and3A_793 : vector<16xi32>
    %broadcast_in_dim3A_795 = arith.constant 6272 : i32
    %broadcast_in_dim3A_796 = vector.broadcast %broadcast_in_dim3A_795 : i32 to vector<16xi32>
    tpu.vector_store_idx %arg8[%shift_right_arithmetic3A_791, %and3A_794], %broadcast_in_dim3A_796 masked %lt3A_782 : memref<152x128xi32, #tpu.memory_space<vmem>>[vector<16xi32>, vector<16xi32>], vector<16xi32>, vector<16xi1>
    %add3A_797 = arith.constant 80 : i32
    %add3A_798 = vector.broadcast %add3A_797 : i32 to vector<16xi32>
    %add3A_799 = arith.addi %get3A_692, %add3A_798 : vector<16xi32>
    %add3A_800 = arith.addi %add3A_799, %iota3A : vector<16xi32>
    %lt3A_801 = arith.cmpi slt, %add3A_800, %mul3A_701 : vector<16xi32>
    %shift_right_arithmetic3A_802 = arith.constant 7 : i32
    %shift_right_arithmetic3A_803 = vector.broadcast %shift_right_arithmetic3A_802 : i32 to vector<16xi32>
    %shift_right_arithmetic3A_804 = arith.shrsi %add3A_800, %shift_right_arithmetic3A_803 : vector<16xi32>
    %and3A_805 = arith.constant 127 : i32
    %and3A_806 = vector.broadcast %and3A_805 : i32 to vector<16xi32>
    %and3A_807 = arith.andi %add3A_800, %and3A_806 : vector<16xi32>
    tpu.vector_store_idx %arg7[%shift_right_arithmetic3A_804, %and3A_807], %broadcast_in_dim3A_1 masked %lt3A_801 : memref<152x128xi32, #tpu.memory_space<vmem>>[vector<16xi32>, vector<16xi32>], vector<16xi32>, vector<16xi1>
    %shift_right_arithmetic3A_808 = arith.constant 7 : i32
    %shift_right_arithmetic3A_809 = vector.broadcast %shift_right_arithmetic3A_808 : i32 to vector<16xi32>
    %shift_right_arithmetic3A_810 = arith.shrsi %add3A_800, %shift_right_arithmetic3A_809 : vector<16xi32>
    %and3A_811 = arith.constant 127 : i32
    %and3A_812 = vector.broadcast %and3A_811 : i32 to vector<16xi32>
    %and3A_813 = arith.andi %add3A_800, %and3A_812 : vector<16xi32>
    %broadcast_in_dim3A_814 = arith.constant 6272 : i32
    %broadcast_in_dim3A_815 = vector.broadcast %broadcast_in_dim3A_814 : i32 to vector<16xi32>
    tpu.vector_store_idx %arg8[%shift_right_arithmetic3A_810, %and3A_813], %broadcast_in_dim3A_815 masked %lt3A_801 : memref<152x128xi32, #tpu.memory_space<vmem>>[vector<16xi32>, vector<16xi32>], vector<16xi32>, vector<16xi1>
    %add3A_816 = arith.constant 96 : i32
    %add3A_817 = vector.broadcast %add3A_816 : i32 to vector<16xi32>
    %add3A_818 = arith.addi %get3A_692, %add3A_817 : vector<16xi32>
    %add3A_819 = arith.addi %add3A_818, %iota3A : vector<16xi32>
    %lt3A_820 = arith.cmpi slt, %add3A_819, %mul3A_701 : vector<16xi32>
    %shift_right_arithmetic3A_821 = arith.constant 7 : i32
    %shift_right_arithmetic3A_822 = vector.broadcast %shift_right_arithmetic3A_821 : i32 to vector<16xi32>
    %shift_right_arithmetic3A_823 = arith.shrsi %add3A_819, %shift_right_arithmetic3A_822 : vector<16xi32>
    %and3A_824 = arith.constant 127 : i32
    %and3A_825 = vector.broadcast %and3A_824 : i32 to vector<16xi32>
    %and3A_826 = arith.andi %add3A_819, %and3A_825 : vector<16xi32>
    tpu.vector_store_idx %arg7[%shift_right_arithmetic3A_823, %and3A_826], %broadcast_in_dim3A_1 masked %lt3A_820 : memref<152x128xi32, #tpu.memory_space<vmem>>[vector<16xi32>, vector<16xi32>], vector<16xi32>, vector<16xi1>
    %shift_right_arithmetic3A_827 = arith.constant 7 : i32
    %shift_right_arithmetic3A_828 = vector.broadcast %shift_right_arithmetic3A_827 : i32 to vector<16xi32>
    %shift_right_arithmetic3A_829 = arith.shrsi %add3A_819, %shift_right_arithmetic3A_828 : vector<16xi32>
    %and3A_830 = arith.constant 127 : i32
    %and3A_831 = vector.broadcast %and3A_830 : i32 to vector<16xi32>
    %and3A_832 = arith.andi %add3A_819, %and3A_831 : vector<16xi32>
    %broadcast_in_dim3A_833 = arith.constant 6272 : i32
    %broadcast_in_dim3A_834 = vector.broadcast %broadcast_in_dim3A_833 : i32 to vector<16xi32>
    tpu.vector_store_idx %arg8[%shift_right_arithmetic3A_829, %and3A_832], %broadcast_in_dim3A_834 masked %lt3A_820 : memref<152x128xi32, #tpu.memory_space<vmem>>[vector<16xi32>, vector<16xi32>], vector<16xi32>, vector<16xi1>
    %add3A_835 = arith.constant 112 : i32
    %add3A_836 = vector.broadcast %add3A_835 : i32 to vector<16xi32>
    %add3A_837 = arith.addi %get3A_692, %add3A_836 : vector<16xi32>
    %add3A_838 = arith.addi %add3A_837, %iota3A : vector<16xi32>
    %lt3A_839 = arith.cmpi slt, %add3A_838, %mul3A_701 : vector<16xi32>
    %shift_right_arithmetic3A_840 = arith.constant 7 : i32
    %shift_right_arithmetic3A_841 = vector.broadcast %shift_right_arithmetic3A_840 : i32 to vector<16xi32>
    %shift_right_arithmetic3A_842 = arith.shrsi %add3A_838, %shift_right_arithmetic3A_841 : vector<16xi32>
    %and3A_843 = arith.constant 127 : i32
    %and3A_844 = vector.broadcast %and3A_843 : i32 to vector<16xi32>
    %and3A_845 = arith.andi %add3A_838, %and3A_844 : vector<16xi32>
    tpu.vector_store_idx %arg7[%shift_right_arithmetic3A_842, %and3A_845], %broadcast_in_dim3A_1 masked %lt3A_839 : memref<152x128xi32, #tpu.memory_space<vmem>>[vector<16xi32>, vector<16xi32>], vector<16xi32>, vector<16xi1>
    %shift_right_arithmetic3A_846 = arith.constant 7 : i32
    %shift_right_arithmetic3A_847 = vector.broadcast %shift_right_arithmetic3A_846 : i32 to vector<16xi32>
    %shift_right_arithmetic3A_848 = arith.shrsi %add3A_838, %shift_right_arithmetic3A_847 : vector<16xi32>
    %and3A_849 = arith.constant 127 : i32
    %and3A_850 = vector.broadcast %and3A_849 : i32 to vector<16xi32>
    %and3A_851 = arith.andi %add3A_838, %and3A_850 : vector<16xi32>
    %broadcast_in_dim3A_852 = arith.constant 6272 : i32
    %broadcast_in_dim3A_853 = vector.broadcast %broadcast_in_dim3A_852 : i32 to vector<16xi32>
    tpu.vector_store_idx %arg8[%shift_right_arithmetic3A_848, %and3A_851], %broadcast_in_dim3A_853 masked %lt3A_839 : memref<152x128xi32, #tpu.memory_space<vmem>>[vector<16xi32>, vector<16xi32>], vector<16xi32>, vector<16xi1>
    %while3A_854 = arith.constant 0 : i32
    %while3A_855 = scf.while (%while3A_866 = %while3A_854) : (i32) -> i32 {
      %get3A_867 = arith.constant 0 : index
      %get3A_868 = tpu.vector_load %arg13[%get3A_867] {strides = array<i32>} : memref<16xi32, #tpu.memory_space<vmem>>, vector<16xi32>,
      %add3A_869 = arith.constant 127 : i32
      %add3A_870 = vector.broadcast %add3A_869 : i32 to vector<16xi32>
      %add3A_871 = arith.addi %get3A_868, %add3A_870 : vector<16xi32>
      %shift_right_arithmetic3A_872 = arith.constant 7 : i32
      %shift_right_arithmetic3A_873 = vector.broadcast %shift_right_arithmetic3A_872 : i32 to vector<16xi32>
      %shift_right_arithmetic3A_874 = arith.shrsi %add3A_871, %shift_right_arithmetic3A_873 : vector<16xi32>
      %broadcast_in_dim3A_875 = vector.broadcast %while3A_866 : i32 to vector<16xi32>
      %lt3A_876 = arith.cmpi slt, %broadcast_in_dim3A_875, %shift_right_arithmetic3A_874 : vector<16xi32>
      %reduce_or3A = arith.constant 1.000000e+00 : f32
      %reduce_or3A_877 = arith.constant 0.000000e+00 : f32
      %reduce_or3A_878 = vector.broadcast %reduce_or3A : f32 to vector<16xf32>
      %reduce_or3A_879 = vector.broadcast %reduce_or3A_877 : f32 to vector<16xf32>
      %reduce_or3A_880 = arith.select %lt3A_876, %reduce_or3A_878, %reduce_or3A_879 : vector<16xi1>, vector<16xf32>
      %reduce_or3A_881 = arith.constant true
      %reduce_or3A_882 = vector.broadcast %reduce_or3A_881 : i1 to vector<16xi1>
      %reduce_or3A_883 = tpu.scan <max>, %reduce_or3A_880 masked %reduce_or3A_882 : vector<16xf32>, vector<16xi1> -> vector<16xf32>
      %reduce_or3A_884 = vector.extract %reduce_or3A_883[15] : f32 from vector<16xf32>
      %reduce_or3A_885 = arith.constant 0.000000e+00 : f32
      %reduce_or3A_886 = arith.cmpf ogt, %reduce_or3A_884, %reduce_or3A_885 : f32
      scf.condition(%reduce_or3A_886) %while3A_866 : i32
    } do {
    ^bb0(%while3A_866: i32):
      %dma_start3A = arith.constant 0 : i32
      %dma_start3A_867 = tpu.memref_slice %arg7[%while3A_866, %dma_start3A] : memref<152x128xi32, #tpu.memory_space<vmem>> -> memref<1x128xi32, #tpu.memory_space<vmem>>
      %dma_start3A_868 = tpu.memref_squeeze %dma_start3A_867 : memref<1x128xi32, #tpu.memory_space<vmem>> -> memref<128xi32, #tpu.memory_space<vmem>>
      %dma_start3A_869 = arith.constant 0 : i32
      %dma_start3A_870 = arith.constant 0 : i32
      %dma_start3A_871 = tpu.memref_slice %arg4[%dma_start3A_869, %dma_start3A_870] : memref<50000x128xf32, #tpu.memory_space<hbm>> -> memref<50000x128xf32, #tpu.memory_space<hbm>>
      tpu.enqueue_indirect_dma source(%dma_start3A_871 : memref<50000x128xf32, #tpu.memory_space<hbm>>) target(%arg9 : memref<128x128xf32, #tpu.memory_space<vmem>>) offsets(%dma_start3A_868 : memref<128xi32, #tpu.memory_space<vmem>>) semaphore(%arg16 : memref<!tpu.dma_semaphore, #tpu.memory_space<semaphore_mem>>)
      %dma_wait3A = arith.constant 0 : i32
      %dma_wait3A_872 = tpu.memref_slice %arg7[%while3A_866, %dma_wait3A] : memref<152x128xi32, #tpu.memory_space<vmem>> -> memref<1x128xi32, #tpu.memory_space<vmem>>
      %dma_wait3A_873 = tpu.memref_squeeze %dma_wait3A_872 : memref<1x128xi32, #tpu.memory_space<vmem>> -> memref<128xi32, #tpu.memory_space<vmem>>
      %dma_wait3A_874 = arith.constant 0 : i32
      %dma_wait3A_875 = arith.constant 0 : i32
      %dma_wait3A_876 = tpu.memref_slice %arg4[%dma_wait3A_874, %dma_wait3A_875] : memref<50000x128xf32, #tpu.memory_space<hbm>> -> memref<50000x128xf32, #tpu.memory_space<hbm>>
      tpu.wait_indirect_dma semaphore(%arg16 : memref<!tpu.dma_semaphore, #tpu.memory_space<semaphore_mem>>) src(%dma_wait3A_876 : memref<50000x128xf32, #tpu.memory_space<hbm>>) dst(%arg9 : memref<128x128xf32, #tpu.memory_space<vmem>>)
      "tpu.region"() ({
        %run_scoped3A = tpu.sem_alloc : memref<!tpu.dma_semaphore, #tpu.memory_space<semaphore_mem>>
        %dma_start3A_879 = arith.constant 0 : i32
        %dma_start3A_880 = tpu.memref_slice %arg8[%while3A_866, %dma_start3A_879] : memref<152x128xi32, #tpu.memory_space<vmem>> -> memref<1x128xi32, #tpu.memory_space<vmem>>
        %dma_start3A_881 = tpu.memref_squeeze %dma_start3A_880 : memref<1x128xi32, #tpu.memory_space<vmem>> -> memref<128xi32, #tpu.memory_space<vmem>>
        %dma_start3A_882 = arith.constant 0 : i32
        %dma_start3A_883 = arith.constant 0 : i32
        %dma_start3A_884 = tpu.memref_slice %arg14[%dma_start3A_882, %dma_start3A_883] : memref<6400x128xf32, #tpu.memory_space<vmem_shared>> -> memref<6400x128xf32, #tpu.memory_space<vmem_shared>>
        tpu.enqueue_indirect_dma source(%arg9 : memref<128x128xf32, #tpu.memory_space<vmem>>) target(%dma_start3A_884 : memref<6400x128xf32, #tpu.memory_space<vmem_shared>>) offsets(%dma_start3A_881 : memref<128xi32, #tpu.memory_space<vmem>>) semaphore(%run_scoped3A : memref<!tpu.dma_semaphore, #tpu.memory_space<semaphore_mem>>) {add = true}
        %dma_wait3A_885 = arith.constant 0 : i32
        %dma_wait3A_886 = tpu.memref_slice %arg8[%while3A_866, %dma_wait3A_885] : memref<152x128xi32, #tpu.memory_space<vmem>> -> memref<1x128xi32, #tpu.memory_space<vmem>>
        %dma_wait3A_887 = tpu.memref_squeeze %dma_wait3A_886 : memref<1x128xi32, #tpu.memory_space<vmem>> -> memref<128xi32, #tpu.memory_space<vmem>>
        %dma_wait3A_888 = arith.constant 0 : i32
        %dma_wait3A_889 = arith.constant 0 : i32
        %dma_wait3A_890 = tpu.memref_slice %arg14[%dma_wait3A_888, %dma_wait3A_889] : memref<6400x128xf32, #tpu.memory_space<vmem_shared>> -> memref<6400x128xf32, #tpu.memory_space<vmem_shared>>
        tpu.wait_indirect_dma semaphore(%run_scoped3A : memref<!tpu.dma_semaphore, #tpu.memory_space<semaphore_mem>>) src(%arg9 : memref<128x128xf32, #tpu.memory_space<vmem>>) dst(%dma_wait3A_890 : memref<6400x128xf32, #tpu.memory_space<vmem_shared>>)
        tpu.yield
      }) : () -> ()
      "tpu.region"() ({
        %run_scoped3A = tpu.sem_alloc : memref<!tpu.dma_semaphore, #tpu.memory_space<semaphore_mem>>
        %dma_start3A_879 = arith.constant 0 : i32
        %dma_start3A_880 = tpu.memref_slice %arg8[%while3A_866, %dma_start3A_879] : memref<152x128xi32, #tpu.memory_space<vmem>> -> memref<1x128xi32, #tpu.memory_space<vmem>>
        %dma_start3A_881 = tpu.memref_squeeze %dma_start3A_880 : memref<1x128xi32, #tpu.memory_space<vmem>> -> memref<128xi32, #tpu.memory_space<vmem>>
        %dma_start3A_882 = arith.constant 0 : i32
        %dma_start3A_883 = tpu.memref_slice %arg15[%dma_start3A_882] : memref<7168xf32, #tpu.memory_space<vmem_shared>> -> memref<7168xf32, #tpu.memory_space<vmem_shared>>
        tpu.enqueue_indirect_dma source(%arg12 : memref<128xf32, #tpu.memory_space<vmem>>) target(%dma_start3A_883 : memref<7168xf32, #tpu.memory_space<vmem_shared>>) offsets(%dma_start3A_881 : memref<128xi32, #tpu.memory_space<vmem>>) semaphore(%run_scoped3A : memref<!tpu.dma_semaphore, #tpu.memory_space<semaphore_mem>>) {add = true}
        %dma_wait3A_884 = arith.constant 0 : i32
        %dma_wait3A_885 = tpu.memref_slice %arg8[%while3A_866, %dma_wait3A_884] : memref<152x128xi32, #tpu.memory_space<vmem>> -> memref<1x128xi32, #tpu.memory_space<vmem>>
        %dma_wait3A_886 = tpu.memref_squeeze %dma_wait3A_885 : memref<1x128xi32, #tpu.memory_space<vmem>> -> memref<128xi32, #tpu.memory_space<vmem>>
        %dma_wait3A_887 = arith.constant 0 : i32
        %dma_wait3A_888 = tpu.memref_slice %arg15[%dma_wait3A_887] : memref<7168xf32, #tpu.memory_space<vmem_shared>> -> memref<7168xf32, #tpu.memory_space<vmem_shared>>
        tpu.wait_indirect_dma semaphore(%run_scoped3A : memref<!tpu.dma_semaphore, #tpu.memory_space<semaphore_mem>>) src(%arg12 : memref<128xf32, #tpu.memory_space<vmem>>) dst(%dma_wait3A_888 : memref<7168xf32, #tpu.memory_space<vmem_shared>>)
        tpu.yield
      }) : () -> ()
      %add3A_877 = arith.constant 1 : i32
      %add3A_878 = arith.addi %while3A_866, %add3A_877 : i32
      scf.yield %add3A_878 : i32
    }
    %barrier3A_856 = arith.constant 0 : index
    tpu.barrier barrier_id(%barrier3A_856)
    %mul3A_857 = arith.constant 392 : i32
    %mul3A_858 = arith.muli %arg1, %mul3A_857 : i32
    %add3A_859 = arith.addi %mul3A_664, %mul3A_858 : i32
    "tpu.region"() ({
      %run_scoped3A = tpu.sem_alloc : memref<!tpu.dma_semaphore, #tpu.memory_space<semaphore_mem>>
      %dma_start3A = arith.constant 0 : i32
      %dma_start3A_866 = tpu.memref_slice %arg5[%add3A_859, %dma_start3A] : memref<50176x128xf32, #tpu.memory_space<hbm>> -> memref<392x128xf32, #tpu.memory_space<hbm>>
      %dma_start3A_867 = arith.constant 0 : i32
      %dma_start3A_868 = tpu.memref_slice %arg14[%mul3A_858, %dma_start3A_867] : memref<6400x128xf32, #tpu.memory_space<vmem_shared>> -> memref<392x128xf32, #tpu.memory_space<vmem_shared>>
      tpu.enqueue_dma source(%dma_start3A_868 : memref<392x128xf32, #tpu.memory_space<vmem_shared>>) target(%dma_start3A_866 : memref<392x128xf32, #tpu.memory_space<hbm>>) target_semaphore(%run_scoped3A : memref<!tpu.dma_semaphore, #tpu.memory_space<semaphore_mem>>)
      %dma_wait3A = arith.constant 0 : i32
      %dma_wait3A_869 = tpu.memref_slice %arg5[%add3A_859, %dma_wait3A] : memref<50176x128xf32, #tpu.memory_space<hbm>> -> memref<392x128xf32, #tpu.memory_space<hbm>>
      %dma_wait3A_870 = arith.constant 0 : i32
      %dma_wait3A_871 = tpu.memref_slice %arg14[%mul3A_858, %dma_wait3A_870] : memref<6400x128xf32, #tpu.memory_space<vmem_shared>> -> memref<392x128xf32, #tpu.memory_space<vmem_shared>>
      tpu.wait_dma2 semaphore(%run_scoped3A : memref<!tpu.dma_semaphore, #tpu.memory_space<semaphore_mem>>) src(%dma_wait3A_871 : memref<392x128xf32, #tpu.memory_space<vmem_shared>>) dst(%dma_wait3A_869 : memref<392x128xf32, #tpu.memory_space<hbm>>)
      tpu.yield
    }) : () -> ()
    %eq3A_860 = arith.constant 0 : i32
    %eq3A_861 = arith.cmpi eq, %arg1, %eq3A_860 : i32
    %convert_element_type3A_862 = arith.extui %eq3A_861 : i1 to i32
    %cond3A_863 = arith.constant 0 : i32
    %cond3A_864 = arith.cmpi ne, %convert_element_type3A_862, %cond3A_863 : i32
    scf.if %cond3A_864 {
      "tpu.region"() ({
        %run_scoped3A = tpu.sem_alloc : memref<!tpu.dma_semaphore, #tpu.memory_space<semaphore_mem>>
        %dma_start3A = tpu.memref_slice %arg6[%mul3A_664] : memref<50176xf32, #tpu.memory_space<hbm>> -> memref<6272xf32, #tpu.memory_space<hbm>>
        %dma_start3A_866 = arith.constant 0 : i32
        %dma_start3A_867 = tpu.memref_slice %arg15[%dma_start3A_866] : memref<7168xf32, #tpu.memory_space<vmem_shared>> -> memref<6272xf32, #tpu.memory_space<vmem_shared>>
        tpu.enqueue_dma source(%dma_start3A_867 : memref<6272xf32, #tpu.memory_space<vmem_shared>>) target(%dma_start3A : memref<6272xf32, #tpu.memory_space<hbm>>) target_semaphore(%run_scoped3A : memref<!tpu.dma_semaphore, #tpu.memory_space<semaphore_mem>>)
        %dma_wait3A = tpu.memref_slice %arg6[%mul3A_664] : memref<50176xf32, #tpu.memory_space<hbm>> -> memref<6272xf32, #tpu.memory_space<hbm>>
        %dma_wait3A_868 = arith.constant 0 : i32
        %dma_wait3A_869 = tpu.memref_slice %arg15[%dma_wait3A_868] : memref<7168xf32, #tpu.memory_space<vmem_shared>> -> memref<6272xf32, #tpu.memory_space<vmem_shared>>
        tpu.wait_dma2 semaphore(%run_scoped3A : memref<!tpu.dma_semaphore, #tpu.memory_space<semaphore_mem>>) src(%dma_wait3A_869 : memref<6272xf32, #tpu.memory_space<vmem_shared>>) dst(%dma_wait3A : memref<6272xf32, #tpu.memory_space<hbm>>)
        tpu.yield
      }) : () -> ()
    } else {
    }
    %barrier3A_865 = arith.constant 0 : index
    tpu.barrier barrier_id(%barrier3A_865)
    return
  }
}

module attributes {stable_mosaic.version = 14 : i64} {
  func.func @_tc_body(%arg0: i32, %arg1: memref<128x128xf32, #tpu.memory_space<vmem>>, %arg2: memref<128x128xf32, #tpu.memory_space<vmem>>, %arg3: memref<1x1x128xf32, #tpu.memory_space<vmem>>, %arg4: memref<128x128xf32, #tpu.memory_space<vmem>>, %arg5: memref<1x128xf32, #tpu.memory_space<vmem>>, %arg6: memref<128x128xf32, #tpu.memory_space<vmem>>, %arg7: memref<1x128xf32, #tpu.memory_space<vmem>>, %arg8: memref<128x128xf32, #tpu.memory_space<vmem>>, %arg9: memref<1x128xf32, #tpu.memory_space<vmem>>, %arg10: memref<128x128xf32, #tpu.memory_space<vmem>>, %arg11: memref<1x128xf32, #tpu.memory_space<vmem>>, %arg12: memref<1x128xf32, #tpu.memory_space<vmem>>, %arg13: memref<1x1xf32, #tpu.memory_space<smem>>, %arg14: memref<1x128xf32, #tpu.memory_space<vmem>>, %arg15: memref<1x1xf32, #tpu.memory_space<smem>>, %arg16: memref<128x16xf32, #tpu.memory_space<vmem>>, %arg17: memref<1x16xf32, #tpu.memory_space<vmem>>, %arg18: memref<128x16xf32, #tpu.memory_space<vmem>>) attributes {dimension_semantics = [#tpu.dimension_semantics<arbitrary>], iteration_bounds = array<i64: 392>, scalar_prefetch = 0 : i64, scratch_operands = 0 : i64, tpu.core_type = #tpu.core_type<tc>, window_params = [{transform_indices = @transform_0, window_bounds = array<i64: 128, 128>}, {transform_indices = @transform_1, window_bounds = array<i64: 128, 128>}, {transform_indices = @transform_2, window_bounds = array<i64: 1, 1, 128>}, {pipeline_mode = #tpu.pipeline_mode<synchronous>, transform_indices = @transform_3, window_bounds = array<i64: 128, 128>}, {pipeline_mode = #tpu.pipeline_mode<synchronous>, transform_indices = @transform_4, window_bounds = array<i64: 1, 128>}, {pipeline_mode = #tpu.pipeline_mode<synchronous>, transform_indices = @transform_5, window_bounds = array<i64: 128, 128>}, {pipeline_mode = #tpu.pipeline_mode<synchronous>, transform_indices = @transform_6, window_bounds = array<i64: 1, 128>}, {pipeline_mode = #tpu.pipeline_mode<synchronous>, transform_indices = @transform_7, window_bounds = array<i64: 128, 128>}, {pipeline_mode = #tpu.pipeline_mode<synchronous>, transform_indices = @transform_8, window_bounds = array<i64: 1, 128>}, {pipeline_mode = #tpu.pipeline_mode<synchronous>, transform_indices = @transform_9, window_bounds = array<i64: 128, 128>}, {pipeline_mode = #tpu.pipeline_mode<synchronous>, transform_indices = @transform_10, window_bounds = array<i64: 1, 128>}, {pipeline_mode = #tpu.pipeline_mode<synchronous>, transform_indices = @transform_11, window_bounds = array<i64: 1, 128>}, {transform_indices = @transform_12, window_bounds = array<i64: 1, 1>}, {pipeline_mode = #tpu.pipeline_mode<synchronous>, transform_indices = @transform_13, window_bounds = array<i64: 1, 128>}, {transform_indices = @transform_14, window_bounds = array<i64: 1, 1>}, {pipeline_mode = #tpu.pipeline_mode<synchronous>, transform_indices = @transform_15, window_bounds = array<i64: 128, 16>}, {pipeline_mode = #tpu.pipeline_mode<synchronous>, transform_indices = @transform_16, window_bounds = array<i64: 1, 16>}, {transform_indices = @transform_17, window_bounds = array<i64: 128, 16>}]} {
    %get3A = arith.constant 0 : index
    %get3A_0 = arith.constant 0 : index
    %get3A_1 = vector.load %arg1[%get3A, %get3A_0] : memref<128x128xf32, #tpu.memory_space<vmem>>, vector<128x128xf32>
    %get3A_2 = arith.constant 0 : index
    %get3A_3 = arith.constant 0 : index
    %get3A_4 = vector.load %arg2[%get3A_2, %get3A_3] : memref<128x128xf32, #tpu.memory_space<vmem>>, vector<128x128xf32>
    %get3A_5 = arith.constant 0 : index
    %get3A_6 = arith.constant 0 : index
    %get3A_7 = arith.constant 0 : index
    %get3A_8 = vector.load %arg3[%get3A_5, %get3A_6, %get3A_7] : memref<1x1x128xf32, #tpu.memory_space<vmem>>, vector<1x1x128xf32>
    %get3A_9 = vector.shape_cast %get3A_8 : vector<1x1x128xf32> to vector<1x128xf32>
    %get3A_10 = arith.constant 0 : index
    %get3A_11 = arith.constant 0 : index
    %get3A_12 = vector.load %arg4[%get3A_10, %get3A_11] : memref<128x128xf32, #tpu.memory_space<vmem>>, vector<128x128xf32>
    %dot_general3A = arith.constant dense<0.000000e+00> : vector<128x128xf32>
    %dot_general3A_13 = tpu.matmul %get3A_1, %get3A_12, %dot_general3A {dimension_numbers = #tpu.dot_dimension_numbers<[1], [0], [0], [1], [0, 0, 1, 1], [], []>, transpose_lhs_hint = false} : vector<128x128xf32>, vector<128x128xf32>, vector<128x128xf32> -> vector<128x128xf32>
    %get3A_14 = arith.constant 0 : index
    %get3A_15 = arith.constant 0 : index
    %get3A_16 = vector.load %arg5[%get3A_14, %get3A_15] : memref<1x128xf32, #tpu.memory_space<vmem>>, vector<1x128xf32>
    %add3A = vector.broadcast %get3A_16 : vector<1x128xf32> to vector<128x128xf32>
    %add3A_17 = arith.addf %dot_general3A_13, %add3A : vector<128x128xf32>
    %get3A_18 = arith.constant 0 : index
    %get3A_19 = arith.constant 0 : index
    %get3A_20 = vector.load %arg6[%get3A_18, %get3A_19] : memref<128x128xf32, #tpu.memory_space<vmem>>, vector<128x128xf32>
    %dot_general3A_21 = arith.constant dense<0.000000e+00> : vector<128x128xf32>
    %dot_general3A_22 = tpu.matmul %get3A_4, %get3A_20, %dot_general3A_21 {dimension_numbers = #tpu.dot_dimension_numbers<[1], [0], [0], [1], [0, 0, 1, 1], [], []>, transpose_lhs_hint = false} : vector<128x128xf32>, vector<128x128xf32>, vector<128x128xf32> -> vector<128x128xf32>
    %max3A = arith.constant 1.000000e+00 : f32
    %max3A_23 = vector.broadcast %max3A : f32 to vector<1x128xf32>
    %max3A_24 = arith.maximumf %get3A_9, %max3A_23 : vector<1x128xf32>
    %div3A = arith.constant 1.000000e+00 : f32
    %div3A_25 = vector.broadcast %div3A : f32 to vector<1x128xf32>
    %div3A_26 = arith.divf %div3A_25, %max3A_24 : vector<1x128xf32>
    %iota3A = tpu.iota {dimensions = array<i32: 0>} : vector<128x128xi32>
    %iota3A_27 = tpu.iota {dimensions = array<i32: 1>} : vector<128x128xi32>
    %eq3A = arith.cmpi eq, %iota3A, %iota3A_27 : vector<128x128xi32>
    %convert_element_type3A = arith.extui %eq3A : vector<128x128xi1> to vector<128x128xi32>
    %convert_element_type3A_28 = arith.sitofp %convert_element_type3A : vector<128x128xi32> to vector<128x128xf32>
    %dot_general3A_29 = arith.constant dense<0.000000e+00> : vector<128x1xf32>
    %dot_general3A_30 = tpu.matmul %convert_element_type3A_28, %div3A_26, %dot_general3A_29 {dimension_numbers = #tpu.dot_dimension_numbers<[1], [1], [0], [0], [0, 0, 1, 0], [], []>, transpose_lhs_hint = false} : vector<128x128xf32>, vector<1x128xf32>, vector<128x1xf32> -> vector<128x1xf32>
    %mul3A = vector.broadcast %dot_general3A_30 : vector<128x1xf32> to vector<128x128xf32>
    %mul3A_31 = arith.mulf %dot_general3A_22, %mul3A : vector<128x128xf32>
    %get3A_32 = arith.constant 0 : index
    %get3A_33 = arith.constant 0 : index
    %get3A_34 = vector.load %arg7[%get3A_32, %get3A_33] : memref<1x128xf32, #tpu.memory_space<vmem>>, vector<1x128xf32>
    %add3A_35 = vector.broadcast %get3A_34 : vector<1x128xf32> to vector<128x128xf32>
    %add3A_36 = arith.addf %mul3A_31, %add3A_35 : vector<128x128xf32>
    %get3A_37 = arith.constant 0 : index
    %get3A_38 = arith.constant 0 : index
    %get3A_39 = vector.load %arg8[%get3A_37, %get3A_38] : memref<128x128xf32, #tpu.memory_space<vmem>>, vector<128x128xf32>
    %get3A_40 = arith.constant 0 : index
    %get3A_41 = arith.constant 0 : index
    %get3A_42 = vector.load %arg12[%get3A_40, %get3A_41] : memref<1x128xf32, #tpu.memory_space<vmem>>, vector<1x128xf32>
    %dot_general3A_43 = arith.constant dense<0.000000e+00> : vector<128x1xf32>
    %dot_general3A_44 = tpu.matmul %get3A_39, %get3A_42, %dot_general3A_43 {dimension_numbers = #tpu.dot_dimension_numbers<[1], [1], [0], [0], [0, 0, 1, 0], [], []>, transpose_lhs_hint = false} : vector<128x128xf32>, vector<1x128xf32>, vector<128x1xf32> -> vector<128x1xf32>
    %get3A_45 = arith.constant 0 : index
    %get3A_46 = arith.constant 0 : index
    %get3A_47 = vector.load %arg9[%get3A_45, %get3A_46] : memref<1x128xf32, #tpu.memory_space<vmem>>, vector<1x128xf32>
    %get3A_48 = arith.constant 0 : index
    %get3A_49 = arith.constant 0 : index
    %get3A_50 = vector.load %arg12[%get3A_48, %get3A_49] : memref<1x128xf32, #tpu.memory_space<vmem>>, vector<1x128xf32>
    %mul3A_51 = arith.mulf %get3A_47, %get3A_50 : vector<1x128xf32>
    %reduce_sum3A = vector.shape_cast %mul3A_51 : vector<1x128xf32> to vector<1x1x128xf32>
    %reduce_sum3A_52 = arith.constant dense<0.000000e+00> : vector<1xf32>
    %reduce_sum3A_53 = vector.multi_reduction <add>, %reduce_sum3A, %reduce_sum3A_52 [1, 2] : vector<1x1x128xf32> to vector<1xf32>
    %reduce_sum3A_54 = vector.shape_cast %reduce_sum3A_53 : vector<1xf32> to vector<1x1x1xf32>
    %reduce_sum3A_55 = vector.extract %reduce_sum3A_54[0, 0, 0] : f32 from vector<1x1x1xf32>
    %get3A_56 = arith.constant 0 : index
    %get3A_57 = arith.constant 0 : index
    %get3A_58 = memref.load %arg13[%get3A_56, %get3A_57] : memref<1x1xf32, #tpu.memory_space<smem>>
    %add3A_59 = arith.addf %reduce_sum3A_55, %get3A_58 : f32
    %get3A_60 = arith.constant 0 : index
    %get3A_61 = arith.constant 0 : index
    %get3A_62 = vector.load %arg10[%get3A_60, %get3A_61] : memref<128x128xf32, #tpu.memory_space<vmem>>, vector<128x128xf32>
    %get3A_63 = arith.constant 0 : index
    %get3A_64 = arith.constant 0 : index
    %get3A_65 = vector.load %arg14[%get3A_63, %get3A_64] : memref<1x128xf32, #tpu.memory_space<vmem>>, vector<1x128xf32>
    %dot_general3A_66 = arith.constant dense<0.000000e+00> : vector<128x1xf32>
    %dot_general3A_67 = tpu.matmul %get3A_62, %get3A_65, %dot_general3A_66 {dimension_numbers = #tpu.dot_dimension_numbers<[1], [1], [0], [0], [0, 0, 1, 0], [], []>, transpose_lhs_hint = false} : vector<128x128xf32>, vector<1x128xf32>, vector<128x1xf32> -> vector<128x1xf32>
    %get3A_68 = arith.constant 0 : index
    %get3A_69 = arith.constant 0 : index
    %get3A_70 = vector.load %arg11[%get3A_68, %get3A_69] : memref<1x128xf32, #tpu.memory_space<vmem>>, vector<1x128xf32>
    %get3A_71 = arith.constant 0 : index
    %get3A_72 = arith.constant 0 : index
    %get3A_73 = vector.load %arg14[%get3A_71, %get3A_72] : memref<1x128xf32, #tpu.memory_space<vmem>>, vector<1x128xf32>
    %mul3A_74 = arith.mulf %get3A_70, %get3A_73 : vector<1x128xf32>
    %reduce_sum3A_75 = vector.shape_cast %mul3A_74 : vector<1x128xf32> to vector<1x1x128xf32>
    %reduce_sum3A_76 = arith.constant dense<0.000000e+00> : vector<1xf32>
    %reduce_sum3A_77 = vector.multi_reduction <add>, %reduce_sum3A_75, %reduce_sum3A_76 [1, 2] : vector<1x1x128xf32> to vector<1xf32>
    %reduce_sum3A_78 = vector.shape_cast %reduce_sum3A_77 : vector<1xf32> to vector<1x1x1xf32>
    %reduce_sum3A_79 = vector.extract %reduce_sum3A_78[0, 0, 0] : f32 from vector<1x1x1xf32>
    %get3A_80 = arith.constant 0 : index
    %get3A_81 = arith.constant 0 : index
    %get3A_82 = memref.load %arg15[%get3A_80, %get3A_81] : memref<1x1xf32, #tpu.memory_space<smem>>
    %add3A_83 = arith.addf %reduce_sum3A_79, %get3A_82 : f32
    %dot_general3A_84 = arith.constant dense<0.000000e+00> : vector<128x1xf32>
    %dot_general3A_85 = tpu.matmul %add3A_17, %dot_general3A_67, %dot_general3A_84 {dimension_numbers = #tpu.dot_dimension_numbers<[1], [0], [0], [1], [0, 0, 1, 1], [], []>, transpose_lhs_hint = false} : vector<128x128xf32>, vector<128x1xf32>, vector<128x1xf32> -> vector<128x1xf32>
    %add3A_86 = vector.broadcast %add3A_83 : f32 to vector<128x1xf32>
    %add3A_87 = arith.addf %dot_general3A_85, %add3A_86 : vector<128x1xf32>
    %dot_general3A_88 = arith.constant dense<0.000000e+00> : vector<128x1xf32>
    %dot_general3A_89 = tpu.matmul %add3A_17, %dot_general3A_44, %dot_general3A_88 {dimension_numbers = #tpu.dot_dimension_numbers<[1], [0], [0], [1], [0, 0, 1, 1], [], []>, transpose_lhs_hint = false} : vector<128x128xf32>, vector<128x1xf32>, vector<128x1xf32> -> vector<128x1xf32>
    %add3A_90 = vector.broadcast %add3A_59 : f32 to vector<128x1xf32>
    %add3A_91 = arith.addf %dot_general3A_89, %add3A_90 : vector<128x1xf32>
    %add3A_92 = arith.addf %add3A_91, %add3A_87 : vector<128x1xf32>
    %gt3A = arith.constant 0.000000e+00 : f32
    %gt3A_93 = vector.broadcast %gt3A : f32 to vector<128x1xf32>
    %gt3A_94 = arith.cmpf ogt, %add3A_92, %gt3A_93 : vector<128x1xf32>
    %exp3A = math.exp %add3A_92 : vector<128x1xf32>
    %sub3A = arith.constant 1.000000e+00 : f32
    %sub3A_95 = vector.broadcast %sub3A : f32 to vector<128x1xf32>
    %sub3A_96 = arith.subf %exp3A, %sub3A_95 : vector<128x1xf32>
    %select_n3A = arith.select %gt3A_94, %add3A_92, %sub3A_96 : vector<128x1xi1>, vector<128x1xf32>
    %dot_general3A_97 = arith.constant dense<0.000000e+00> : vector<128x1xf32>
    %dot_general3A_98 = tpu.matmul %add3A_36, %dot_general3A_44, %dot_general3A_97 {dimension_numbers = #tpu.dot_dimension_numbers<[1], [0], [0], [1], [0, 0, 1, 1], [], []>, transpose_lhs_hint = false} : vector<128x128xf32>, vector<128x1xf32>, vector<128x1xf32> -> vector<128x1xf32>
    %add3A_99 = vector.broadcast %add3A_59 : f32 to vector<128x1xf32>
    %add3A_100 = arith.addf %dot_general3A_98, %add3A_99 : vector<128x1xf32>
    %add3A_101 = arith.addf %add3A_100, %add3A_87 : vector<128x1xf32>
    %gt3A_102 = arith.constant 0.000000e+00 : f32
    %gt3A_103 = vector.broadcast %gt3A_102 : f32 to vector<128x1xf32>
    %gt3A_104 = arith.cmpf ogt, %add3A_101, %gt3A_103 : vector<128x1xf32>
    %exp3A_105 = math.exp %add3A_101 : vector<128x1xf32>
    %sub3A_106 = arith.constant 1.000000e+00 : f32
    %sub3A_107 = vector.broadcast %sub3A_106 : f32 to vector<128x1xf32>
    %sub3A_108 = arith.subf %exp3A_105, %sub3A_107 : vector<128x1xf32>
    %select_n3A_109 = arith.select %gt3A_104, %add3A_101, %sub3A_108 : vector<128x1xi1>, vector<128x1xf32>
    %max3A_110 = arith.maximumf %select_n3A, %select_n3A_109 : vector<128x1xf32>
    %sub3A_111 = arith.subf %select_n3A, %max3A_110 : vector<128x1xf32>
    %exp3A_112 = math.exp %sub3A_111 : vector<128x1xf32>
    %sub3A_113 = arith.subf %select_n3A_109, %max3A_110 : vector<128x1xf32>
    %exp3A_114 = math.exp %sub3A_113 : vector<128x1xf32>
    %add3A_115 = arith.addf %exp3A_112, %exp3A_114 : vector<128x1xf32>
    %div3A_116 = arith.constant 1.000000e+00 : f32
    %div3A_117 = vector.broadcast %div3A_116 : f32 to vector<128x1xf32>
    %div3A_118 = arith.divf %div3A_117, %add3A_115 : vector<128x1xf32>
    %mul3A_119 = arith.mulf %exp3A_112, %div3A_118 : vector<128x1xf32>
    %mul3A_120 = vector.broadcast %mul3A_119 : vector<128x1xf32> to vector<128x128xf32>
    %mul3A_121 = arith.mulf %add3A_17, %mul3A_120 : vector<128x128xf32>
    %mul3A_122 = arith.mulf %exp3A_114, %div3A_118 : vector<128x1xf32>
    %mul3A_123 = vector.broadcast %mul3A_122 : vector<128x1xf32> to vector<128x128xf32>
    %mul3A_124 = arith.mulf %add3A_36, %mul3A_123 : vector<128x128xf32>
    %add3A_125 = arith.addf %mul3A_121, %mul3A_124 : vector<128x128xf32>
    %get3A_126 = arith.constant 0 : index
    %get3A_127 = arith.constant 0 : index
    %get3A_128 = vector.load %arg16[%get3A_126, %get3A_127] : memref<128x16xf32, #tpu.memory_space<vmem>>, vector<128x16xf32>
    %dot_general3A_129 = arith.constant dense<0.000000e+00> : vector<128x16xf32>
    %dot_general3A_130 = tpu.matmul %add3A_125, %get3A_128, %dot_general3A_129 {dimension_numbers = #tpu.dot_dimension_numbers<[1], [0], [0], [1], [0, 0, 1, 1], [], []>, transpose_lhs_hint = false} : vector<128x128xf32>, vector<128x16xf32>, vector<128x16xf32> -> vector<128x16xf32>
    %get3A_131 = arith.constant 0 : index
    %get3A_132 = arith.constant 0 : index
    %get3A_133 = vector.load %arg17[%get3A_131, %get3A_132] : memref<1x16xf32, #tpu.memory_space<vmem>>, vector<1x16xf32>
    %add3A_134 = vector.broadcast %get3A_133 : vector<1x16xf32> to vector<128x16xf32>
    %add3A_135 = arith.addf %dot_general3A_130, %add3A_134 : vector<128x16xf32>
    %swap3A = arith.constant 0 : index
    %swap3A_136 = arith.constant 0 : index
    %swap3A_137 = vector.load %arg18[%swap3A, %swap3A_136] : memref<128x16xf32, #tpu.memory_space<vmem>>, vector<128x16xf32>
    tpu.vector_store %arg18[%swap3A, %swap3A_136], %add3A_135 {strides = array<i32>} : memref<128x16xf32, #tpu.memory_space<vmem>>, vector<128x16xf32>,
    return
  }
  func.func @transform_0(%arg0: i32) -> (i32, i32) {
    %c0_i32 = arith.constant 0 : i32
    %c0_i32_0 = arith.constant 0 : i32
    return %arg0, %c0_i32 : i32, i32
  }
  func.func @transform_1(%arg0: i32) -> (i32, i32) {
    %c0_i32 = arith.constant 0 : i32
    %c0_i32_0 = arith.constant 0 : i32
    return %arg0, %c0_i32 : i32, i32
  }
  func.func @transform_2(%arg0: i32) -> (i32, i32, i32) {
    %c0_i32 = arith.constant 0 : i32
    %c0_i32_0 = arith.constant 0 : i32
    %c0_i32_1 = arith.constant 0 : i32
    return %arg0, %c0_i32, %c0_i32_0 : i32, i32, i32
  }
  func.func @transform_3(%arg0: i32) -> (i32, i32) {
    %c0_i32 = arith.constant 0 : i32
    %c0_i32_0 = arith.constant 0 : i32
    %c0_i32_1 = arith.constant 0 : i32
    return %c0_i32, %c0_i32_0 : i32, i32
  }
  func.func @transform_4(%arg0: i32) -> (i32, i32) {
    %c0_i32 = arith.constant 0 : i32
    %c0_i32_0 = arith.constant 0 : i32
    %c0_i32_1 = arith.constant 0 : i32
    return %c0_i32, %c0_i32_0 : i32, i32
  }
  func.func @transform_5(%arg0: i32) -> (i32, i32) {
    %c0_i32 = arith.constant 0 : i32
    %c0_i32_0 = arith.constant 0 : i32
    %c0_i32_1 = arith.constant 0 : i32
    return %c0_i32, %c0_i32_0 : i32, i32
  }
  func.func @transform_6(%arg0: i32) -> (i32, i32) {
    %c0_i32 = arith.constant 0 : i32
    %c0_i32_0 = arith.constant 0 : i32
    %c0_i32_1 = arith.constant 0 : i32
    return %c0_i32, %c0_i32_0 : i32, i32
  }
  func.func @transform_7(%arg0: i32) -> (i32, i32) {
    %c0_i32 = arith.constant 0 : i32
    %c0_i32_0 = arith.constant 0 : i32
    %c0_i32_1 = arith.constant 0 : i32
    return %c0_i32, %c0_i32_0 : i32, i32
  }
  func.func @transform_8(%arg0: i32) -> (i32, i32) {
    %c0_i32 = arith.constant 0 : i32
    %c0_i32_0 = arith.constant 0 : i32
    %c0_i32_1 = arith.constant 0 : i32
    return %c0_i32, %c0_i32_0 : i32, i32
  }
  func.func @transform_9(%arg0: i32) -> (i32, i32) {
    %c0_i32 = arith.constant 0 : i32
    %c0_i32_0 = arith.constant 0 : i32
    %c0_i32_1 = arith.constant 0 : i32
    return %c0_i32, %c0_i32_0 : i32, i32
  }
  func.func @transform_10(%arg0: i32) -> (i32, i32) {
    %c0_i32 = arith.constant 0 : i32
    %c0_i32_0 = arith.constant 0 : i32
    %c0_i32_1 = arith.constant 0 : i32
    return %c0_i32, %c0_i32_0 : i32, i32
  }
  func.func @transform_11(%arg0: i32) -> (i32, i32) {
    %c0_i32 = arith.constant 0 : i32
    %c0_i32_0 = arith.constant 0 : i32
    %c0_i32_1 = arith.constant 0 : i32
    return %c0_i32, %c0_i32_0 : i32, i32
  }
  func.func @transform_12(%arg0: i32) -> (i32, i32) {
    %c0_i32 = arith.constant 0 : i32
    %c0_i32_0 = arith.constant 0 : i32
    %c0_i32_1 = arith.constant 0 : i32
    return %c0_i32, %c0_i32_0 : i32, i32
  }
  func.func @transform_13(%arg0: i32) -> (i32, i32) {
    %c0_i32 = arith.constant 0 : i32
    %c0_i32_0 = arith.constant 0 : i32
    %c0_i32_1 = arith.constant 0 : i32
    return %c0_i32, %c0_i32_0 : i32, i32
  }
  func.func @transform_14(%arg0: i32) -> (i32, i32) {
    %c0_i32 = arith.constant 0 : i32
    %c0_i32_0 = arith.constant 0 : i32
    %c0_i32_1 = arith.constant 0 : i32
    return %c0_i32, %c0_i32_0 : i32, i32
  }
  func.func @transform_15(%arg0: i32) -> (i32, i32) {
    %c0_i32 = arith.constant 0 : i32
    %c0_i32_0 = arith.constant 0 : i32
    %c0_i32_1 = arith.constant 0 : i32
    return %c0_i32, %c0_i32_0 : i32, i32
  }
  func.func @transform_16(%arg0: i32) -> (i32, i32) {
    %c0_i32 = arith.constant 0 : i32
    %c0_i32_0 = arith.constant 0 : i32
    %c0_i32_1 = arith.constant 0 : i32
    return %c0_i32, %c0_i32_0 : i32, i32
  }
  func.func @transform_17(%arg0: i32) -> (i32, i32) {
    %c0_i32 = arith.constant 0 : i32
    %c0_i32_0 = arith.constant 0 : i32
    return %arg0, %c0_i32 : i32, i32
  }
}

</mosaic_0001>

<sc_bundles>
// kernel: kernel.4.cloned.1.call-start
scs
__scs_entry_jumppad:
0x0: {  	(pc) =	sbr.rel $0x88, $3  }
0x1: {  	(tag) =	ssettag $0x0;
	lr =	simm.s32 $0x1  }
0x2: {  	[smem:$0x3F90] =	sst lr;
	_ =	strace $0xD0000000  }
0x3: {  	_ = 	snop  }
0x4: {  	_ = 	snop  }
0x5: {  	_ = 	snop  }
0x6: {  	_ = 	snop  }
0x7: {  	_ = 	snop  }
__scs_overlays_trampoline_lowered:
0x8: {  	[smem:$0x3F9F] =	sst s0  }
0x9: {  	[smem:$0x3FA0] =	sst s1  }
0xa: {  	[smem:$0x3FA1] =	sst s2  }
0xb: {  	[smem:$0x3FA2] =	sst s3  }
0xc: {  	[smem:$0x3FA3] =	sst s4  }
0xd: {  	[smem:$0x3FA4] =	sst s5  }
0xe: {  	[smem:$0x3FA5] =	sst s6  }
0xf: {  	[smem:$0x3FA6] =	sst s7  }
0x10: {  	[smem:$0x3FA7] =	sst s8  }
0x11: {  	[smem:$0x3FA8] =	sst s9;
	s0 =	simm.s32 @!p0 $0x0  }
0x12: {  	s1 =	sld [smem:$0x3F8E];
	s0 =	simm.s32 @p0 $0x1  }
0x13: {  	[smem:$0x3FA9] =	sst s0;
	s0 =	simm.s32 @!p1 $0x0  }
0x14: {  	s2 =	sld [smem:$0x3F8D];
	s0 =	simm.s32 @p1 $0x1  }
0x15: {  	[smem:$0x3FAA] =	sst s0;
	s0 =	simm.s32 @!p2 $0x0  }
0x16: {  	s3 =	sld [smem:$0x3FDB];
	s0 =	simm.s32 @p2 $0x1  }
0x17: {  	s4 =	simm.s32 $0x1BF5;
	[smem:$0x3FAC] =	sst s0  }
0x18: {  	s0 =	sld [smem:$0x3F8F];
	_ =	swait.ge [sflag:s4], $0x0  }
0x19: {  	s7 =	sld [smem:$0x3F90]  }
0x1a: {  	s8 =	sadd.s32 $0xFFFFE003, lr  }
0x1b: {  	s9 =	sadd.s32 $0xFFFFFEF7, lr;
	s5 =	simm.s32 $0xFFFFFFFF;
	p2 =	slt.u32 s8, $0xFFFFF086  }
0x1c: {  	p1 =	slt.u32 s9, $0xF7A;
	s5 =	simm.s32 @!p2 $0x0  }
0x1d: {  	s5 =	simm.s32 @p1 $0x1;
	p0 =	seq.s32 s7, s2  }
0x1e: {  	s7 =	smul.u32 @!p0 $0xF7A, s2;
	p2 =	seq.s32 @!p0 s5, $0x0  }
0x1f: {  	s9 =	smul.u32 $0xF7A, s1;
	s8 =	simm.s32 @!p0 $0x1BF5;
	p2 =	por !p2, p0  }
0x20: {  	[sflag:s8] =	ssyncset.s32 @!p0 $0xFFFFF086;
	s6 =	sadd.s32 @!p0 s3, s7;
	s7 =	simm.s32 @!p0 $0x108  }
0x21: {  	s3 =	sadd.s32 s3, s9;
	s6 =	sadd.s32 @!p0 $0x88, s6;
	s7 =	simm.s32 @p2 $0x1082  }
0x22: {  	[simem:s7], [sflag:s8] =	dma.local @!p0 [hbm:s6], $0xF7A  }
0x23: {  	s9 =	sor.u32 $0xD0000000, s2;
	s6 =	simm.s32 $0x108;
	_ =	swait.ge @!p0 [sflag:s8], $0x0  }
0x24: {  	s3 =	sadd.s32 $0x88, s3;
	s6 =	simm.s32 @!p1 $0x1082;
	[sflag:s4] =	ssyncset.s32 $0xFFFFF086  }
0x25: {  	[simem:s6], [sflag:s4] =	dma.local [hbm:s3], $0xF7A  }
0x26: {  	[smem:$0x3F90] =	sst s1;
	(tag) =	ssettag s2;
	_ =	strace s9  }
0x27: {  	s1 =	sld [smem:$0x3FA0]  }
0x28: {  	s2 =	sld [smem:$0x3FA1]  }
0x29: {  	s4 =	sld [smem:$0x3FA3]  }
0x2a: {  	p0 =	seq.s32 s5, $0x0;
	s5 =	sld [smem:$0x3FA4]  }
0x2b: {  	s6 =	sld [smem:$0x3FA5]  }
0x2c: {  	s7 =	sld [smem:$0x3FA6]  }
0x2d: {  	s3 =	simm.s32 $0x108;
	s8 =	sld [smem:$0x3FA7]  }
0x2e: {  	s3 =	simm.s32 @!p0 $0x1082;
	s9 =	sld [smem:$0x3FA8]  }
0x2f: {  	lr =	sadd.s32 s0, s3;
	s0 =	sld [smem:$0x3F9F]  }
0x30: {  	s3 =	sld [smem:$0x3FA2]  }
0x31: {  	[smem:$0x3FAB] =	sst s10  }
0x32: {  	s10 =	sld [smem:$0x3FA9];
	_ =	sdelay $0x3  }
0x33: {  	p0 =	seq.s32 s10, $0x1;
	s10 =	sld [smem:$0x3FAB];
	_ =	sdelay $0x3  }
0x34: {  	[smem:$0x3FAB] =	sst s10  }
0x35: {  	s10 =	sld [smem:$0x3FAA];
	_ =	sdelay $0x3  }
0x36: {  	p1 =	seq.s32 s10, $0x1;
	s10 =	sld [smem:$0x3FAB];
	_ =	sdelay $0x3  }
0x37: {  	[smem:$0x3FAB] =	sst s10  }
0x38: {  	s10 =	sld [smem:$0x3FAC]  }
0x39: {  	_ = 	snop;
	(pc) =	sbr.ind lr, $3  }
0x3a: {  	_ = 	snop  }
0x3b: {  	_ = 	snop  }
0x3c: {  	p2 =	seq.s32 s10, $0x1;
	s10 =	sld [smem:$0x3FAB]  }
0x3d: {  	_ =	shalt  }
0x3e: {  	_ =	shalt  }
0x3f: {  	_ =	shalt  }
0x40: {  	_ =	shalt  }
0x41: {  	_ =	shalt  }
0x42: {  	_ =	shalt  }
0x43: {  	_ =	shalt  }
0x44: {  	_ =	shalt  }
0x45: {  	_ =	shalt  }
0x46: {  	_ =	shalt  }
0x47: {  	_ =	shalt  }
0x48: {  	_ =	shalt  }
0x49: {  	_ =	shalt  }
0x4a: {  	_ =	shalt  }
0x4b: {  	_ =	shalt  }
0x4c: {  	_ =	shalt  }
0x4d: {  	_ =	shalt  }
0x4e: {  	_ =	shalt  }
0x4f: {  	_ =	shalt  }
0x50: {  	_ =	shalt  }
0x51: {  	_ =	shalt  }
0x52: {  	_ =	shalt  }
0x53: {  	_ =	shalt  }
0x54: {  	_ =	shalt  }
0x55: {  	_ =	shalt  }
0x56: {  	_ =	shalt  }
0x57: {  	_ =	shalt  }
0x58: {  	_ =	shalt  }
0x59: {  	_ =	shalt  }
0x5a: {  	_ =	shalt  }
0x5b: {  	_ =	shalt  }
0x5c: {  	_ =	shalt  }
0x5d: {  	_ =	shalt  }
0x5e: {  	_ =	shalt  }
0x5f: {  	_ =	shalt  }
0x60: {  	_ =	shalt  }
0x61: {  	_ =	shalt  }
0x62: {  	_ =	shalt  }
0x63: {  	_ =	shalt  }
0x64: {  	_ =	shalt  }
0x65: {  	_ =	shalt  }
0x66: {  	_ =	shalt  }
0x67: {  	_ =	shalt  }
0x68: {  	_ =	shalt  }
0x69: {  	_ =	shalt  }
0x6a: {  	_ =	shalt  }
0x6b: {  	_ =	shalt  }
0x6c: {  	_ =	shalt  }
0x6d: {  	_ =	shalt  }
0x6e: {  	_ =	shalt  }
0x6f: {  	_ =	shalt  }
0x70: {  	_ =	shalt  }
0x71: {  	_ =	shalt  }
0x72: {  	_ =	shalt  }
0x73: {  	_ =	shalt  }
0x74: {  	_ =	shalt  }
0x75: {  	_ =	shalt  }
0x76: {  	_ =	shalt  }
0x77: {  	_ =	shalt  }
0x78: {  	_ =	shalt  }
0x79: {  	_ =	shalt  }
0x7a: {  	_ =	shalt  }
0x7b: {  	_ =	shalt  }
0x7c: {  	_ =	shalt  }
0x7d: {  	_ =	shalt  }
0x7e: {  	_ =	shalt  }
0x7f: {  	_ =	shalt  }
0x80: {  	_ =	shalt  }
0x81: {  	_ =	shalt  }
0x82: {  	_ =	shalt  }
0x83: {  	_ =	shalt  }
0x84: {  	_ =	shalt  }
0x85: {  	_ =	shalt  }
0x86: {  	_ =	shalt  }
0x87: {  	_ =	shalt  }
.Lfunc_end0:
.L_simem_size_0:
called_computation_lowered:
.L_overlay_start_0:
0x88: {  	s2 =	sld [smem:$0x3FD9]  }
0x89: {  	s3 =	sld [smem:$0x3FFE];
	_ =	sdelay $0x1  }
0x8a: {  	s1 =	srdreg.scid  }
0x8b: {  	s0 =	sand.u32 $0x1, s1  }
0x8c: {  	s17 =	sshll.u32 s0, $0xA;
	s2 =	sadd.s32 s3, s2  }
0x8d: {  	s2 =	sadd.s32 s2, s17  }
0x8e: {  	[smem:$0x3FB7] =	sst s2  }
0x8f: {  	_ = 	snop  }
0x90: {  	s2 =	sld [smem:$0x3FC8]  }
0x91: {  	s18 =	sld [smem:$0x3FD0];
	(tm) =	ssettm $0x1  }
0x92: {  	s4 =	sld [smem:$0x3FFB];
	_ =	sdelay $0x3  }
0x93: {  	_ =	strace s4  }
0x94: {  	s4 =	sld [smem:$0x3FFC];
	_ =	sdelay $0x3  }
0x95: {  	_ =	strace s4  }
0x96: {  	s4 =	sld [smem:$0x3FFD];
	_ =	sdelay $0x3  }
0x97: {  	_ =	strace s4  }
0x98: {  	_ =	strace $0x8FFFFFFF  }
0x99: {  	s19 =	sld [smem:$0x3FDB];
	_ =	sdelay $0x1  }
0x9a: {  	s5 =	simm.s32 $_scs_section_size  }
0x9b: {  	s6 =	simm.s32 $_size__tile_overlayer_lowered;
	s7 =	simm.s32 $_tile_overlayer_lowered  }
0x9c: {  	s22 =	simm.s32 $0x1BFF;
	s21 =	sshll.u32 s7, $0x1;
	s4 =	sadd.s32 s5, s19  }
0x9d: {  	s8 =	simm.s32 $0x0;
	s20 =	sshll.u32 s6, $0x1;
	s6 =	sadd.s32 s21, s4  }
0x9e: {  	[timem:s8], [sflag:s22] =	dma.local [hbm:s6], s20  }
0x9f: {  	_ =	swait.ge [sflag:s22], s20  }
0xa0: {  	s5 =	ssub.s32 $0x0, s20;
	[sflag:s22] =	ssyncset.done $0x0  }
0xa1: {  	[sflag:s22] =	ssyncadd.s32 s5;
	_ =	sdelay $0x1  }
0xa2: {  	s23 =	simm.s32 $0x1B8B  }
0xa3: {  	_ =	swait.ge [sflag:s23], $0x1  }
0xa4: {  	[sflag:s23] =	ssyncset.done $0x0  }
0xa5: {  	s25 =	simm.s32 $0x1B8E;
	s24 =	sld [smem:$0x3FFE];
	[sflag:s23] =	ssyncadd.s32 $0xFFFFFFFF  }
0xa6: {  	s26 =	simm.s32 $execute0_lowered;
	[smem:$0x3FD2] =	sst s25  }
0xa7: {  	s6 =	sshll.u32 s26, $0x1;
	_ =	strace $0x80000046;
	[dreg:$0x1] =	wrdreg $0xFFFFFFFF  }
0xa8: {  	s28 =	simm.s32 $_size_execute0_lowered;
	s4 =	sadd.s32 s4, s6;
	[dreg:$0x0] =	wrdreg $0x0  }
0xa9: {  	s6 =	sshll.u32 s28, $0x1;
	[dreg:$0x2] =	wrdreg s4  }
0xaa: {  	[dreg:$0x3] =	wrdreg s6  }
0xab: {  	[dreg:$0x4] =	wrdreg $0xC0  }
0xac: {  	_ =	task [dreg:s8], $0x5FFFF  }
0xad: {  	[dreg:$0x1] =	wrdreg $0xFFFFFFFF  }
0xae: {  	[dreg:$0x0] =	wrdreg $0x60  }
0xaf: {  	[dreg:$0x2] =	wrdreg s24  }
0xb0: {  	[dreg:$0x3] =	wrdreg s18  }
0xb1: {  	[dreg:$0x4] =	wrdreg s2  }
0xb2: {  	[dreg:$0x5] =	wrdreg $0x11B000  }
0xb3: {  	[dreg:$0x6] =	wrdreg $0x1E3000  }
0xb4: {  	[dreg:$0x7] =	wrdreg $0x9  }
0xb5: {  	_ =	task.clear_ibuf [dreg:s8], $0x8FFFF;
	_ =	strace $0x90000046  }
0xb6: {  	s29 =	simm.s32 $0x9;
	_ =	strace $0x80000048  }
0xb7: {  	_ =	swait.ge [sflag:s29], $0x1  }
0xb8: {  	[sflag:s29] =	ssyncadd.s32 $0xFFFFFFFF  }
0xb9: {  	_ =	strace $0x90000048  }
0xba: {  	_ =	sfence  }
0xbb: {  	s30 =	sld [smem:$0x0];
	_ =	sdelay $0x2  }
0xbc: {  	s31 =	sshll.u32 s1, $0xD;
	s1 =	sshrl.u32 s1, $0x2  }
0xbd: {  	s3 =	sand.u32 $0x4000, s31;
	s1 =	sadd.s32 s1, s30  }
0xbe: {  	s0 =	sor.u32 s3, s0;
	s1 =	sshll.u32 s1, $0x11  }
0xbf: {  	s0 =	sor.u32 s1, s0  }
0xc0: {  	s0 =	sadd.s32 $0x8F2B, s0  }
0xc1: {  	[sflag:s0] =	ssyncadd.remote.s32 $0x1  }
0xc2: {  	_ =	sfence.sel $0xFFFF  }
0xc3: {  	[dreg:$0x0] =	wrdreg $0xFFFFFFFF;
	(pc) =	sbr.abs _section_cstart, $3  }
0xc4: {  	[dreg:$0x1] =	wrdreg $0xFFFFFFFF  }
0xc5: {  	_ =	task.clear_ibuf [dreg:s8], $0x2FFFF;
	_ =	strace $0x9FFFFFFF  }
0xc6: {  	(tm) =	ssettm $0x7FFFFFFF  }
0xc7: {  	_ =	shalt  }
tec
execute0_lowered:
.L_overlay_start_1:
0x0: {  	(tag) =	ssettag $0x1  }
0x1: {  	s0 =	rddreg [dreg:$0x0]  }
0x2: {  	s4 =	rddreg [dreg:$0x1]  }
0x3: {  	s1 =	rddreg [dreg:$0x2]  }
0x4: {  	s2 =	rddreg [dreg:$0x3]  }
0x5: {  	s3 =	rddreg [dreg:$0x4];
	s26 =	stileid.u32;
	s5 =	simm.s32 $0x0  }
0x6: {  	s6 =	srdreg.scid;
	s28 =	simm.s32 $0x80;
	s11 =	smul.u32 $0x980, s26  }
0x7: {  	s29 =	simm.s32 $0x9800;
	s30 =	simm.s32 $0x1;
	s7 =	smul.u32 $0x32000, s26  }
0x8: {  	s31 =	simm.s32 $0x11A00;
	[smem:$0x7FF] =	sst s5;
	s9 =	smul.u32 $0x700, s26  }
0x9: {  	s12 =	sadd.s32 $0xF800, s0;
	s6 =	sand.u32 $0x1, s6;
	s15 =	smul.u32 $0x188, s26  }
0xa: {  	s16 =	smul.u32 $0x31000, s26;
	p0 =	sne.s32 s26, $0x0;
	s26 =	simm.s32 $0x4C00  }
0xb: {  	_ =	strace $0x80000047;
	s8 =	ssub.s32 $0x2, s6;
	s13 =	smul.u32 $0x6200, s6  }
0xc: {  	s10 =	sadd.s32 s11, s0;
	s0 =	sadd.s32 $0xDE00, s0;
	s23 =	sshrl.u32 s8, $0x1  }
0xd: {  	s7 =	sshrl.u32 s7, $0x2;
	s9 =	sshrl.u32 s9, $0x2;
	s11 =	sadd.s32 s4, s11  }
0xe: {  	s24 =	sshrl.u32 s16, $0x2;
	s14 =	ssub.s32 s8, s23;
	s6 =	sadd.s32 s7, s2  }
0xf: {  	s9 =	sadd.s32 s9, s3;
	s10 =	sadd.s32 $0x4600, s10;
	s25 =	sadd.s32 s15, s13  }
0x10: {  	s19 =	sadd.s32 $0x1880, s13;
	s4 =	sadd.s32 s24, s2;
	s18 =	sshrl.u32 s13, $0x3  }
0x11: {  	s21 =	sadd.s32 $0x3100, s13;
	s23 =	sadd.s32 $0x4980, s13;
	v1 =	vmov s13;
	s13 =	sadd.s32 $0x6200, s13  }
0x12: {  	s7 =	sadd.s32 $0x4000, s6;
	s8 =	sadd.s32 $0x8000, s6;
	[dreg:$0x6] =	wrdreg s4  }
0x13: {  	s17 =	sshll.u32 s25, $0x4;
	s20 =	sadd.s32 s15, s19;
	s22 =	sshrl.u32 s19, $0x3  }
0x14: {  	s24 =	sshrl.u32 s21, $0x3;
	s25 =	sshrl.u32 s23, $0x3;
	s4 =	sadd.s32 s12, s17  }
0x15: {  	s16 =	sshll.u32 s20, $0x4;
	s17 =	sadd.s32 s15, s21;
	s15 =	sadd.s32 s15, s23  }
0x16: {  	v0 =	vmov s19;
	v2 =	vmov s21;
	v3 =	vmov s23;
	s19 =	sadd.s32 s0, s24;
	s21 =	sadd.s32 s0, s25;
	s23 =	simm.s32 $0xD800  }
0x17: {  	s24 =	simm.s32 $0x2;
	s25 =	simm.s32 $0x11800;
	[dreg:$0x7] =	wrdreg s4  }
.Ltmp0:
0x18: {  	v5 =	vimm.f32 $1.000000000e+00;
	s4 =	sadd.s32 s0, s18;
	s16 =	sadd.s32 s12, s16;
	(pc) =	sbr.rel .LBB2_1-.Ltmp0, $4  }
0x19: {  	v6 =	vimm.f32 $0.0e+00;
	v7 =	vlaneseq.u32;
	v8 =	vimm.s32 $0x0;
	s17 =	sshll.u32 s17, $0x4;
	s18 =	sadd.s32 $0xC000, s6;
	[dreg:$0x8] =	wrdreg s4  }
0x1a: {  	v9 =	vimm.s32 $0x1880;
	v10 =	vor.u32 $0x10, v7;
	v11 =	vor.u32 $0x20, v7;
	s15 =	sshll.u32 s15, $0x4;
	[dreg:$0x9] =	wrdreg s16;
	s16 =	sadd.s32 s0, s22  }
0x1b: {  	v12 =	vor.u32 $0x30, v7;
	v13 =	vor.u32 $0x40, v7;
	v14 =	vor.u32 $0x50, v7;
	s17 =	sadd.s32 s12, s17;
	s20 =	sadd.s32 s12, s15;
	[dreg:$0xa] =	wrdreg s16  }
0x1c: {  	v15 =	vor.u32 $0x60, v7;
	v16 =	vor.u32 $0x70, v7;
	v4 =	vmov s13;
	s22 =	smax.u32 s14, $0x1;
	s0 =	simm.s32 $0x0;
	[dreg:$0xb] =	wrdreg s17  }
.LBB2_23:
0x1d: {  	[bflag:$0x0] =	sbarrier.arrive $0xFFFF  }
0x1e: {  	[hbm:s20], [sflag:s4] =	dma.local [spmem:s12], $0x1880  }
0x1f: {  	_ =	swait.ge [sflag:s24], $0x1880  }
0x20: {  	[sflag:s24] =	ssyncset.done $0x0  }
0x21: {  	s0 =	sadd.s32 $0x1, s0;
	[sflag:s24] =	ssyncadd.s32 $0xFFFFE780  }
0x22: {  	[hbm:s21], [sflag:s4] =	dma.local @!p0 [spmem:s13], $0x310  }
0x23: {  	p1 =	sne.s32 s0, s22;
	s4 =	simm.s32 @!p0 $0x2  }
.Ltmp1:
0x24: {  	_ =	swait.ge @!p0 [sflag:s4], $0x310;
	(pc) =	sbr.rel @!p1 .LBB2_24-.Ltmp1, $3  }
0x25: {  	[sflag:s4] =	ssyncset.done @!p0 $0x0  }
0x26: {  	[sflag:s4] =	ssyncadd.s32 @!p0 $0xFFFFFCF0  }
0x27: {  	[bflag:$0x0] =	sbarrier.arrive $0xFFFF;
	_ =	sdelay $0x1  }
.LBB2_1:
0x28: {  	[tilespmem:$0x11A00] =	vst v5  }
0x29: {  	[tilespmem:$0x11A10] =	vst v5  }
0x2a: {  	[tilespmem:$0x11A20] =	vst v5  }
0x2b: {  	[tilespmem:$0x11A30] =	vst v5  }
0x2c: {  	[tilespmem:$0x11A40] =	vst v5  }
0x2d: {  	[tilespmem:$0x11A50] =	vst v5;
	s4 =	sand.u32 $0xFE00, s5  }
0x2e: {  	[tilespmem:$0x11A60] =	vst v5;
	s12 =	sand.u32 $0x70, s5;
	s13 =	sshrl.u32 s4, $0x2  }
0x2f: {  	[tilespmem:$0x11A70] =	vst v5;
	s4 =	simm.s32 $0x40;
	s13 =	sor.u32 s12, s13;
	s12 =	simm.s32 $0x0  }
.LBB2_2:
0x30: {  	p1 =	sne.s32 s4, $0xFFC0  }
0x31: {  	[tilespmem:s13+$0xD800] =	vst v6;
	s12 =	sadd.s32 $0x10, s12;
	s13 =	smov.u32 s4;
	s4 =	sadd.s32 $0x40, s4  }
.Ltmp2:
0x32: {  	(pc) =	sbr.rel @p1 .LBB2_2-.Ltmp2, $4  }
0x33: {  	_ = 	snop  }
0x34: {  	s13 =	sand.u32 $0xFE00, s13  }
0x35: {  	s14 =	sand.u32 $0x70, s12;
	s13 =	sshrl.u32 s13, $0x2  }
0x36: {  	s13 =	sor.u32 s14, s13  }
0x37: {  	[tilespmem:s13+$0xD800] =	vst v6  }
0x38: {  	[tilespmem:$0x11800] =	vst v6  }
0x39: {  	[tilespmem:$0x11810] =	vst v6  }
0x3a: {  	[tilespmem:$0x11820] =	vst v6  }
0x3b: {  	[tilespmem:$0x11830] =	vst v6  }
0x3c: {  	[tilespmem:$0x11840] =	vst v6  }
0x3d: {  	[tilespmem:$0x11850] =	vst v6  }
0x3e: {  	[tilespmem:$0x11860] =	vst v6  }
0x3f: {  	[tilespmem:$0x11870] =	vst v6  }
0x40: {  	[tilespmem:$0x11880] =	vst v6  }
0x41: {  	[tilespmem:$0x11890] =	vst v6  }
0x42: {  	[tilespmem:$0x118A0] =	vst v6  }
0x43: {  	[tilespmem:$0x118B0] =	vst v6  }
0x44: {  	[tilespmem:$0x118C0] =	vst v6  }
0x45: {  	[tilespmem:$0x118D0] =	vst v6  }
0x46: {  	[tilespmem:$0x118E0] =	vst v6  }
0x47: {  	[tilespmem:$0x118F0] =	vst v6  }
0x48: {  	[tilespmem:$0x11900] =	vst v6  }
0x49: {  	[tilespmem:$0x11910] =	vst v6  }
0x4a: {  	[tilespmem:$0x11920] =	vst v6  }
0x4b: {  	[tilespmem:$0x11930] =	vst v6  }
0x4c: {  	[tilespmem:$0x11940] =	vst v6  }
0x4d: {  	[tilespmem:$0x11950] =	vst v6  }
0x4e: {  	[tilespmem:$0x11960] =	vst v6  }
0x4f: {  	[tilespmem:$0x11970] =	vst v6  }
0x50: {  	[tilespmem:$0x11980] =	vst v6  }
0x51: {  	[tilespmem:$0x11990] =	vst v6  }
0x52: {  	[tilespmem:$0x119A0] =	vst v6  }
0x53: {  	[tilespmem:$0x119B0] =	vst v6  }
0x54: {  	[spmem:s6] =	stream.linear.scatter [tilespmem:s23], [sflag:$0x2], $0x4000, $0x38;
	[tilespmem:$0x1E4C0] =	vst v63  }
0x55: {  	_ =	swait.ge [sflag:s24], $0x4000  }
0x56: {  	[sflag:s24] =	ssyncset.done $0x0  }
0x57: {  	[sflag:s24] =	ssyncadd.s32 $0xFFFFC000  }
0x58: {  	[spmem:s7] =	stream.linear.scatter [tilespmem:s23], [sflag:$0x2], $0x4000, $0x38;
	[tilespmem:$0x1E4C0] =	vst v63  }
0x59: {  	_ =	swait.ge [sflag:s24], $0x4000  }
0x5a: {  	[sflag:s24] =	ssyncset.done $0x0  }
0x5b: {  	[sflag:s24] =	ssyncadd.s32 $0xFFFFC000  }
0x5c: {  	[spmem:s8] =	stream.linear.scatter [tilespmem:s23], [sflag:$0x2], $0x4000, $0x38;
	[tilespmem:$0x1E4C0] =	vst v63  }
0x5d: {  	_ =	swait.ge [sflag:s24], $0x4000  }
0x5e: {  	[sflag:s24] =	ssyncset.done $0x0  }
0x5f: {  	[sflag:s24] =	ssyncadd.s32 $0xFFFFC000  }
0x60: {  	[spmem:s18] =	stream.linear.scatter [tilespmem:s23], [sflag:$0x2], $0x800, $0x38;
	[tilespmem:$0x1E4C0] =	vst v63  }
0x61: {  	_ =	swait.ge [sflag:s24], $0x800  }
0x62: {  	[sflag:s24] =	ssyncset.done $0x0  }
0x63: {  	[sflag:s24] =	ssyncadd.s32 $0xFFFFF800  }
0x64: {  	[spmem:s9] =	stream.linear.scatter [tilespmem:s25], [sflag:$0x2], $0x1C0, $0x38;
	[tilespmem:$0x1E4C0] =	vst v63  }
0x65: {  	_ =	swait.ge [sflag:s24], $0x1C0  }
0x66: {  	[sflag:s24] =	ssyncset.done $0x0  }
0x67: {  	[sflag:s24] =	ssyncadd.s32 $0xFFFFFE40  }
0x68: {  	s4 =	simm.s32 $0x0;
	[bflag:$0x0] =	sbarrier.arrive $0xFFFF  }
0x69: {  	[tilespmem:s4], [sflag:$0x2] =	stream.linear.gather [hbm4b:s10+s4], $0x4C00, $0x38;
	[tilespmem:$0x1E4C0] =	vst v63  }
0x6a: {  	_ =	swait.ge [sflag:s24], $0x4C00  }
0x6b: {  	[sflag:s24] =	ssyncset.done $0x0  }
0x6c: {  	[sflag:s24] =	ssyncadd.s32 $0xFFFFB400  }
0x6d: {  	[tilespmem:s26], [sflag:$0x2] =	stream.linear.gather [hbm4b:s11+s4], $0x4C00, $0x38;
	[tilespmem:$0x1E4C0] =	vst v63  }
0x6e: {  	_ =	swait.ge [sflag:s24], $0x4C00  }
0x6f: {  	[sflag:s24] =	ssyncset.done $0x0  }
0x70: {  	v17 =	vimm.s32 $0x0;
	[sflag:s24] =	ssyncadd.s32 $0xFFFFB400  }
0x71: {  	s17 =	simm.s32 $0x0;
	[tilespmem:$0x11A80] =	vst v17  }
0x72: {  	v18 =	vld [tilespmem:s17+$0x4C00];
	_ =	sdelay $0x4  }
0x73: {  	vm0 =	vge.s32 v18, v1;
	vm1 =	vlt.s32 v18, v0  }
0x74: {  	vm0 =	vmand vm0, vm1  }
0x75: {  	v19 =	vsel vm0, $0x1, v8  }
0x76: {  	(xrf0) =	vadd.scan.msk.s32 $0xffff, v19;
	_ =	sdelay $0x5  }
0x77: {  	v19, _, _ =	vpop (xrf0)  }
0x78: {  	v19 =	vadd.s32 v19, v17  }
0x79: {  	v20 =	vld [tilespmem:s17+$0x0];
	v19 =	vadd.s32 $0xFFFFFFFF, v19;
	_ =	sdelay $0x3  }
0x7a: {  	v21 =	vmpcnt.ones.xlane vm0  }
0x7b: {  	v18 =	vsub.s32 v18, v1;
	[tilespmem:v19+s5+$0x0] =	vst.idx.msk vm0, v20  }
0x7c: {  	s12 =	simm.s32 $0x80;
	s4 =	simm.s32 $0x40;
	v17 =	vadd.s32 v17, v21;
	[tilespmem:v19+s26+$0x0] =	vst.idx.msk vm0, v18  }
.LBB2_4:
0x7d: {  	p1 =	sne.s32 s12, $0x12FC0  }
0x7e: {  	s13 =	sshra.s32 s4, $0x2;
	[tilespmem:$0x11A80] =	vst v17;
	s4 =	smov.u32 s12;
	s12 =	sadd.s32 $0x40, s12  }
0x7f: {  	v18 =	vld [tilespmem:s13+$0x4C00];
	_ =	sdelay $0x4  }
0x80: {  	vm0 =	vge.s32 v18, v1;
	vm1 =	vlt.s32 v18, v0  }
0x81: {  	vm0 =	vmand vm0, vm1  }
0x82: {  	v19 =	vsel vm0, $0x1, v8;
	v20 =	vmpcnt.ones.xlane vm0  }
0x83: {  	(xrf0) =	vadd.scan.msk.s32 $0xffff, v19;
	_ =	sdelay $0x5  }
0x84: {  	v19, _, _ =	vpop (xrf0)  }
0x85: {  	v19 =	vadd.s32 v19, v17  }
0x86: {  	v21 =	vld [tilespmem:s13+$0x0];
	v19 =	vadd.s32 $0xFFFFFFFF, v19;
	_ =	sdelay $0x1  }
.Ltmp3:
0x87: {  	(pc) =	sbr.rel @p1 .LBB2_4-.Ltmp3, $3  }
0x88: {  	_ =	sdelay $0x1  }
0x89: {  	v18 =	vsub.s32 v18, v1;
	[tilespmem:v19+s5+$0x0] =	vst.idx.msk vm0, v21  }
0x8a: {  	v17 =	vadd.s32 v17, v20;
	[tilespmem:v19+s26+$0x0] =	vst.idx.msk vm0, v18  }
0x8b: {  	s4 =	sshra.s32 s4, $0x2;
	[tilespmem:$0x11A80] =	vst v17  }
0x8c: {  	v18 =	vld [tilespmem:s4+$0x4C00];
	_ =	sdelay $0x4  }
0x8d: {  	vm0 =	vge.s32 v18, v1;
	vm1 =	vlt.s32 v18, v0  }
0x8e: {  	vm0 =	vmand vm0, vm1  }
0x8f: {  	v19 =	vsel vm0, $0x1, v8  }
0x90: {  	(xrf0) =	vadd.scan.msk.s32 $0xffff, v19;
	_ =	sdelay $0x4  }
0x91: {  	v19 =	vmpcnt.ones.xlane vm0  }
0x92: {  	v20, _, _ =	vpop (xrf0)  }
0x93: {  	v20 =	vadd.s32 v20, v17;
	v17 =	vadd.s32 v17, v19  }
0x94: {  	v19 =	vld [tilespmem:s4+$0x0];
	v20 =	vadd.s32 $0xFFFFFFFF, v20;
	v21 =	vadd.s32 $0x7F, v17  }
0x95: {  	v22 =	vadd.s32 v7, v17;
	v21 =	vand.u32 $0xFFFFFF80, v21  }
0x96: {  	vm10 =	vlt.s32 v22, v21  }
0x97: {  	v23 =	vadd.s32 v10, v17  }
0x98: {  	vm2 =	vlt.s32 v23, v21  }
0x99: {  	v18 =	vsub.s32 v18, v1;
	[tilespmem:v20+s5+$0x0] =	vst.idx.msk vm0, v19;
	v19 =	vadd.s32 v11, v17  }
0x9a: {  	[tilespmem:v20+s26+$0x0] =	vst.idx.msk vm0, v18;
	vm11 =	vlt.s32 v19, v21  }
0x9b: {  	s4 =	simm.s32 $0x0;
	v18 =	vadd.s32 v12, v17;
	[tilespmem:$0x11A80] =	vst v17  }
0x9c: {  	s12 =	simm.s32 $0x4C00;
	vm3 =	vlt.s32 v18, v21;
	[tilespmem:v22+s4+$0x0] =	vst.idx.msk vm10, v8  }
0x9d: {  	v62 =	vadd.s32 v13, v17;
	[tilespmem:v22+s12+$0x0] =	vst.idx.msk vm10, v9  }
0x9e: {  	vm12 =	vlt.s32 v62, v21;
	[tilespmem:v23+s4+$0x0] =	vst.idx.msk vm2, v8  }
0x9f: {  	v63 =	vadd.s32 v14, v17;
	[tilespmem:v23+s12+$0x0] =	vst.idx.msk vm2, v9  }
0xa0: {  	vm13 =	vlt.s32 v63, v21;
	[tilespmem:v19+s4+$0x0] =	vst.idx.msk vm11, v8  }
0xa1: {  	[tilespmem:v19+s12+$0x0] =	vst.idx.msk vm11, v9;
	v19 =	vadd.s32 v15, v17  }
0xa2: {  	[tilespmem:v18+s4+$0x0] =	vst.idx.msk vm3, v8;
	vm14 =	vlt.s32 v19, v21  }
0xa3: {  	v17 =	vadd.s32 v16, v17;
	[tilespmem:v18+s12+$0x0] =	vst.idx.msk vm3, v9  }
0xa4: {  	vm15 =	vlt.s32 v17, v21;
	[tilespmem:v62+s4+$0x0] =	vst.idx.msk vm12, v8  }
0xa5: {  	[tilespmem:v62+s12+$0x0] =	vst.idx.msk vm12, v9  }
0xa6: {  	[tilespmem:v63+s4+$0x0] =	vst.idx.msk vm13, v8  }
0xa7: {  	[tilespmem:v63+s12+$0x0] =	vst.idx.msk vm13, v9  }
0xa8: {  	[tilespmem:v19+s4+$0x0] =	vst.idx.msk vm14, v8  }
0xa9: {  	[tilespmem:v19+s12+$0x0] =	vst.idx.msk vm14, v9  }
0xaa: {  	[tilespmem:v17+s4+$0x0] =	vst.idx.msk vm15, v8  }
0xab: {  	s13 =	simm.s32 $0x0;
	[tilespmem:v17+s12+$0x0] =	vst.idx.msk vm15, v9  }
.LBB2_6:
0xac: {  	v17 =	vld [tilespmem:$0x11A80];
	_ =	sdelay $0x4  }
0xad: {  	v17 =	vadd.s32 $0x7F, v17  }
0xae: {  	v18 =	vmov s13;
	v17 =	vshra.s32 v17, $0x7  }
0xaf: {  	vm0 =	vlt.s32 v18, v17  }
0xb0: {  	v17 =	vsel vm0, $0x3F800000, v6  }
0xb1: {  	(xrf0) =	vmax.scan.msk.f32 $0xffff, v17;
	_ =	sdelay $0x5  }
0xb2: {  	v17, _, _ =	vpop (xrf0)  }
0xb3: {  	(v2sf) =	vpush v17, $0xF;
	_ =	sdelay $0xe  }
0xb4: {  	s14 =	spop (v2sf)  }
0xb5: {  	p1 =	sgt.f32 s14, $0.0e+00  }
.Ltmp4:
0xb6: {  	_ = 	snop;
	(pc) =	sbr.rel @!p1 .LBB2_8-.Ltmp4, $1  }
0xb7: {  	_ =	sdelay $0x3  }
0xb8: {  	[tilespmem:s29], [sflag:$0x1] =	stream.indirect.gather [hbm4b:s1+s28], $0x80, s4, s28, $0xb8;
	[tilespmem:$0x1E4C0] =	vst v63  }
0xb9: {  	_ =	swait.ge [sflag:s30], $0x4000  }
0xba: {  	[sflag:s30] =	ssyncset.done $0x0  }
0xbb: {  	[sflag:s30] =	ssyncadd.s32 $0xFFFFC000  }
0xbc: {  	[spmem:s2] =	stream.indirect.scatter.add.f32 [tilespmem:s29], [sflag:$0x2], $0x80, s12, s28, $0xb8;
	[tilespmem:$0x1E4C0] =	vst v63  }
0xbd: {  	_ =	swait.ge [sflag:s24], $0x4000  }
0xbe: {  	[sflag:s24] =	ssyncset.done $0x0  }
.Ltmp5:
0xbf: {  	[sflag:s24] =	ssyncadd.s32 $0xFFFFC000;
	(pc) =	sbr.rel .LBB2_6-.Ltmp5, $4  }
0xc0: {  	[spmem:s3] =	stream.indirect.scatter.add.f32 [tilespmem:s31], [sflag:$0x2], $0x1, s12, s28, $0xb8;
	[tilespmem:$0x1E4C0] =	vst v63  }
0xc1: {  	_ =	swait.ge [sflag:s24], $0x80  }
0xc2: {  	s13 =	sadd.s32 $0x1, s13;
	[sflag:s24] =	ssyncset.done $0x0  }
0xc3: {  	s4 =	sadd.s32 $0x80, s4;
	s12 =	sadd.s32 $0x80, s12;
	[sflag:s24] =	ssyncadd.s32 $0xFFFFFF80  }
.LBB2_8:
0xc4: {  	s4 =	stileid.u32;
	[bflag:$0x0] =	sbarrier.arrive $0xFFFF  }
0xc5: {  	s4 =	sshll.u32 s4, $0x6;
	s12 =	rddreg [dreg:$0x6]  }
0xc6: {  	s13 =	rddreg [dreg:$0x7];
	s4 =	sor.u32 $0x1C02, s4;
	s12 =	sshrl.u32 s12, $0x3  }
0xc7: {  	[hbm:s13], [sflag:s4] =	dma.local [spmem:s12], $0x1880  }
0xc8: {  	_ =	swait.ge [sflag:s24], $0x1880  }
0xc9: {  	[sflag:s24] =	ssyncset.done $0x0  }
0xca: {  	s13 =	sshrl.u32 @!p0 s3, $0x3;
	s14 =	rddreg [dreg:$0x8];
	[sflag:s24] =	ssyncadd.s32 $0xFFFFE780  }
0xcb: {  	[hbm:s14], [sflag:s4] =	dma.local @!p0 [spmem:s13], $0x310  }
0xcc: {  	s14 =	simm.s32 @!p0 $0x2  }
0xcd: {  	_ =	swait.ge @!p0 [sflag:s14], $0x310  }
0xce: {  	[sflag:s14] =	ssyncset.done @!p0 $0x0  }
0xcf: {  	[sflag:s14] =	ssyncadd.s32 @!p0 $0xFFFFFCF0  }
0xd0: {  	[bflag:$0x0] =	sbarrier.arrive $0xFFFF  }
0xd1: {  	[spmem:s6] =	stream.linear.scatter [tilespmem:s23], [sflag:$0x2], $0x4000, $0x38;
	[tilespmem:$0x1E4C0] =	vst v63  }
0xd2: {  	_ =	swait.ge [sflag:s24], $0x4000  }
0xd3: {  	[sflag:s24] =	ssyncset.done $0x0  }
0xd4: {  	[sflag:s24] =	ssyncadd.s32 $0xFFFFC000  }
0xd5: {  	[spmem:s7] =	stream.linear.scatter [tilespmem:s23], [sflag:$0x2], $0x4000, $0x38;
	[tilespmem:$0x1E4C0] =	vst v63  }
0xd6: {  	_ =	swait.ge [sflag:s24], $0x4000  }
0xd7: {  	[sflag:s24] =	ssyncset.done $0x0  }
0xd8: {  	[sflag:s24] =	ssyncadd.s32 $0xFFFFC000  }
0xd9: {  	[spmem:s8] =	stream.linear.scatter [tilespmem:s23], [sflag:$0x2], $0x4000, $0x38;
	[tilespmem:$0x1E4C0] =	vst v63  }
0xda: {  	_ =	swait.ge [sflag:s24], $0x4000  }
0xdb: {  	[sflag:s24] =	ssyncset.done $0x0  }
0xdc: {  	[sflag:s24] =	ssyncadd.s32 $0xFFFFC000  }
0xdd: {  	[spmem:s18] =	stream.linear.scatter [tilespmem:s23], [sflag:$0x2], $0x800, $0x38;
	[tilespmem:$0x1E4C0] =	vst v63  }
0xde: {  	_ =	swait.ge [sflag:s24], $0x800  }
0xdf: {  	[sflag:s24] =	ssyncset.done $0x0  }
0xe0: {  	[sflag:s24] =	ssyncadd.s32 $0xFFFFF800  }
0xe1: {  	[spmem:s9] =	stream.linear.scatter [tilespmem:s25], [sflag:$0x2], $0x1C0, $0x38;
	[tilespmem:$0x1E4C0] =	vst v63  }
0xe2: {  	_ =	swait.ge [sflag:s24], $0x1C0  }
0xe3: {  	[sflag:s24] =	ssyncset.done $0x0  }
0xe4: {  	[sflag:s24] =	ssyncadd.s32 $0xFFFFFE40  }
0xe5: {  	s16 =	simm.s32 $0x0;
	[bflag:$0x0] =	sbarrier.arrive $0xFFFF  }
0xe6: {  	[tilespmem:s16], [sflag:$0x2] =	stream.linear.gather [hbm4b:s10+s16], $0x4C00, $0x38;
	[tilespmem:$0x1E4C0] =	vst v63  }
0xe7: {  	_ =	swait.ge [sflag:s24], $0x4C00  }
0xe8: {  	[sflag:s24] =	ssyncset.done $0x0  }
0xe9: {  	[sflag:s24] =	ssyncadd.s32 $0xFFFFB400  }
0xea: {  	[tilespmem:s26], [sflag:$0x2] =	stream.linear.gather [hbm4b:s11+s16], $0x4C00, $0x38;
	[tilespmem:$0x1E4C0] =	vst v63  }
0xeb: {  	_ =	swait.ge [sflag:s24], $0x4C00  }
0xec: {  	[sflag:s24] =	ssyncset.done $0x0  }
0xed: {  	v17 =	vimm.s32 $0x0;
	[sflag:s24] =	ssyncadd.s32 $0xFFFFB400  }
0xee: {  	s17 =	simm.s32 $0x0;
	[tilespmem:$0x11A80] =	vst v17  }
0xef: {  	v18 =	vld [tilespmem:s17+$0x4C00];
	_ =	sdelay $0x4  }
0xf0: {  	vm0 =	vge.s32 v18, v0;
	vm1 =	vlt.s32 v18, v2  }
0xf1: {  	vm0 =	vmand vm0, vm1  }
0xf2: {  	v19 =	vsel vm0, $0x1, v8  }
0xf3: {  	(xrf0) =	vadd.scan.msk.s32 $0xffff, v19;
	_ =	sdelay $0x5  }
0xf4: {  	v19, _, _ =	vpop (xrf0)  }
0xf5: {  	v19 =	vadd.s32 v19, v17  }
0xf6: {  	v20 =	vld [tilespmem:s17+$0x0];
	v19 =	vadd.s32 $0xFFFFFFFF, v19;
	_ =	sdelay $0x3  }
0xf7: {  	v21 =	vmpcnt.ones.xlane vm0  }
0xf8: {  	v18 =	vsub.s32 v18, v0;
	[tilespmem:v19+s5+$0x0] =	vst.idx.msk vm0, v20  }
0xf9: {  	s15 =	simm.s32 $0x80;
	s14 =	simm.s32 $0x40;
	v17 =	vadd.s32 v17, v21;
	[tilespmem:v19+s26+$0x0] =	vst.idx.msk vm0, v18  }
.LBB2_9:
0xfa: {  	p1 =	sne.s32 s15, $0x12FC0  }
0xfb: {  	s16 =	sshra.s32 s14, $0x2;
	[tilespmem:$0x11A80] =	vst v17;
	s14 =	smov.u32 s15;
	s15 =	sadd.s32 $0x40, s15  }
0xfc: {  	v18 =	vld [tilespmem:s16+$0x4C00];
	_ =	sdelay $0x4  }
0xfd: {  	vm0 =	vge.s32 v18, v0;
	vm1 =	vlt.s32 v18, v2  }
0xfe: {  	vm0 =	vmand vm0, vm1  }
0xff: {  	v19 =	vsel vm0, $0x1, v8;
	v20 =	vmpcnt.ones.xlane vm0  }
0x100: {  	(xrf0) =	vadd.scan.msk.s32 $0xffff, v19;
	_ =	sdelay $0x5  }
0x101: {  	v19, _, _ =	vpop (xrf0)  }
0x102: {  	v19 =	vadd.s32 v19, v17  }
0x103: {  	v21 =	vld [tilespmem:s16+$0x0];
	v19 =	vadd.s32 $0xFFFFFFFF, v19;
	_ =	sdelay $0x1  }
.Ltmp6:
0x104: {  	(pc) =	sbr.rel @p1 .LBB2_9-.Ltmp6, $3  }
0x105: {  	_ =	sdelay $0x1  }
0x106: {  	v18 =	vsub.s32 v18, v0;
	[tilespmem:v19+s5+$0x0] =	vst.idx.msk vm0, v21  }
0x107: {  	v17 =	vadd.s32 v17, v20;
	[tilespmem:v19+s26+$0x0] =	vst.idx.msk vm0, v18  }
0x108: {  	s14 =	sshra.s32 s14, $0x2;
	[tilespmem:$0x11A80] =	vst v17  }
0x109: {  	v18 =	vld [tilespmem:s14+$0x4C00];
	_ =	sdelay $0x4  }
0x10a: {  	vm0 =	vge.s32 v18, v0;
	vm1 =	vlt.s32 v18, v2  }
0x10b: {  	vm0 =	vmand vm0, vm1  }
0x10c: {  	v19 =	vsel vm0, $0x1, v8  }
0x10d: {  	(xrf0) =	vadd.scan.msk.s32 $0xffff, v19;
	_ =	sdelay $0x4  }
0x10e: {  	v19 =	vmpcnt.ones.xlane vm0  }
0x10f: {  	v20, _, _ =	vpop (xrf0)  }
0x110: {  	v20 =	vadd.s32 v20, v17;
	v17 =	vadd.s32 v17, v19  }
0x111: {  	v19 =	vld [tilespmem:s14+$0x0];
	v20 =	vadd.s32 $0xFFFFFFFF, v20;
	v21 =	vadd.s32 $0x7F, v17  }
0x112: {  	v22 =	vadd.s32 v7, v17;
	v21 =	vand.u32 $0xFFFFFF80, v21  }
0x113: {  	vm10 =	vlt.s32 v22, v21  }
0x114: {  	v23 =	vadd.s32 v10, v17  }
0x115: {  	vm2 =	vlt.s32 v23, v21  }
0x116: {  	v18 =	vsub.s32 v18, v0;
	[tilespmem:v20+s5+$0x0] =	vst.idx.msk vm0, v19;
	v19 =	vadd.s32 v11, v17  }
0x117: {  	[tilespmem:v20+s26+$0x0] =	vst.idx.msk vm0, v18;
	vm11 =	vlt.s32 v19, v21  }
0x118: {  	s14 =	simm.s32 $0x0;
	v18 =	vadd.s32 v12, v17;
	[tilespmem:$0x11A80] =	vst v17  }
0x119: {  	s15 =	simm.s32 $0x4C00;
	vm3 =	vlt.s32 v18, v21;
	[tilespmem:v22+s14+$0x0] =	vst.idx.msk vm10, v8  }
0x11a: {  	v62 =	vadd.s32 v13, v17;
	[tilespmem:v22+s15+$0x0] =	vst.idx.msk vm10, v9  }
0x11b: {  	vm12 =	vlt.s32 v62, v21;
	[tilespmem:v23+s14+$0x0] =	vst.idx.msk vm2, v8  }
0x11c: {  	v63 =	vadd.s32 v14, v17;
	[tilespmem:v23+s15+$0x0] =	vst.idx.msk vm2, v9  }
0x11d: {  	vm13 =	vlt.s32 v63, v21;
	[tilespmem:v19+s14+$0x0] =	vst.idx.msk vm11, v8  }
0x11e: {  	[tilespmem:v19+s15+$0x0] =	vst.idx.msk vm11, v9;
	v19 =	vadd.s32 v15, v17  }
0x11f: {  	[tilespmem:v18+s14+$0x0] =	vst.idx.msk vm3, v8;
	vm14 =	vlt.s32 v19, v21  }
0x120: {  	v17 =	vadd.s32 v16, v17;
	[tilespmem:v18+s15+$0x0] =	vst.idx.msk vm3, v9  }
0x121: {  	vm15 =	vlt.s32 v17, v21;
	[tilespmem:v62+s14+$0x0] =	vst.idx.msk vm12, v8  }
0x122: {  	[tilespmem:v62+s15+$0x0] =	vst.idx.msk vm12, v9  }
0x123: {  	[tilespmem:v63+s14+$0x0] =	vst.idx.msk vm13, v8  }
0x124: {  	[tilespmem:v63+s15+$0x0] =	vst.idx.msk vm13, v9  }
0x125: {  	[tilespmem:v19+s14+$0x0] =	vst.idx.msk vm14, v8  }
0x126: {  	[tilespmem:v19+s15+$0x0] =	vst.idx.msk vm14, v9  }
0x127: {  	[tilespmem:v17+s14+$0x0] =	vst.idx.msk vm15, v8  }
0x128: {  	s16 =	simm.s32 $0x0;
	[tilespmem:v17+s15+$0x0] =	vst.idx.msk vm15, v9  }
.LBB2_11:
0x129: {  	v17 =	vld [tilespmem:$0x11A80];
	_ =	sdelay $0x4  }
0x12a: {  	v17 =	vadd.s32 $0x7F, v17  }
0x12b: {  	v18 =	vmov s16;
	v17 =	vshra.s32 v17, $0x7  }
0x12c: {  	vm0 =	vlt.s32 v18, v17  }
0x12d: {  	v17 =	vsel vm0, $0x3F800000, v6  }
0x12e: {  	(xrf0) =	vmax.scan.msk.f32 $0xffff, v17;
	_ =	sdelay $0x5  }
0x12f: {  	v17, _, _ =	vpop (xrf0)  }
0x130: {  	(v2sf) =	vpush v17, $0xF;
	_ =	sdelay $0xe  }
0x131: {  	s17 =	spop (v2sf)  }
0x132: {  	p1 =	sgt.f32 s17, $0.0e+00  }
.Ltmp7:
0x133: {  	_ = 	snop;
	(pc) =	sbr.rel @!p1 .LBB2_13-.Ltmp7, $1  }
0x134: {  	_ =	sdelay $0x3  }
0x135: {  	[tilespmem:s29], [sflag:$0x1] =	stream.indirect.gather [hbm4b:s1+s28], $0x80, s14, s28, $0xb8;
	[tilespmem:$0x1E4C0] =	vst v63  }
0x136: {  	_ =	swait.ge [sflag:s30], $0x4000  }
0x137: {  	[sflag:s30] =	ssyncset.done $0x0  }
0x138: {  	[sflag:s30] =	ssyncadd.s32 $0xFFFFC000  }
0x139: {  	[spmem:s2] =	stream.indirect.scatter.add.f32 [tilespmem:s29], [sflag:$0x2], $0x80, s15, s28, $0xb8;
	[tilespmem:$0x1E4C0] =	vst v63  }
0x13a: {  	_ =	swait.ge [sflag:s24], $0x4000  }
0x13b: {  	[sflag:s24] =	ssyncset.done $0x0  }
.Ltmp8:
0x13c: {  	[sflag:s24] =	ssyncadd.s32 $0xFFFFC000;
	(pc) =	sbr.rel .LBB2_11-.Ltmp8, $4  }
0x13d: {  	[spmem:s3] =	stream.indirect.scatter.add.f32 [tilespmem:s31], [sflag:$0x2], $0x1, s15, s28, $0xb8;
	[tilespmem:$0x1E4C0] =	vst v63  }
0x13e: {  	_ =	swait.ge [sflag:s24], $0x80  }
0x13f: {  	s16 =	sadd.s32 $0x1, s16;
	[sflag:s24] =	ssyncset.done $0x0  }
0x140: {  	s14 =	sadd.s32 $0x80, s14;
	s15 =	sadd.s32 $0x80, s15;
	[sflag:s24] =	ssyncadd.s32 $0xFFFFFF80  }
.LBB2_13:
0x141: {  	[bflag:$0x0] =	sbarrier.arrive $0xFFFF  }
0x142: {  	s14 =	rddreg [dreg:$0x9]  }
0x143: {  	[hbm:s14], [sflag:s4] =	dma.local [spmem:s12], $0x1880  }
0x144: {  	_ =	swait.ge [sflag:s24], $0x1880  }
0x145: {  	[sflag:s24] =	ssyncset.done $0x0  }
0x146: {  	s14 =	rddreg [dreg:$0xa];
	[sflag:s24] =	ssyncadd.s32 $0xFFFFE780  }
0x147: {  	[hbm:s14], [sflag:s4] =	dma.local @!p0 [spmem:s13], $0x310  }
0x148: {  	s14 =	simm.s32 @!p0 $0x2  }
0x149: {  	_ =	swait.ge @!p0 [sflag:s14], $0x310  }
0x14a: {  	[sflag:s14] =	ssyncset.done @!p0 $0x0  }
0x14b: {  	[sflag:s14] =	ssyncadd.s32 @!p0 $0xFFFFFCF0  }
0x14c: {  	[bflag:$0x0] =	sbarrier.arrive $0xFFFF  }
0x14d: {  	[spmem:s6] =	stream.linear.scatter [tilespmem:s23], [sflag:$0x2], $0x4000, $0x38;
	[tilespmem:$0x1E4C0] =	vst v63  }
0x14e: {  	_ =	swait.ge [sflag:s24], $0x4000  }
0x14f: {  	[sflag:s24] =	ssyncset.done $0x0  }
0x150: {  	[sflag:s24] =	ssyncadd.s32 $0xFFFFC000  }
0x151: {  	[spmem:s7] =	stream.linear.scatter [tilespmem:s23], [sflag:$0x2], $0x4000, $0x38;
	[tilespmem:$0x1E4C0] =	vst v63  }
0x152: {  	_ =	swait.ge [sflag:s24], $0x4000  }
0x153: {  	[sflag:s24] =	ssyncset.done $0x0  }
0x154: {  	[sflag:s24] =	ssyncadd.s32 $0xFFFFC000  }
0x155: {  	[spmem:s8] =	stream.linear.scatter [tilespmem:s23], [sflag:$0x2], $0x4000, $0x38;
	[tilespmem:$0x1E4C0] =	vst v63  }
0x156: {  	_ =	swait.ge [sflag:s24], $0x4000  }
0x157: {  	[sflag:s24] =	ssyncset.done $0x0  }
0x158: {  	[sflag:s24] =	ssyncadd.s32 $0xFFFFC000  }
0x159: {  	[spmem:s18] =	stream.linear.scatter [tilespmem:s23], [sflag:$0x2], $0x800, $0x38;
	[tilespmem:$0x1E4C0] =	vst v63  }
0x15a: {  	_ =	swait.ge [sflag:s24], $0x800  }
0x15b: {  	[sflag:s24] =	ssyncset.done $0x0  }
0x15c: {  	[sflag:s24] =	ssyncadd.s32 $0xFFFFF800  }
0x15d: {  	[spmem:s9] =	stream.linear.scatter [tilespmem:s25], [sflag:$0x2], $0x1C0, $0x38;
	[tilespmem:$0x1E4C0] =	vst v63  }
0x15e: {  	_ =	swait.ge [sflag:s24], $0x1C0  }
0x15f: {  	[sflag:s24] =	ssyncset.done $0x0  }
0x160: {  	[sflag:s24] =	ssyncadd.s32 $0xFFFFFE40  }
0x161: {  	s16 =	simm.s32 $0x0;
	[bflag:$0x0] =	sbarrier.arrive $0xFFFF  }
0x162: {  	[tilespmem:s16], [sflag:$0x2] =	stream.linear.gather [hbm4b:s10+s16], $0x4C00, $0x38;
	[tilespmem:$0x1E4C0] =	vst v63  }
0x163: {  	_ =	swait.ge [sflag:s24], $0x4C00  }
0x164: {  	[sflag:s24] =	ssyncset.done $0x0  }
0x165: {  	[sflag:s24] =	ssyncadd.s32 $0xFFFFB400  }
0x166: {  	[tilespmem:s26], [sflag:$0x2] =	stream.linear.gather [hbm4b:s11+s16], $0x4C00, $0x38;
	[tilespmem:$0x1E4C0] =	vst v63  }
0x167: {  	_ =	swait.ge [sflag:s24], $0x4C00  }
0x168: {  	[sflag:s24] =	ssyncset.done $0x0  }
0x169: {  	v17 =	vimm.s32 $0x0;
	[sflag:s24] =	ssyncadd.s32 $0xFFFFB400  }
0x16a: {  	s17 =	simm.s32 $0x0;
	[tilespmem:$0x11A80] =	vst v17  }
0x16b: {  	v18 =	vld [tilespmem:s17+$0x4C00];
	_ =	sdelay $0x4  }
0x16c: {  	vm0 =	vge.s32 v18, v2;
	vm1 =	vlt.s32 v18, v3  }
0x16d: {  	vm0 =	vmand vm0, vm1  }
0x16e: {  	v19 =	vsel vm0, $0x1, v8  }
0x16f: {  	(xrf0) =	vadd.scan.msk.s32 $0xffff, v19;
	_ =	sdelay $0x5  }
0x170: {  	v19, _, _ =	vpop (xrf0)  }
0x171: {  	v19 =	vadd.s32 v19, v17  }
0x172: {  	v20 =	vld [tilespmem:s17+$0x0];
	v19 =	vadd.s32 $0xFFFFFFFF, v19;
	_ =	sdelay $0x3  }
0x173: {  	v21 =	vmpcnt.ones.xlane vm0  }
0x174: {  	v18 =	vsub.s32 v18, v2;
	[tilespmem:v19+s5+$0x0] =	vst.idx.msk vm0, v20  }
0x175: {  	s15 =	simm.s32 $0x80;
	s14 =	simm.s32 $0x40;
	v17 =	vadd.s32 v17, v21;
	[tilespmem:v19+s26+$0x0] =	vst.idx.msk vm0, v18  }
.LBB2_14:
0x176: {  	p1 =	sne.s32 s15, $0x12FC0  }
0x177: {  	s16 =	sshra.s32 s14, $0x2;
	[tilespmem:$0x11A80] =	vst v17;
	s14 =	smov.u32 s15;
	s15 =	sadd.s32 $0x40, s15  }
0x178: {  	v18 =	vld [tilespmem:s16+$0x4C00];
	_ =	sdelay $0x4  }
0x179: {  	vm0 =	vge.s32 v18, v2;
	vm1 =	vlt.s32 v18, v3  }
0x17a: {  	vm0 =	vmand vm0, vm1  }
0x17b: {  	v19 =	vsel vm0, $0x1, v8;
	v20 =	vmpcnt.ones.xlane vm0  }
0x17c: {  	(xrf0) =	vadd.scan.msk.s32 $0xffff, v19;
	_ =	sdelay $0x5  }
0x17d: {  	v19, _, _ =	vpop (xrf0)  }
0x17e: {  	v19 =	vadd.s32 v19, v17  }
0x17f: {  	v21 =	vld [tilespmem:s16+$0x0];
	v19 =	vadd.s32 $0xFFFFFFFF, v19;
	_ =	sdelay $0x1  }
.Ltmp9:
0x180: {  	(pc) =	sbr.rel @p1 .LBB2_14-.Ltmp9, $3  }
0x181: {  	_ =	sdelay $0x1  }
0x182: {  	v18 =	vsub.s32 v18, v2;
	[tilespmem:v19+s5+$0x0] =	vst.idx.msk vm0, v21  }
0x183: {  	v17 =	vadd.s32 v17, v20;
	[tilespmem:v19+s26+$0x0] =	vst.idx.msk vm0, v18  }
0x184: {  	s14 =	sshra.s32 s14, $0x2;
	[tilespmem:$0x11A80] =	vst v17  }
0x185: {  	v18 =	vld [tilespmem:s14+$0x4C00];
	_ =	sdelay $0x4  }
0x186: {  	vm0 =	vge.s32 v18, v2;
	vm1 =	vlt.s32 v18, v3  }
0x187: {  	vm0 =	vmand vm0, vm1  }
0x188: {  	v19 =	vsel vm0, $0x1, v8  }
0x189: {  	(xrf0) =	vadd.scan.msk.s32 $0xffff, v19;
	_ =	sdelay $0x4  }
0x18a: {  	v19 =	vmpcnt.ones.xlane vm0  }
0x18b: {  	v20, _, _ =	vpop (xrf0)  }
0x18c: {  	v20 =	vadd.s32 v20, v17;
	v17 =	vadd.s32 v17, v19  }
0x18d: {  	v19 =	vld [tilespmem:s14+$0x0];
	v20 =	vadd.s32 $0xFFFFFFFF, v20;
	v21 =	vadd.s32 $0x7F, v17  }
0x18e: {  	v22 =	vadd.s32 v7, v17;
	v21 =	vand.u32 $0xFFFFFF80, v21  }
0x18f: {  	vm10 =	vlt.s32 v22, v21  }
0x190: {  	v23 =	vadd.s32 v10, v17  }
0x191: {  	vm2 =	vlt.s32 v23, v21  }
0x192: {  	v18 =	vsub.s32 v18, v2;
	[tilespmem:v20+s5+$0x0] =	vst.idx.msk vm0, v19;
	v19 =	vadd.s32 v11, v17  }
0x193: {  	[tilespmem:v20+s26+$0x0] =	vst.idx.msk vm0, v18;
	vm11 =	vlt.s32 v19, v21  }
0x194: {  	s14 =	simm.s32 $0x0;
	v18 =	vadd.s32 v12, v17;
	[tilespmem:$0x11A80] =	vst v17  }
0x195: {  	s15 =	simm.s32 $0x4C00;
	vm3 =	vlt.s32 v18, v21;
	[tilespmem:v22+s14+$0x0] =	vst.idx.msk vm10, v8  }
0x196: {  	v62 =	vadd.s32 v13, v17;
	[tilespmem:v22+s15+$0x0] =	vst.idx.msk vm10, v9  }
0x197: {  	vm12 =	vlt.s32 v62, v21;
	[tilespmem:v23+s14+$0x0] =	vst.idx.msk vm2, v8  }
0x198: {  	v63 =	vadd.s32 v14, v17;
	[tilespmem:v23+s15+$0x0] =	vst.idx.msk vm2, v9  }
0x199: {  	vm13 =	vlt.s32 v63, v21;
	[tilespmem:v19+s14+$0x0] =	vst.idx.msk vm11, v8  }
0x19a: {  	[tilespmem:v19+s15+$0x0] =	vst.idx.msk vm11, v9;
	v19 =	vadd.s32 v15, v17  }
0x19b: {  	[tilespmem:v18+s14+$0x0] =	vst.idx.msk vm3, v8;
	vm14 =	vlt.s32 v19, v21  }
0x19c: {  	v17 =	vadd.s32 v16, v17;
	[tilespmem:v18+s15+$0x0] =	vst.idx.msk vm3, v9  }
0x19d: {  	vm15 =	vlt.s32 v17, v21;
	[tilespmem:v62+s14+$0x0] =	vst.idx.msk vm12, v8  }
0x19e: {  	[tilespmem:v62+s15+$0x0] =	vst.idx.msk vm12, v9  }
0x19f: {  	[tilespmem:v63+s14+$0x0] =	vst.idx.msk vm13, v8  }
0x1a0: {  	[tilespmem:v63+s15+$0x0] =	vst.idx.msk vm13, v9  }
0x1a1: {  	[tilespmem:v19+s14+$0x0] =	vst.idx.msk vm14, v8  }
0x1a2: {  	[tilespmem:v19+s15+$0x0] =	vst.idx.msk vm14, v9  }
0x1a3: {  	[tilespmem:v17+s14+$0x0] =	vst.idx.msk vm15, v8  }
0x1a4: {  	s16 =	simm.s32 $0x0;
	[tilespmem:v17+s15+$0x0] =	vst.idx.msk vm15, v9  }
.LBB2_16:
0x1a5: {  	v17 =	vld [tilespmem:$0x11A80];
	_ =	sdelay $0x4  }
0x1a6: {  	v17 =	vadd.s32 $0x7F, v17  }
0x1a7: {  	v18 =	vmov s16;
	v17 =	vshra.s32 v17, $0x7  }
0x1a8: {  	vm0 =	vlt.s32 v18, v17  }
0x1a9: {  	v17 =	vsel vm0, $0x3F800000, v6  }
0x1aa: {  	(xrf0) =	vmax.scan.msk.f32 $0xffff, v17;
	_ =	sdelay $0x5  }
0x1ab: {  	v17, _, _ =	vpop (xrf0)  }
0x1ac: {  	(v2sf) =	vpush v17, $0xF;
	_ =	sdelay $0xe  }
0x1ad: {  	s17 =	spop (v2sf)  }
0x1ae: {  	p1 =	sgt.f32 s17, $0.0e+00  }
.Ltmp10:
0x1af: {  	_ = 	snop;
	(pc) =	sbr.rel @!p1 .LBB2_18-.Ltmp10, $1  }
0x1b0: {  	_ =	sdelay $0x3  }
0x1b1: {  	[tilespmem:s29], [sflag:$0x1] =	stream.indirect.gather [hbm4b:s1+s28], $0x80, s14, s28, $0xb8;
	[tilespmem:$0x1E4C0] =	vst v63  }
0x1b2: {  	_ =	swait.ge [sflag:s30], $0x4000  }
0x1b3: {  	[sflag:s30] =	ssyncset.done $0x0  }
0x1b4: {  	[sflag:s30] =	ssyncadd.s32 $0xFFFFC000  }
0x1b5: {  	[spmem:s2] =	stream.indirect.scatter.add.f32 [tilespmem:s29], [sflag:$0x2], $0x80, s15, s28, $0xb8;
	[tilespmem:$0x1E4C0] =	vst v63  }
0x1b6: {  	_ =	swait.ge [sflag:s24], $0x4000  }
0x1b7: {  	[sflag:s24] =	ssyncset.done $0x0  }
.Ltmp11:
0x1b8: {  	[sflag:s24] =	ssyncadd.s32 $0xFFFFC000;
	(pc) =	sbr.rel .LBB2_16-.Ltmp11, $4  }
0x1b9: {  	[spmem:s3] =	stream.indirect.scatter.add.f32 [tilespmem:s31], [sflag:$0x2], $0x1, s15, s28, $0xb8;
	[tilespmem:$0x1E4C0] =	vst v63  }
0x1ba: {  	_ =	swait.ge [sflag:s24], $0x80  }
0x1bb: {  	s16 =	sadd.s32 $0x1, s16;
	[sflag:s24] =	ssyncset.done $0x0  }
0x1bc: {  	s14 =	sadd.s32 $0x80, s14;
	s15 =	sadd.s32 $0x80, s15;
	[sflag:s24] =	ssyncadd.s32 $0xFFFFFF80  }
.LBB2_18:
0x1bd: {  	[bflag:$0x0] =	sbarrier.arrive $0xFFFF  }
0x1be: {  	s14 =	rddreg [dreg:$0xb]  }
0x1bf: {  	[hbm:s14], [sflag:s4] =	dma.local [spmem:s12], $0x1880  }
0x1c0: {  	_ =	swait.ge [sflag:s24], $0x1880  }
0x1c1: {  	[sflag:s24] =	ssyncset.done $0x0  }
0x1c2: {  	s14 =	simm.s32 @!p0 $0x2;
	[sflag:s24] =	ssyncadd.s32 $0xFFFFE780  }
0x1c3: {  	[hbm:s19], [sflag:s4] =	dma.local @!p0 [spmem:s13], $0x310  }
0x1c4: {  	_ =	swait.ge @!p0 [sflag:s14], $0x310  }
0x1c5: {  	[sflag:s14] =	ssyncset.done @!p0 $0x0  }
0x1c6: {  	[sflag:s14] =	ssyncadd.s32 @!p0 $0xFFFFFCF0  }
0x1c7: {  	[bflag:$0x0] =	sbarrier.arrive $0xFFFF  }
0x1c8: {  	[spmem:s6] =	stream.linear.scatter [tilespmem:s23], [sflag:$0x2], $0x4000, $0x38;
	[tilespmem:$0x1E4C0] =	vst v63  }
0x1c9: {  	_ =	swait.ge [sflag:s24], $0x4000  }
0x1ca: {  	[sflag:s24] =	ssyncset.done $0x0  }
0x1cb: {  	[sflag:s24] =	ssyncadd.s32 $0xFFFFC000  }
0x1cc: {  	[spmem:s7] =	stream.linear.scatter [tilespmem:s23], [sflag:$0x2], $0x4000, $0x38;
	[tilespmem:$0x1E4C0] =	vst v63  }
0x1cd: {  	_ =	swait.ge [sflag:s24], $0x4000  }
0x1ce: {  	[sflag:s24] =	ssyncset.done $0x0  }
0x1cf: {  	[sflag:s24] =	ssyncadd.s32 $0xFFFFC000  }
0x1d0: {  	[spmem:s8] =	stream.linear.scatter [tilespmem:s23], [sflag:$0x2], $0x4000, $0x38;
	[tilespmem:$0x1E4C0] =	vst v63  }
0x1d1: {  	_ =	swait.ge [sflag:s24], $0x4000  }
0x1d2: {  	[sflag:s24] =	ssyncset.done $0x0  }
0x1d3: {  	[sflag:s24] =	ssyncadd.s32 $0xFFFFC000  }
0x1d4: {  	[spmem:s18] =	stream.linear.scatter [tilespmem:s23], [sflag:$0x2], $0x800, $0x38;
	[tilespmem:$0x1E4C0] =	vst v63  }
0x1d5: {  	_ =	swait.ge [sflag:s24], $0x800  }
0x1d6: {  	[sflag:s24] =	ssyncset.done $0x0  }
0x1d7: {  	[sflag:s24] =	ssyncadd.s32 $0xFFFFF800  }
0x1d8: {  	[spmem:s9] =	stream.linear.scatter [tilespmem:s25], [sflag:$0x2], $0x1C0, $0x38;
	[tilespmem:$0x1E4C0] =	vst v63  }
0x1d9: {  	_ =	swait.ge [sflag:s24], $0x1C0  }
0x1da: {  	[sflag:s24] =	ssyncset.done $0x0  }
0x1db: {  	[sflag:s24] =	ssyncadd.s32 $0xFFFFFE40  }
0x1dc: {  	s16 =	simm.s32 $0x0;
	[bflag:$0x0] =	sbarrier.arrive $0xFFFF  }
0x1dd: {  	[tilespmem:s16], [sflag:$0x2] =	stream.linear.gather [hbm4b:s10+s16], $0x4C00, $0x38;
	[tilespmem:$0x1E4C0] =	vst v63  }
0x1de: {  	_ =	swait.ge [sflag:s24], $0x4C00  }
0x1df: {  	[sflag:s24] =	ssyncset.done $0x0  }
0x1e0: {  	[sflag:s24] =	ssyncadd.s32 $0xFFFFB400  }
0x1e1: {  	[tilespmem:s26], [sflag:$0x2] =	stream.linear.gather [hbm4b:s11+s16], $0x4C00, $0x38;
	[tilespmem:$0x1E4C0] =	vst v63  }
0x1e2: {  	_ =	swait.ge [sflag:s24], $0x4C00  }
0x1e3: {  	[sflag:s24] =	ssyncset.done $0x0  }
0x1e4: {  	v17 =	vimm.s32 $0x0;
	[sflag:s24] =	ssyncadd.s32 $0xFFFFB400  }
0x1e5: {  	s17 =	simm.s32 $0x0;
	[tilespmem:$0x11A80] =	vst v17  }
0x1e6: {  	v18 =	vld [tilespmem:s17+$0x4C00];
	_ =	sdelay $0x4  }
0x1e7: {  	vm0 =	vge.s32 v18, v3;
	vm1 =	vlt.s32 v18, v4  }
0x1e8: {  	vm0 =	vmand vm0, vm1  }
0x1e9: {  	v19 =	vsel vm0, $0x1, v8  }
0x1ea: {  	(xrf0) =	vadd.scan.msk.s32 $0xffff, v19;
	_ =	sdelay $0x5  }
0x1eb: {  	v19, _, _ =	vpop (xrf0)  }
0x1ec: {  	v19 =	vadd.s32 v19, v17  }
0x1ed: {  	v20 =	vld [tilespmem:s17+$0x0];
	v19 =	vadd.s32 $0xFFFFFFFF, v19;
	_ =	sdelay $0x3  }
0x1ee: {  	v21 =	vmpcnt.ones.xlane vm0  }
0x1ef: {  	v18 =	vsub.s32 v18, v3;
	[tilespmem:v19+s5+$0x0] =	vst.idx.msk vm0, v20  }
0x1f0: {  	s15 =	simm.s32 $0x80;
	s14 =	simm.s32 $0x40;
	v17 =	vadd.s32 v17, v21;
	[tilespmem:v19+s26+$0x0] =	vst.idx.msk vm0, v18  }
.LBB2_19:
0x1f1: {  	p1 =	sne.s32 s15, $0x12FC0  }
0x1f2: {  	s16 =	sshra.s32 s14, $0x2;
	[tilespmem:$0x11A80] =	vst v17;
	s14 =	smov.u32 s15;
	s15 =	sadd.s32 $0x40, s15  }
0x1f3: {  	v18 =	vld [tilespmem:s16+$0x4C00];
	_ =	sdelay $0x4  }
0x1f4: {  	vm0 =	vge.s32 v18, v3;
	vm1 =	vlt.s32 v18, v4  }
0x1f5: {  	vm0 =	vmand vm0, vm1  }
0x1f6: {  	v19 =	vsel vm0, $0x1, v8;
	v20 =	vmpcnt.ones.xlane vm0  }
0x1f7: {  	(xrf0) =	vadd.scan.msk.s32 $0xffff, v19;
	_ =	sdelay $0x5  }
0x1f8: {  	v19, _, _ =	vpop (xrf0)  }
0x1f9: {  	v19 =	vadd.s32 v19, v17  }
0x1fa: {  	v21 =	vld [tilespmem:s16+$0x0];
	v19 =	vadd.s32 $0xFFFFFFFF, v19;
	_ =	sdelay $0x1  }
.Ltmp12:
0x1fb: {  	(pc) =	sbr.rel @p1 .LBB2_19-.Ltmp12, $3  }
0x1fc: {  	_ =	sdelay $0x1  }
0x1fd: {  	v18 =	vsub.s32 v18, v3;
	[tilespmem:v19+s5+$0x0] =	vst.idx.msk vm0, v21  }
0x1fe: {  	v17 =	vadd.s32 v17, v20;
	[tilespmem:v19+s26+$0x0] =	vst.idx.msk vm0, v18  }
0x1ff: {  	s14 =	sshra.s32 s14, $0x2;
	[tilespmem:$0x11A80] =	vst v17  }
0x200: {  	v18 =	vld [tilespmem:s14+$0x4C00];
	_ =	sdelay $0x4  }
0x201: {  	vm0 =	vge.s32 v18, v3;
	vm1 =	vlt.s32 v18, v4  }
0x202: {  	vm0 =	vmand vm0, vm1  }
0x203: {  	v19 =	vsel vm0, $0x1, v8  }
0x204: {  	(xrf0) =	vadd.scan.msk.s32 $0xffff, v19;
	_ =	sdelay $0x4  }
0x205: {  	v19 =	vmpcnt.ones.xlane vm0  }
0x206: {  	v20, _, _ =	vpop (xrf0)  }
0x207: {  	v20 =	vadd.s32 v20, v17;
	v17 =	vadd.s32 v17, v19  }
0x208: {  	v19 =	vld [tilespmem:s14+$0x0];
	v20 =	vadd.s32 $0xFFFFFFFF, v20;
	v21 =	vadd.s32 $0x7F, v17  }
0x209: {  	v22 =	vadd.s32 v7, v17;
	v21 =	vand.u32 $0xFFFFFF80, v21  }
0x20a: {  	vm10 =	vlt.s32 v22, v21  }
0x20b: {  	v23 =	vadd.s32 v10, v17  }
0x20c: {  	vm2 =	vlt.s32 v23, v21  }
0x20d: {  	v18 =	vsub.s32 v18, v3;
	[tilespmem:v20+s5+$0x0] =	vst.idx.msk vm0, v19;
	v19 =	vadd.s32 v11, v17  }
0x20e: {  	[tilespmem:v20+s26+$0x0] =	vst.idx.msk vm0, v18;
	vm11 =	vlt.s32 v19, v21  }
0x20f: {  	s14 =	simm.s32 $0x0;
	v18 =	vadd.s32 v12, v17;
	[tilespmem:$0x11A80] =	vst v17  }
0x210: {  	s15 =	simm.s32 $0x4C00;
	vm3 =	vlt.s32 v18, v21;
	[tilespmem:v22+s14+$0x0] =	vst.idx.msk vm10, v8  }
0x211: {  	v62 =	vadd.s32 v13, v17;
	[tilespmem:v22+s15+$0x0] =	vst.idx.msk vm10, v9  }
0x212: {  	vm12 =	vlt.s32 v62, v21;
	[tilespmem:v23+s14+$0x0] =	vst.idx.msk vm2, v8  }
0x213: {  	v63 =	vadd.s32 v14, v17;
	[tilespmem:v23+s15+$0x0] =	vst.idx.msk vm2, v9  }
0x214: {  	vm13 =	vlt.s32 v63, v21;
	[tilespmem:v19+s14+$0x0] =	vst.idx.msk vm11, v8  }
0x215: {  	[tilespmem:v19+s15+$0x0] =	vst.idx.msk vm11, v9;
	v19 =	vadd.s32 v15, v17  }
0x216: {  	[tilespmem:v18+s14+$0x0] =	vst.idx.msk vm3, v8;
	vm14 =	vlt.s32 v19, v21  }
0x217: {  	v17 =	vadd.s32 v16, v17;
	[tilespmem:v18+s15+$0x0] =	vst.idx.msk vm3, v9  }
0x218: {  	vm15 =	vlt.s32 v17, v21;
	[tilespmem:v62+s14+$0x0] =	vst.idx.msk vm12, v8  }
0x219: {  	[tilespmem:v62+s15+$0x0] =	vst.idx.msk vm12, v9  }
0x21a: {  	[tilespmem:v63+s14+$0x0] =	vst.idx.msk vm13, v8  }
0x21b: {  	[tilespmem:v63+s15+$0x0] =	vst.idx.msk vm13, v9  }
0x21c: {  	[tilespmem:v19+s14+$0x0] =	vst.idx.msk vm14, v8  }
0x21d: {  	[tilespmem:v19+s15+$0x0] =	vst.idx.msk vm14, v9  }
0x21e: {  	[tilespmem:v17+s14+$0x0] =	vst.idx.msk vm15, v8  }
0x21f: {  	s16 =	simm.s32 $0x0;
	[tilespmem:v17+s15+$0x0] =	vst.idx.msk vm15, v9  }
.LBB2_21:
0x220: {  	v17 =	vld [tilespmem:$0x11A80];
	_ =	sdelay $0x4  }
0x221: {  	v17 =	vadd.s32 $0x7F, v17  }
0x222: {  	v18 =	vmov s16;
	v17 =	vshra.s32 v17, $0x7  }
0x223: {  	vm0 =	vlt.s32 v18, v17  }
0x224: {  	v17 =	vsel vm0, $0x3F800000, v6  }
0x225: {  	(xrf0) =	vmax.scan.msk.f32 $0xffff, v17;
	_ =	sdelay $0x5  }
0x226: {  	v17, _, _ =	vpop (xrf0)  }
0x227: {  	(v2sf) =	vpush v17, $0xF;
	_ =	sdelay $0xe  }
0x228: {  	s17 =	spop (v2sf)  }
0x229: {  	p1 =	sgt.f32 s17, $0.0e+00  }
.Ltmp13:
0x22a: {  	_ = 	snop;
	(pc) =	sbr.rel @!p1 .LBB2_23-.Ltmp13, $1  }
0x22b: {  	_ =	sdelay $0x3  }
0x22c: {  	[tilespmem:s29], [sflag:$0x1] =	stream.indirect.gather [hbm4b:s1+s28], $0x80, s14, s28, $0xb8;
	[tilespmem:$0x1E4C0] =	vst v63  }
0x22d: {  	_ =	swait.ge [sflag:s30], $0x4000  }
0x22e: {  	[sflag:s30] =	ssyncset.done $0x0  }
0x22f: {  	[sflag:s30] =	ssyncadd.s32 $0xFFFFC000  }
0x230: {  	[spmem:s2] =	stream.indirect.scatter.add.f32 [tilespmem:s29], [sflag:$0x2], $0x80, s15, s28, $0xb8;
	[tilespmem:$0x1E4C0] =	vst v63  }
0x231: {  	_ =	swait.ge [sflag:s24], $0x4000  }
0x232: {  	[sflag:s24] =	ssyncset.done $0x0  }
.Ltmp14:
0x233: {  	[sflag:s24] =	ssyncadd.s32 $0xFFFFC000;
	(pc) =	sbr.rel .LBB2_21-.Ltmp14, $4  }
0x234: {  	[spmem:s3] =	stream.indirect.scatter.add.f32 [tilespmem:s31], [sflag:$0x2], $0x1, s15, s28, $0xb8;
	[tilespmem:$0x1E4C0] =	vst v63  }
0x235: {  	_ =	swait.ge [sflag:s24], $0x80  }
0x236: {  	s16 =	sadd.s32 $0x1, s16;
	[sflag:s24] =	ssyncset.done $0x0  }
0x237: {  	s14 =	sadd.s32 $0x80, s14;
	s15 =	sadd.s32 $0x80, s15;
	[sflag:s24] =	ssyncadd.s32 $0xFFFFFF80  }
.LBB2_24:
0x238: {  	_ =	sfence.sel $0x180000  }
0x239: {  	[bflag:$0x0] =	sbarrier.arrive $0xFFFF  }
0x23a: {  	_ =	strace $0x90000047  }
0x23b: {  	[bflag:$0x2] =	sbarrier.arrive $0xFFFF  }
0x23c: {  	s0 =	rddreg [dreg:$0x5]  }
0x23d: {  	s0 =	sadd.s32 @!p0 $0x100000, s0  }
0x23e: {  	[sflag:s0] =	ssyncadd.tile.s32 @!p0 $0x1;
	_ =	shalt  }
.Lfunc_end2:
_tile_overlayer_lowered:
.L_overlay_start_2:
0x23f: {  	(tag) =	ssettag $0x2  }
0x240: {  	s0 =	rddreg [dreg:$0x0];
	s2 =	stileid.u32  }
0x241: {  	s1 =	rddreg [dreg:$0x1];
	p0 =	sne.s32 s2, $0x0  }
0x242: {  	s3 =	rddreg [dreg:$0x2];
	[bflag:$0x3] =	sbarrier.arrive $0xFFFF;
	s2 =	simm.s32 @!p0 $0x1C02  }
0x243: {  	[timem:s3], [sflag:s2] =	dma.local @!p0 [hbm:s0], s1  }
0x244: {  	s0 =	simm.s32 @!p0 $0x2  }
0x245: {  	_ =	swait.ge @!p0 [sflag:s0], s1  }
0x246: {  	s1 =	ssub.s32 @!p0 $0x0, s1;
	[sflag:s0] =	ssyncset.done @!p0 $0x0  }
0x247: {  	[sflag:s0] =	ssyncadd.s32 @!p0 s1  }
0x248: {  	[bflag:$0x3] =	sbarrier.arrive $0xFFFF  }
0x249: {  	_ =	shalt  }

</sc_bundles>
